<compile_context>
chip_gen: v7x
topology: tpu7x:2x2x1
jax: 0.10.2.dev20260603
libtpu: 0.0.44.dev20260713+nightly
codegen_flags: <defaults>
</compile_context>

<pallas_src>
import functools

import jax
import jax.numpy as jnp
from jax import lax
from jax.experimental import pallas as pl
from jax.experimental.pallas import tpu as pltpu
from jax.experimental.pallas import tpu_sc as plsc

N_ROWS = 1000000
N_COLS = 64
N_UPD = 16384

NW = 32
RB = 31248
REM = N_ROWS - NW * RB
L = 16
NVEC = N_UPD // L
CAP = 2048
FL = 64
CP = 496

_mesh = plsc.VectorSubcoreMesh(core_axis_name="c", subcore_axis_name="s")


@functools.partial(
    pl.kernel,
    out_type=jax.ShapeDtypeStruct((N_ROWS, N_COLS), jnp.float32),
    mesh=_mesh,
    scratch_types=[
        pltpu.VMEM((N_UPD,), jnp.int32),
        pltpu.VMEM((RB + REM,), jnp.int32),
        pltpu.VMEM((CAP + L,), jnp.int32),
        pltpu.VMEM((CAP + L,), jnp.int32),
        pltpu.VMEM((CP, N_COLS), jnp.float32),
        pltpu.VMEM((CP, N_COLS), jnp.float32),
        pltpu.SemaphoreType.DMA,
        pltpu.SemaphoreType.DMA,
        pltpu.SemaphoreType.DMA,
        pltpu.SemaphoreType.DMA,
    ],
    compiler_params=pltpu.CompilerParams(
        needs_layout_passes=False, use_tc_tiling_on_sc=False),
)
def _sc_scatter(data_hbm, idx_hbm, upd_hbm, out_hbm,
                idxv, tagv, winsrc, wintgt, cpbuf0, cpbuf1,
                sem_a, sem_b, sem_c, sem_d):
    c = lax.axis_index("c")
    s = lax.axis_index("s")
    wid = c * 16 + s
    base = wid * RB
    hi = base + RB + jnp.where(wid == NW - 1, REM, 0)

    def copy_pair(q, carry):
        r0 = base + q * (2 * CP)
        f0 = pltpu.async_copy(data_hbm.at[pl.ds(r0, CP)], cpbuf0, sem_a)
        f1 = pltpu.async_copy(data_hbm.at[pl.ds(r0 + CP, CP)], cpbuf1, sem_b)
        f0.wait()
        p0 = pltpu.async_copy(cpbuf0, out_hbm.at[pl.ds(r0, CP)], sem_c)
        f1.wait()
        p1 = pltpu.async_copy(cpbuf1, out_hbm.at[pl.ds(r0 + CP, CP)], sem_d)
        p0.wait()
        p1.wait()
        return carry

    lax.fori_loop(0, RB // (2 * CP), copy_pair, 0)

    pltpu.sync_copy(data_hbm.at[pl.ds(base + RB - CP, CP)], cpbuf0)
    pltpu.sync_copy(cpbuf0, out_hbm.at[pl.ds(base + RB - CP, CP)])

    @pl.when(wid == NW - 1)
    def _copy_tail():
        pltpu.sync_copy(data_hbm.at[pl.ds(NW * RB, REM)],
                        cpbuf1.at[pl.ds(0, REM)])
        pltpu.sync_copy(cpbuf1.at[pl.ds(0, REM)],
                        out_hbm.at[pl.ds(NW * RB, REM)])

    pltpu.sync_copy(idx_hbm, idxv)
    lane = lax.iota(jnp.int32, L)

    def p1(k, carry):
        iv = idxv[pl.ds(k * L, L)]
        inr = (iv >= base) & (iv < hi)
        rel = jnp.where(inr, iv - base, 0)
        plsc.store_scatter(tagv, [rel], lane + k * L, mask=inr)
        return carry

    lax.fori_loop(0, NVEC, p1, 0)

    def p2(k, carry):
        n, w0, r0 = carry
        iv = idxv[pl.ds(k * L, L)]
        inr = (iv >= base) & (iv < hi)
        rel = jnp.where(inr, iv - base, 0)
        ivec = lane + k * L
        tw = plsc.load_gather(tagv, [rel], mask=inr)
        win = inr & (tw == ivec)
        wini = win.astype(jnp.int32)
        cnt = jnp.sum(wini)
        pos = n + plsc.cumsum(wini) - 1
        plsc.store_scatter(winsrc, [jnp.where(win, pos, 0)], ivec, mask=win)
        plsc.store_scatter(wintgt, [jnp.where(win, pos, 0)], iv, mask=win)
        wmax = jnp.max(jnp.where(win, ivec, -1))
        tmax = jnp.max(jnp.where(win & (ivec == wmax), iv, -1))
        w0 = jnp.where(cnt > 0, wmax, w0)
        r0 = jnp.where(cnt > 0, tmax, r0)
        return n + cnt, w0, r0

    n, w0, r0 = lax.fori_loop(0, NVEC, p2, (0, 0, base))

    nch = (n + FL - 1) // FL
    npad = nch * FL
    w0v = jnp.full((L,), w0, jnp.int32)
    r0v = jnp.full((L,), r0, jnp.int32)

    def padb(q, carry):
        p = n + q * L + lane
        m = p < npad
        plsc.store_scatter(winsrc, [jnp.where(m, p, 0)], w0v, mask=m)
        plsc.store_scatter(wintgt, [jnp.where(m, p, 0)], r0v, mask=m)
        return carry

    lax.fori_loop(0, (npad - n + L - 1) // L, padb, 0)

    def scb(q, carry):
        @pl.when(q < nch)
        def _do_chunk():
            descs = []
            for g in range(FL // L):
                wv = winsrc[pl.ds(q * FL + g * L, L)]
                tv = wintgt[pl.ds(q * FL + g * L, L)]
                for j in range(L):
                    descs.append(pltpu.async_copy(
                        upd_hbm.at[pl.ds(wv[j], 1)],
                        out_hbm.at[pl.ds(tv[j], 1)], sem_a))
            for d in descs:
                d.wait()
        return carry

    lax.fori_loop(0, CAP // FL, scb, 0)


def kernel(data, indices, updates):
    idx = indices.reshape(-1)
    return _sc_scatter(data, idx, updates)

# --- scband reference (transcript-rebuilt; emitter-appended) ---
"""Pipeline reference for scband-onnx-scatter-nd-59725815218386 (READ-ONLY COPY).

The authoritative reference and input builder live on the scoring server;
editing this copy changes nothing except your own understanding.
"""

import jax, jax.numpy as jnp
import numpy as np


def setup_inputs(seed: int = 0) -> dict:
    key = jax.random.key(seed)
    k1, k2, k3 = jax.random.split(key, 3)
    data = jax.random.normal(k1, (1000000, 64), dtype=jnp.float32)
    indices = jax.random.randint(k2, (16384, 1), 0, 1000000, dtype=jnp.int32)
    updates = jax.random.normal(k3, (16384, 64), dtype=jnp.float32)
    return {"data": data, "indices": indices, "updates": updates}


def reference(data, indices, updates):
    # ONNX ScatterND with index depth 1: for each idx over indices.shape[:-1],
    # output[indices[idx]] = updates[idx]  (overwrite semantics)
    idx = indices[:, 0]
    output = data.at[idx].set(updates)
    return output

if __name__ == "__main__":
    import jax
    _d = setup_inputs()
    print(jax.jit(kernel)(*tuple(_d.values())))

</pallas_src>

<mosaic_0001>
#map = affine_map<(d0, d1) -> (0, 0)>
#map1 = affine_map<(d0, d1) -> (0)>
module attributes {stable_mosaic.version = 14 : i64} {
  func.func @_sc_scatter(%arg0: i32, %arg1: i32, %arg2: memref<1000000x64xf32, #tpu.memory_space<hbm>>, %arg3: memref<16384xi32, #tpu.memory_space<hbm>>, %arg4: memref<16384x64xf32, #tpu.memory_space<hbm>>, %arg5: memref<1000000x64xf32, #tpu.memory_space<hbm>>, %arg6: memref<16384xi32, #tpu.memory_space<vmem>>, %arg7: memref<31312xi32, #tpu.memory_space<vmem>>, %arg8: memref<2064xi32, #tpu.memory_space<vmem>>, %arg9: memref<2064xi32, #tpu.memory_space<vmem>>, %arg10: memref<496x64xf32, #tpu.memory_space<vmem>>, %arg11: memref<496x64xf32, #tpu.memory_space<vmem>>, %arg12: memref<!tpu.dma_semaphore, #tpu.memory_space<semaphore_mem>>, %arg13: memref<!tpu.dma_semaphore, #tpu.memory_space<semaphore_mem>>, %arg14: memref<!tpu.dma_semaphore, #tpu.memory_space<semaphore_mem>>, %arg15: memref<!tpu.dma_semaphore, #tpu.memory_space<semaphore_mem>>) attributes {dimension_semantics = [#tpu.dimension_semantics<core_parallel>, #tpu.dimension_semantics<subcore_parallel>], iteration_bounds = array<i64: 2, 16>, scalar_prefetch = 0 : i64, scratch_operands = 10 : i64, tpu.core_type = #tpu.core_type<sc_vector_subcore>, window_params = [{transform_indices = #map}, {transform_indices = #map1}, {transform_indices = #map}, {transform_indices = #map}]} {
    %mul3A = arith.constant 16 : i32
    %mul3A_0 = arith.muli %arg0, %mul3A : i32
    %add3A = arith.addi %mul3A_0, %arg1 : i32
    %mul3A_1 = arith.constant 31248 : i32
    %mul3A_2 = arith.muli %add3A, %mul3A_1 : i32
    %add3A_3 = arith.constant 31248 : i32
    %add3A_4 = arith.addi %mul3A_2, %add3A_3 : i32
    %eq3A = arith.constant 31 : i32
    %eq3A_5 = arith.cmpi eq, %add3A, %eq3A : i32
    %jit3A = arith.constant 64 : i32
    %jit3A_6 = arith.constant 0 : i32
    %select_n3A = arith.select %eq3A_5, %jit3A, %jit3A_6 : i32
    %add3A_7 = arith.addi %add3A_4, %select_n3A : i32
    %scan3A = arith.constant 0 : i32
    %scan3A_8 = arith.constant 0 : i32
    %scan3A_9 = arith.constant 31 : i32
    %scan3A_10 = arith.addi %scan3A_8, %scan3A_9 : i32
    %scan3A_11 = arith.constant 1 : i32
    scf.for %scan3A_107 = %scan3A_8 to %scan3A_10 step %scan3A_11  : i32 {
      %mul3A_108 = arith.constant 992 : i32
      %mul3A_109 = arith.muli %scan3A_107, %mul3A_108 : i32
      %add3A_110 = arith.addi %mul3A_2, %mul3A_109 : i32
      %dma_start3A = arith.constant 0 : i32
      %dma_start3A_111 = tpu.memref_slice %arg2[%add3A_110, %dma_start3A] : memref<1000000x64xf32, #tpu.memory_space<hbm>> -> memref<496x64xf32, #tpu.memory_space<hbm>>
      %dma_start3A_112 = arith.constant 0 : i32
      %dma_start3A_113 = tpu.memref_slice %arg2[%add3A_110, %dma_start3A_112] : memref<1000000x64xf32, #tpu.memory_space<hbm>> -> memref<496x64xf32, #tpu.memory_space<hbm>>
      tpu.enqueue_dma source(%dma_start3A_113 : memref<496x64xf32, #tpu.memory_space<hbm>>) target(%arg10 : memref<496x64xf32, #tpu.memory_space<vmem>>) target_semaphore(%arg12 : memref<!tpu.dma_semaphore, #tpu.memory_space<semaphore_mem>>)
      %add3A_114 = arith.constant 496 : i32
      %add3A_115 = arith.addi %add3A_110, %add3A_114 : i32
      %dma_start3A_116 = arith.constant 0 : i32
      %dma_start3A_117 = tpu.memref_slice %arg2[%add3A_115, %dma_start3A_116] : memref<1000000x64xf32, #tpu.memory_space<hbm>> -> memref<496x64xf32, #tpu.memory_space<hbm>>
      %dma_start3A_118 = arith.constant 0 : i32
      %dma_start3A_119 = tpu.memref_slice %arg2[%add3A_115, %dma_start3A_118] : memref<1000000x64xf32, #tpu.memory_space<hbm>> -> memref<496x64xf32, #tpu.memory_space<hbm>>
      tpu.enqueue_dma source(%dma_start3A_119 : memref<496x64xf32, #tpu.memory_space<hbm>>) target(%arg11 : memref<496x64xf32, #tpu.memory_space<vmem>>) target_semaphore(%arg13 : memref<!tpu.dma_semaphore, #tpu.memory_space<semaphore_mem>>)
      %dma_wait3A = arith.constant 0 : i32
      %dma_wait3A_120 = tpu.memref_slice %arg2[%add3A_110, %dma_wait3A] : memref<1000000x64xf32, #tpu.memory_space<hbm>> -> memref<496x64xf32, #tpu.memory_space<hbm>>
      %dma_wait3A_121 = arith.constant 0 : i32
      %dma_wait3A_122 = tpu.memref_slice %arg2[%add3A_110, %dma_wait3A_121] : memref<1000000x64xf32, #tpu.memory_space<hbm>> -> memref<496x64xf32, #tpu.memory_space<hbm>>
      tpu.wait_dma2 semaphore(%arg12 : memref<!tpu.dma_semaphore, #tpu.memory_space<semaphore_mem>>) src(%dma_wait3A_122 : memref<496x64xf32, #tpu.memory_space<hbm>>) dst(%arg10 : memref<496x64xf32, #tpu.memory_space<vmem>>)
      %dma_start3A_123 = arith.constant 0 : i32
      %dma_start3A_124 = tpu.memref_slice %arg5[%add3A_110, %dma_start3A_123] : memref<1000000x64xf32, #tpu.memory_space<hbm>> -> memref<496x64xf32, #tpu.memory_space<hbm>>
      %dma_start3A_125 = arith.constant 0 : i32
      %dma_start3A_126 = tpu.memref_slice %arg5[%add3A_110, %dma_start3A_125] : memref<1000000x64xf32, #tpu.memory_space<hbm>> -> memref<496x64xf32, #tpu.memory_space<hbm>>
      tpu.enqueue_dma source(%arg10 : memref<496x64xf32, #tpu.memory_space<vmem>>) target(%dma_start3A_126 : memref<496x64xf32, #tpu.memory_space<hbm>>) target_semaphore(%arg14 : memref<!tpu.dma_semaphore, #tpu.memory_space<semaphore_mem>>)
      %dma_wait3A_127 = arith.constant 0 : i32
      %dma_wait3A_128 = tpu.memref_slice %arg2[%add3A_115, %dma_wait3A_127] : memref<1000000x64xf32, #tpu.memory_space<hbm>> -> memref<496x64xf32, #tpu.memory_space<hbm>>
      %dma_wait3A_129 = arith.constant 0 : i32
      %dma_wait3A_130 = tpu.memref_slice %arg2[%add3A_115, %dma_wait3A_129] : memref<1000000x64xf32, #tpu.memory_space<hbm>> -> memref<496x64xf32, #tpu.memory_space<hbm>>
      tpu.wait_dma2 semaphore(%arg13 : memref<!tpu.dma_semaphore, #tpu.memory_space<semaphore_mem>>) src(%dma_wait3A_130 : memref<496x64xf32, #tpu.memory_space<hbm>>) dst(%arg11 : memref<496x64xf32, #tpu.memory_space<vmem>>)
      %add3A_131 = arith.constant 496 : i32
      %add3A_132 = arith.addi %add3A_110, %add3A_131 : i32
      %dma_start3A_133 = arith.constant 0 : i32
      %dma_start3A_134 = tpu.memref_slice %arg5[%add3A_132, %dma_start3A_133] : memref<1000000x64xf32, #tpu.memory_space<hbm>> -> memref<496x64xf32, #tpu.memory_space<hbm>>
      %dma_start3A_135 = arith.constant 0 : i32
      %dma_start3A_136 = tpu.memref_slice %arg5[%add3A_132, %dma_start3A_135] : memref<1000000x64xf32, #tpu.memory_space<hbm>> -> memref<496x64xf32, #tpu.memory_space<hbm>>
      tpu.enqueue_dma source(%arg11 : memref<496x64xf32, #tpu.memory_space<vmem>>) target(%dma_start3A_136 : memref<496x64xf32, #tpu.memory_space<hbm>>) target_semaphore(%arg15 : memref<!tpu.dma_semaphore, #tpu.memory_space<semaphore_mem>>)
      %dma_wait3A_137 = arith.constant 0 : i32
      %dma_wait3A_138 = tpu.memref_slice %arg5[%add3A_110, %dma_wait3A_137] : memref<1000000x64xf32, #tpu.memory_space<hbm>> -> memref<496x64xf32, #tpu.memory_space<hbm>>
      %dma_wait3A_139 = arith.constant 0 : i32
      %dma_wait3A_140 = tpu.memref_slice %arg5[%add3A_110, %dma_wait3A_139] : memref<1000000x64xf32, #tpu.memory_space<hbm>> -> memref<496x64xf32, #tpu.memory_space<hbm>>
      tpu.wait_dma2 semaphore(%arg14 : memref<!tpu.dma_semaphore, #tpu.memory_space<semaphore_mem>>) src(%arg10 : memref<496x64xf32, #tpu.memory_space<vmem>>) dst(%dma_wait3A_140 : memref<496x64xf32, #tpu.memory_space<hbm>>)
      %dma_wait3A_141 = arith.constant 0 : i32
      %dma_wait3A_142 = tpu.memref_slice %arg5[%add3A_132, %dma_wait3A_141] : memref<1000000x64xf32, #tpu.memory_space<hbm>> -> memref<496x64xf32, #tpu.memory_space<hbm>>
      %dma_wait3A_143 = arith.constant 0 : i32
      %dma_wait3A_144 = tpu.memref_slice %arg5[%add3A_132, %dma_wait3A_143] : memref<1000000x64xf32, #tpu.memory_space<hbm>> -> memref<496x64xf32, #tpu.memory_space<hbm>>
      tpu.wait_dma2 semaphore(%arg15 : memref<!tpu.dma_semaphore, #tpu.memory_space<semaphore_mem>>) src(%arg11 : memref<496x64xf32, #tpu.memory_space<vmem>>) dst(%dma_wait3A_144 : memref<496x64xf32, #tpu.memory_space<hbm>>)
    }
    %scan3A_12 = arith.constant 31 : i32
    %add3A_13 = arith.constant 31248 : i32
    %add3A_14 = arith.addi %mul3A_2, %add3A_13 : i32
    %sub3A = arith.constant 496 : i32
    %sub3A_15 = arith.subi %add3A_14, %sub3A : i32
    "tpu.region"() ({
      %run_scoped3A = tpu.sem_alloc : memref<!tpu.dma_semaphore, #tpu.memory_space<semaphore_mem>>
      %dma_start3A = arith.constant 0 : i32
      %dma_start3A_107 = tpu.memref_slice %arg2[%sub3A_15, %dma_start3A] : memref<1000000x64xf32, #tpu.memory_space<hbm>> -> memref<496x64xf32, #tpu.memory_space<hbm>>
      %dma_start3A_108 = arith.constant 0 : i32
      %dma_start3A_109 = tpu.memref_slice %arg2[%sub3A_15, %dma_start3A_108] : memref<1000000x64xf32, #tpu.memory_space<hbm>> -> memref<496x64xf32, #tpu.memory_space<hbm>>
      tpu.enqueue_dma source(%dma_start3A_109 : memref<496x64xf32, #tpu.memory_space<hbm>>) target(%arg10 : memref<496x64xf32, #tpu.memory_space<vmem>>) target_semaphore(%run_scoped3A : memref<!tpu.dma_semaphore, #tpu.memory_space<semaphore_mem>>)
      %dma_wait3A = arith.constant 0 : i32
      %dma_wait3A_110 = tpu.memref_slice %arg2[%sub3A_15, %dma_wait3A] : memref<1000000x64xf32, #tpu.memory_space<hbm>> -> memref<496x64xf32, #tpu.memory_space<hbm>>
      %dma_wait3A_111 = arith.constant 0 : i32
      %dma_wait3A_112 = tpu.memref_slice %arg2[%sub3A_15, %dma_wait3A_111] : memref<1000000x64xf32, #tpu.memory_space<hbm>> -> memref<496x64xf32, #tpu.memory_space<hbm>>
      tpu.wait_dma2 semaphore(%run_scoped3A : memref<!tpu.dma_semaphore, #tpu.memory_space<semaphore_mem>>) src(%dma_wait3A_112 : memref<496x64xf32, #tpu.memory_space<hbm>>) dst(%arg10 : memref<496x64xf32, #tpu.memory_space<vmem>>)
      tpu.yield
    }) : () -> ()
    %add3A_16 = arith.constant 31248 : i32
    %add3A_17 = arith.addi %mul3A_2, %add3A_16 : i32
    %sub3A_18 = arith.constant 496 : i32
    %sub3A_19 = arith.subi %add3A_17, %sub3A_18 : i32
    "tpu.region"() ({
      %run_scoped3A = tpu.sem_alloc : memref<!tpu.dma_semaphore, #tpu.memory_space<semaphore_mem>>
      %dma_start3A = arith.constant 0 : i32
      %dma_start3A_107 = tpu.memref_slice %arg5[%sub3A_19, %dma_start3A] : memref<1000000x64xf32, #tpu.memory_space<hbm>> -> memref<496x64xf32, #tpu.memory_space<hbm>>
      %dma_start3A_108 = arith.constant 0 : i32
      %dma_start3A_109 = tpu.memref_slice %arg5[%sub3A_19, %dma_start3A_108] : memref<1000000x64xf32, #tpu.memory_space<hbm>> -> memref<496x64xf32, #tpu.memory_space<hbm>>
      tpu.enqueue_dma source(%arg10 : memref<496x64xf32, #tpu.memory_space<vmem>>) target(%dma_start3A_109 : memref<496x64xf32, #tpu.memory_space<hbm>>) target_semaphore(%run_scoped3A : memref<!tpu.dma_semaphore, #tpu.memory_space<semaphore_mem>>)
      %dma_wait3A = arith.constant 0 : i32
      %dma_wait3A_110 = tpu.memref_slice %arg5[%sub3A_19, %dma_wait3A] : memref<1000000x64xf32, #tpu.memory_space<hbm>> -> memref<496x64xf32, #tpu.memory_space<hbm>>
      %dma_wait3A_111 = arith.constant 0 : i32
      %dma_wait3A_112 = tpu.memref_slice %arg5[%sub3A_19, %dma_wait3A_111] : memref<1000000x64xf32, #tpu.memory_space<hbm>> -> memref<496x64xf32, #tpu.memory_space<hbm>>
      tpu.wait_dma2 semaphore(%run_scoped3A : memref<!tpu.dma_semaphore, #tpu.memory_space<semaphore_mem>>) src(%arg10 : memref<496x64xf32, #tpu.memory_space<vmem>>) dst(%dma_wait3A_112 : memref<496x64xf32, #tpu.memory_space<hbm>>)
      tpu.yield
    }) : () -> ()
    %eq3A_20 = arith.constant 31 : i32
    %eq3A_21 = arith.cmpi eq, %add3A, %eq3A_20 : i32
    %convert_element_type3A = arith.extui %eq3A_21 : i1 to i32
    %cond3A = arith.constant 0 : i32
    %cond3A_22 = arith.cmpi ne, %convert_element_type3A, %cond3A : i32
    scf.if %cond3A_22 {
      "tpu.region"() ({
        %run_scoped3A = tpu.sem_alloc : memref<!tpu.dma_semaphore, #tpu.memory_space<semaphore_mem>>
        %dma_start3A = arith.constant 0 : i32
        %dma_start3A_107 = arith.constant 0 : i32
        %dma_start3A_108 = tpu.memref_slice %arg11[%dma_start3A, %dma_start3A_107] : memref<496x64xf32, #tpu.memory_space<vmem>> -> memref<64x64xf32, #tpu.memory_space<vmem>>
        %dma_start3A_109 = arith.constant 999936 : i32
        %dma_start3A_110 = arith.constant 0 : i32
        %dma_start3A_111 = tpu.memref_slice %arg2[%dma_start3A_109, %dma_start3A_110] : memref<1000000x64xf32, #tpu.memory_space<hbm>> -> memref<64x64xf32, #tpu.memory_space<hbm>>
        %dma_start3A_112 = arith.constant 0 : i32
        %dma_start3A_113 = arith.constant 0 : i32
        %dma_start3A_114 = tpu.memref_slice %arg11[%dma_start3A_112, %dma_start3A_113] : memref<496x64xf32, #tpu.memory_space<vmem>> -> memref<64x64xf32, #tpu.memory_space<vmem>>
        %dma_start3A_115 = arith.constant 999936 : i32
        %dma_start3A_116 = arith.constant 0 : i32
        %dma_start3A_117 = tpu.memref_slice %arg2[%dma_start3A_115, %dma_start3A_116] : memref<1000000x64xf32, #tpu.memory_space<hbm>> -> memref<64x64xf32, #tpu.memory_space<hbm>>
        tpu.enqueue_dma source(%dma_start3A_117 : memref<64x64xf32, #tpu.memory_space<hbm>>) target(%dma_start3A_114 : memref<64x64xf32, #tpu.memory_space<vmem>>) target_semaphore(%run_scoped3A : memref<!tpu.dma_semaphore, #tpu.memory_space<semaphore_mem>>)
        %dma_wait3A = arith.constant 0 : i32
        %dma_wait3A_118 = arith.constant 0 : i32
        %dma_wait3A_119 = tpu.memref_slice %arg11[%dma_wait3A, %dma_wait3A_118] : memref<496x64xf32, #tpu.memory_space<vmem>> -> memref<64x64xf32, #tpu.memory_space<vmem>>
        %dma_wait3A_120 = arith.constant 999936 : i32
        %dma_wait3A_121 = arith.constant 0 : i32
        %dma_wait3A_122 = tpu.memref_slice %arg2[%dma_wait3A_120, %dma_wait3A_121] : memref<1000000x64xf32, #tpu.memory_space<hbm>> -> memref<64x64xf32, #tpu.memory_space<hbm>>
        %dma_wait3A_123 = arith.constant 0 : i32
        %dma_wait3A_124 = arith.constant 0 : i32
        %dma_wait3A_125 = tpu.memref_slice %arg11[%dma_wait3A_123, %dma_wait3A_124] : memref<496x64xf32, #tpu.memory_space<vmem>> -> memref<64x64xf32, #tpu.memory_space<vmem>>
        %dma_wait3A_126 = arith.constant 999936 : i32
        %dma_wait3A_127 = arith.constant 0 : i32
        %dma_wait3A_128 = tpu.memref_slice %arg2[%dma_wait3A_126, %dma_wait3A_127] : memref<1000000x64xf32, #tpu.memory_space<hbm>> -> memref<64x64xf32, #tpu.memory_space<hbm>>
        tpu.wait_dma2 semaphore(%run_scoped3A : memref<!tpu.dma_semaphore, #tpu.memory_space<semaphore_mem>>) src(%dma_wait3A_128 : memref<64x64xf32, #tpu.memory_space<hbm>>) dst(%dma_wait3A_125 : memref<64x64xf32, #tpu.memory_space<vmem>>)
        tpu.yield
      }) : () -> ()
      "tpu.region"() ({
        %run_scoped3A = tpu.sem_alloc : memref<!tpu.dma_semaphore, #tpu.memory_space<semaphore_mem>>
        %dma_start3A = arith.constant 0 : i32
        %dma_start3A_107 = arith.constant 0 : i32
        %dma_start3A_108 = tpu.memref_slice %arg11[%dma_start3A, %dma_start3A_107] : memref<496x64xf32, #tpu.memory_space<vmem>> -> memref<64x64xf32, #tpu.memory_space<vmem>>
        %dma_start3A_109 = arith.constant 999936 : i32
        %dma_start3A_110 = arith.constant 0 : i32
        %dma_start3A_111 = tpu.memref_slice %arg5[%dma_start3A_109, %dma_start3A_110] : memref<1000000x64xf32, #tpu.memory_space<hbm>> -> memref<64x64xf32, #tpu.memory_space<hbm>>
        %dma_start3A_112 = arith.constant 999936 : i32
        %dma_start3A_113 = arith.constant 0 : i32
        %dma_start3A_114 = tpu.memref_slice %arg5[%dma_start3A_112, %dma_start3A_113] : memref<1000000x64xf32, #tpu.memory_space<hbm>> -> memref<64x64xf32, #tpu.memory_space<hbm>>
        %dma_start3A_115 = arith.constant 0 : i32
        %dma_start3A_116 = arith.constant 0 : i32
        %dma_start3A_117 = tpu.memref_slice %arg11[%dma_start3A_115, %dma_start3A_116] : memref<496x64xf32, #tpu.memory_space<vmem>> -> memref<64x64xf32, #tpu.memory_space<vmem>>
        tpu.enqueue_dma source(%dma_start3A_117 : memref<64x64xf32, #tpu.memory_space<vmem>>) target(%dma_start3A_114 : memref<64x64xf32, #tpu.memory_space<hbm>>) target_semaphore(%run_scoped3A : memref<!tpu.dma_semaphore, #tpu.memory_space<semaphore_mem>>)
        %dma_wait3A = arith.constant 0 : i32
        %dma_wait3A_118 = arith.constant 0 : i32
        %dma_wait3A_119 = tpu.memref_slice %arg11[%dma_wait3A, %dma_wait3A_118] : memref<496x64xf32, #tpu.memory_space<vmem>> -> memref<64x64xf32, #tpu.memory_space<vmem>>
        %dma_wait3A_120 = arith.constant 999936 : i32
        %dma_wait3A_121 = arith.constant 0 : i32
        %dma_wait3A_122 = tpu.memref_slice %arg5[%dma_wait3A_120, %dma_wait3A_121] : memref<1000000x64xf32, #tpu.memory_space<hbm>> -> memref<64x64xf32, #tpu.memory_space<hbm>>
        %dma_wait3A_123 = arith.constant 999936 : i32
        %dma_wait3A_124 = arith.constant 0 : i32
        %dma_wait3A_125 = tpu.memref_slice %arg5[%dma_wait3A_123, %dma_wait3A_124] : memref<1000000x64xf32, #tpu.memory_space<hbm>> -> memref<64x64xf32, #tpu.memory_space<hbm>>
        %dma_wait3A_126 = arith.constant 0 : i32
        %dma_wait3A_127 = arith.constant 0 : i32
        %dma_wait3A_128 = tpu.memref_slice %arg11[%dma_wait3A_126, %dma_wait3A_127] : memref<496x64xf32, #tpu.memory_space<vmem>> -> memref<64x64xf32, #tpu.memory_space<vmem>>
        tpu.wait_dma2 semaphore(%run_scoped3A : memref<!tpu.dma_semaphore, #tpu.memory_space<semaphore_mem>>) src(%dma_wait3A_128 : memref<64x64xf32, #tpu.memory_space<vmem>>) dst(%dma_wait3A_125 : memref<64x64xf32, #tpu.memory_space<hbm>>)
        tpu.yield
      }) : () -> ()
    } else {
    }
    "tpu.region"() ({
      %run_scoped3A = tpu.sem_alloc : memref<!tpu.dma_semaphore, #tpu.memory_space<semaphore_mem>>
      tpu.enqueue_dma source(%arg3 : memref<16384xi32, #tpu.memory_space<hbm>>) target(%arg6 : memref<16384xi32, #tpu.memory_space<vmem>>) target_semaphore(%run_scoped3A : memref<!tpu.dma_semaphore, #tpu.memory_space<semaphore_mem>>)
      tpu.wait_dma2 semaphore(%run_scoped3A : memref<!tpu.dma_semaphore, #tpu.memory_space<semaphore_mem>>) src(%arg3 : memref<16384xi32, #tpu.memory_space<hbm>>) dst(%arg6 : memref<16384xi32, #tpu.memory_space<vmem>>)
      tpu.yield
    }) : () -> ()
    %iota3A = tpu.iota {dimensions = array<i32: 0>} : vector<16xi32>
    %scan3A_23 = arith.constant 0 : i32
    %scan3A_24 = arith.constant 0 : i32
    %scan3A_25 = arith.constant 1024 : i32
    %scan3A_26 = arith.addi %scan3A_24, %scan3A_25 : i32
    %scan3A_27 = arith.constant 1 : i32
    scf.for %scan3A_107 = %scan3A_24 to %scan3A_26 step %scan3A_27  : i32 {
      %mul3A_108 = arith.constant 16 : i32
      %mul3A_109 = arith.muli %scan3A_107, %mul3A_108 : i32
      %get3A = arith.index_cast %mul3A_109 : i32 to index
      %get3A_110 = tpu.vector_load %arg6[%get3A] {strides = array<i32>} : memref<16384xi32, #tpu.memory_space<vmem>>, vector<16xi32>,
      %ge3A = vector.broadcast %mul3A_2 : i32 to vector<16xi32>
      %ge3A_111 = arith.cmpi sge, %get3A_110, %ge3A : vector<16xi32>
      %lt3A = vector.broadcast %add3A_7 : i32 to vector<16xi32>
      %lt3A_112 = arith.cmpi slt, %get3A_110, %lt3A : vector<16xi32>
      %and3A_113 = arith.andi %ge3A_111, %lt3A_112 : vector<16xi1>
      %sub3A_114 = vector.broadcast %mul3A_2 : i32 to vector<16xi32>
      %sub3A_115 = arith.subi %get3A_110, %sub3A_114 : vector<16xi32>
      %jit3A_116 = arith.constant 0 : i32
      %broadcast_in_dim3A_117 = vector.broadcast %jit3A_116 : i32 to vector<16xi32>
      %select_n3A_118 = arith.select %and3A_113, %sub3A_115, %broadcast_in_dim3A_117 : vector<16xi1>, vector<16xi32>
      %mul3A_119 = arith.constant 16 : i32
      %mul3A_120 = arith.muli %scan3A_107, %mul3A_119 : i32
      %add3A_121 = vector.broadcast %mul3A_120 : i32 to vector<16xi32>
      %add3A_122 = arith.addi %iota3A, %add3A_121 : vector<16xi32>
      tpu.vector_store_idx %arg7[%select_n3A_118], %add3A_122 masked %and3A_113 : memref<31312xi32, #tpu.memory_space<vmem>>[vector<16xi32>], vector<16xi32>, vector<16xi1>
    }
    %scan3A_28 = arith.constant 1024 : i32
    %scan3A_29 = arith.constant 0 : i32
    %scan3A_30 = arith.constant 0 : i32
    %scan3A_31 = arith.constant 0 : i32
    %scan3A_32 = arith.constant 1024 : i32
    %scan3A_33 = arith.addi %scan3A_31, %scan3A_32 : i32
    %scan3A_34 = arith.constant 1 : i32
    %scan3A_35:3 = scf.for %scan3A_107 = %scan3A_31 to %scan3A_33 step %scan3A_34 iter_args(%scan3A_108 = %scan3A_29, %scan3A_109 = %scan3A_30, %scan3A_110 = %mul3A_2) -> (i32, i32, i32)  : i32 {
      %mul3A_111 = arith.constant 16 : i32
      %mul3A_112 = arith.muli %scan3A_107, %mul3A_111 : i32
      %get3A = arith.index_cast %mul3A_112 : i32 to index
      %get3A_113 = tpu.vector_load %arg6[%get3A] {strides = array<i32>} : memref<16384xi32, #tpu.memory_space<vmem>>, vector<16xi32>,
      %ge3A = vector.broadcast %mul3A_2 : i32 to vector<16xi32>
      %ge3A_114 = arith.cmpi sge, %get3A_113, %ge3A : vector<16xi32>
      %lt3A = vector.broadcast %add3A_7 : i32 to vector<16xi32>
      %lt3A_115 = arith.cmpi slt, %get3A_113, %lt3A : vector<16xi32>
      %and3A_116 = arith.andi %ge3A_114, %lt3A_115 : vector<16xi1>
      %sub3A_117 = vector.broadcast %mul3A_2 : i32 to vector<16xi32>
      %sub3A_118 = arith.subi %get3A_113, %sub3A_117 : vector<16xi32>
      %jit3A_119 = arith.constant 0 : i32
      %broadcast_in_dim3A_120 = vector.broadcast %jit3A_119 : i32 to vector<16xi32>
      %select_n3A_121 = arith.select %and3A_116, %sub3A_118, %broadcast_in_dim3A_120 : vector<16xi1>, vector<16xi32>
      %mul3A_122 = arith.constant 16 : i32
      %mul3A_123 = arith.muli %scan3A_107, %mul3A_122 : i32
      %add3A_124 = vector.broadcast %mul3A_123 : i32 to vector<16xi32>
      %add3A_125 = arith.addi %iota3A, %add3A_124 : vector<16xi32>
      %gather3A = tpu.vector_load_idx %arg7[%select_n3A_121] masked %and3A_116 : memref<31312xi32, #tpu.memory_space<vmem>>[vector<16xi32>], vector<16xi32>, vector<16xi1>
      %eq3A_126 = arith.cmpi eq, %gather3A, %add3A_125 : vector<16xi32>
      %and3A_127 = arith.andi %and3A_116, %eq3A_126 : vector<16xi1>
      %convert_element_type3A_128 = arith.extui %and3A_127 : vector<16xi1> to vector<16xi32>
      %reduce_sum3A = arith.constant true
      %reduce_sum3A_129 = vector.broadcast %reduce_sum3A : i1 to vector<16xi1>
      %reduce_sum3A_130 = tpu.scan <sum>, %convert_element_type3A_128 masked %reduce_sum3A_129 : vector<16xi32>, vector<16xi1> -> vector<16xi32>
      %reduce_sum3A_131 = vector.extract %reduce_sum3A_130[15] : i32 from vector<16xi32>
      %broadcast_in_dim3A_132 = arith.constant true
      %broadcast_in_dim3A_133 = vector.broadcast %broadcast_in_dim3A_132 : i1 to vector<16xi1>
      %masked_cumsum3A = tpu.scan <sum>, %convert_element_type3A_128 masked %broadcast_in_dim3A_133 : vector<16xi32>, vector<16xi1> -> vector<16xi32>
      %add3A_134 = vector.broadcast %scan3A_108 : i32 to vector<16xi32>
      %add3A_135 = arith.addi %add3A_134, %masked_cumsum3A : vector<16xi32>
      %sub3A_136 = arith.constant 1 : i32
      %sub3A_137 = vector.broadcast %sub3A_136 : i32 to vector<16xi32>
      %sub3A_138 = arith.subi %add3A_135, %sub3A_137 : vector<16xi32>
      %jit3A_139 = arith.constant 0 : i32
      %broadcast_in_dim3A_140 = vector.broadcast %jit3A_139 : i32 to vector<16xi32>
      %select_n3A_141 = arith.select %and3A_127, %sub3A_138, %broadcast_in_dim3A_140 : vector<16xi1>, vector<16xi32>
      tpu.vector_store_idx %arg8[%select_n3A_141], %add3A_125 masked %and3A_127 : memref<2064xi32, #tpu.memory_space<vmem>>[vector<16xi32>], vector<16xi32>, vector<16xi1>
      %jit3A_142 = arith.constant 0 : i32
      %broadcast_in_dim3A_143 = vector.broadcast %jit3A_142 : i32 to vector<16xi32>
      %select_n3A_144 = arith.select %and3A_127, %sub3A_138, %broadcast_in_dim3A_143 : vector<16xi1>, vector<16xi32>
      tpu.vector_store_idx %arg9[%select_n3A_144], %get3A_113 masked %and3A_127 : memref<2064xi32, #tpu.memory_space<vmem>>[vector<16xi32>], vector<16xi32>, vector<16xi1>
      %jit3A_145 = arith.constant -1 : i32
      %broadcast_in_dim3A_146 = vector.broadcast %jit3A_145 : i32 to vector<16xi32>
      %select_n3A_147 = arith.select %and3A_127, %add3A_125, %broadcast_in_dim3A_146 : vector<16xi1>, vector<16xi32>
      %reduce_max3A = arith.constant true
      %reduce_max3A_148 = vector.broadcast %reduce_max3A : i1 to vector<16xi1>
      %reduce_max3A_149 = arith.constant -2147483648 : i32
      %reduce_max3A_150 = vector.broadcast %reduce_max3A_149 : i32 to vector<16xi32>
      %reduce_max3A_151 = arith.xori %select_n3A_147, %reduce_max3A_150 : vector<16xi32>
      %reduce_max3A_152 = tpu.scan <max>, %reduce_max3A_151 masked %reduce_max3A_148 : vector<16xi32>, vector<16xi1> -> vector<16xi32>
      %reduce_max3A_153 = arith.xori %reduce_max3A_152, %reduce_max3A_150 : vector<16xi32>
      %reduce_max3A_154 = vector.extract %reduce_max3A_153[15] : i32 from vector<16xi32>
      %eq3A_155 = vector.broadcast %reduce_max3A_154 : i32 to vector<16xi32>
      %eq3A_156 = arith.cmpi eq, %add3A_125, %eq3A_155 : vector<16xi32>
      %and3A_157 = arith.andi %and3A_127, %eq3A_156 : vector<16xi1>
      %jit3A_158 = arith.constant -1 : i32
      %broadcast_in_dim3A_159 = vector.broadcast %jit3A_158 : i32 to vector<16xi32>
      %select_n3A_160 = arith.select %and3A_157, %get3A_113, %broadcast_in_dim3A_159 : vector<16xi1>, vector<16xi32>
      %reduce_max3A_161 = arith.constant true
      %reduce_max3A_162 = vector.broadcast %reduce_max3A_161 : i1 to vector<16xi1>
      %reduce_max3A_163 = arith.constant -2147483648 : i32
      %reduce_max3A_164 = vector.broadcast %reduce_max3A_163 : i32 to vector<16xi32>
      %reduce_max3A_165 = arith.xori %select_n3A_160, %reduce_max3A_164 : vector<16xi32>
      %reduce_max3A_166 = tpu.scan <max>, %reduce_max3A_165 masked %reduce_max3A_162 : vector<16xi32>, vector<16xi1> -> vector<16xi32>
      %reduce_max3A_167 = arith.xori %reduce_max3A_166, %reduce_max3A_164 : vector<16xi32>
      %reduce_max3A_168 = vector.extract %reduce_max3A_167[15] : i32 from vector<16xi32>
      %gt3A = arith.constant 0 : i32
      %gt3A_169 = arith.cmpi sgt, %reduce_sum3A_131, %gt3A : i32
      %select_n3A_170 = arith.select %gt3A_169, %reduce_max3A_154, %scan3A_109 : i32
      %gt3A_171 = arith.constant 0 : i32
      %gt3A_172 = arith.cmpi sgt, %reduce_sum3A_131, %gt3A_171 : i32
      %select_n3A_173 = arith.select %gt3A_172, %reduce_max3A_168, %scan3A_110 : i32
      %add3A_174 = arith.addi %scan3A_108, %reduce_sum3A_131 : i32
      scf.yield %add3A_174, %select_n3A_170, %select_n3A_173 : i32, i32, i32
    }
    %scan3A_36 = arith.constant 1024 : i32
    %add3A_37 = arith.constant 64 : i32
    %add3A_38 = arith.addi %scan3A_35#0, %add3A_37 : i32
    %sub3A_39 = arith.constant 1 : i32
    %sub3A_40 = arith.subi %add3A_38, %sub3A_39 : i32
    %jit3A_41 = arith.constant 64 : i32
    %div3A = arith.divsi %sub3A_40, %jit3A_41 : i32
    %sign3A = arith.constant 0 : i32
    %sign3A_42 = arith.cmpi sgt, %sub3A_40, %sign3A : i32
    %sign3A_43 = arith.extui %sign3A_42 : i1 to i32
    %sign3A_44 = arith.constant 0 : i32
    %sign3A_45 = arith.cmpi slt, %sub3A_40, %sign3A_44 : i32
    %sign3A_46 = arith.extui %sign3A_45 : i1 to i32
    %sign3A_47 = arith.subi %sign3A_43, %sign3A_46 : i32
    %sign3A_48 = arith.constant 0 : i32
    %sign3A_49 = arith.cmpi sgt, %jit3A_41, %sign3A_48 : i32
    %sign3A_50 = arith.extui %sign3A_49 : i1 to i32
    %sign3A_51 = arith.constant 0 : i32
    %sign3A_52 = arith.cmpi slt, %jit3A_41, %sign3A_51 : i32
    %sign3A_53 = arith.extui %sign3A_52 : i1 to i32
    %sign3A_54 = arith.subi %sign3A_50, %sign3A_53 : i32
    %ne3A = arith.cmpi ne, %sign3A_47, %sign3A_54 : i32
    %rem3A = arith.remsi %sub3A_40, %jit3A_41 : i32
    %ne3A_55 = arith.constant 0 : i32
    %ne3A_56 = arith.cmpi ne, %rem3A, %ne3A_55 : i32
    %and3A = arith.andi %ne3A, %ne3A_56 : i1
    %sub3A_57 = arith.constant 1 : i32
    %sub3A_58 = arith.subi %div3A, %sub3A_57 : i32
    %select_n3A_59 = arith.select %and3A, %sub3A_58, %div3A : i32
    %mul3A_60 = arith.constant 64 : i32
    %mul3A_61 = arith.muli %select_n3A_59, %mul3A_60 : i32
    %broadcast_in_dim3A = vector.broadcast %scan3A_35#1 : i32 to vector<16xi32>
    %broadcast_in_dim3A_62 = vector.broadcast %scan3A_35#2 : i32 to vector<16xi32>
    %sub3A_63 = arith.subi %mul3A_61, %scan3A_35#0 : i32
    %add3A_64 = arith.constant 16 : i32
    %add3A_65 = arith.addi %sub3A_63, %add3A_64 : i32
    %sub3A_66 = arith.constant 1 : i32
    %sub3A_67 = arith.subi %add3A_65, %sub3A_66 : i32
    %jit3A_68 = arith.constant 16 : i32
    %div3A_69 = arith.divsi %sub3A_67, %jit3A_68 : i32
    %sign3A_70 = arith.constant 0 : i32
    %sign3A_71 = arith.cmpi sgt, %sub3A_67, %sign3A_70 : i32
    %sign3A_72 = arith.extui %sign3A_71 : i1 to i32
    %sign3A_73 = arith.constant 0 : i32
    %sign3A_74 = arith.cmpi slt, %sub3A_67, %sign3A_73 : i32
    %sign3A_75 = arith.extui %sign3A_74 : i1 to i32
    %sign3A_76 = arith.subi %sign3A_72, %sign3A_75 : i32
    %sign3A_77 = arith.constant 0 : i32
    %sign3A_78 = arith.cmpi sgt, %jit3A_68, %sign3A_77 : i32
    %sign3A_79 = arith.extui %sign3A_78 : i1 to i32
    %sign3A_80 = arith.constant 0 : i32
    %sign3A_81 = arith.cmpi slt, %jit3A_68, %sign3A_80 : i32
    %sign3A_82 = arith.extui %sign3A_81 : i1 to i32
    %sign3A_83 = arith.subi %sign3A_79, %sign3A_82 : i32
    %ne3A_84 = arith.cmpi ne, %sign3A_76, %sign3A_83 : i32
    %rem3A_85 = arith.remsi %sub3A_67, %jit3A_68 : i32
    %ne3A_86 = arith.constant 0 : i32
    %ne3A_87 = arith.cmpi ne, %rem3A_85, %ne3A_86 : i32
    %and3A_88 = arith.andi %ne3A_84, %ne3A_87 : i1
    %sub3A_89 = arith.constant 1 : i32
    %sub3A_90 = arith.subi %div3A_69, %sub3A_89 : i32
    %select_n3A_91 = arith.select %and3A_88, %sub3A_90, %div3A_69 : i32
    %while3A = arith.constant 0 : i32
    %while3A_92 = arith.constant 0 : i32
    %while3A_93 = arith.subi %select_n3A_91, %while3A_92 : i32
    %while3A_94 = arith.addi %while3A_92, %while3A_93 : i32
    %while3A_95 = arith.constant 1 : i32
    %while3A_96 = arith.divsi %while3A_93, %while3A_95 : i32
    %while3A_97 = arith.muli %while3A_96, %while3A_95 : i32
    %while3A_98 = arith.addi %while3A_92, %while3A_97 : i32
    %while3A_99 = arith.constant 1 : i32
    scf.for %while3A_107 = %while3A_92 to %while3A_98 step %while3A_99  : i32 {
      %mul3A_108 = arith.constant 16 : i32
      %mul3A_109 = arith.muli %while3A_107, %mul3A_108 : i32
      %add3A_110 = arith.addi %scan3A_35#0, %mul3A_109 : i32
      %add3A_111 = vector.broadcast %add3A_110 : i32 to vector<16xi32>
      %add3A_112 = arith.addi %add3A_111, %iota3A : vector<16xi32>
      %lt3A = vector.broadcast %mul3A_61 : i32 to vector<16xi32>
      %lt3A_113 = arith.cmpi slt, %add3A_112, %lt3A : vector<16xi32>
      %jit3A_114 = arith.constant 0 : i32
      %broadcast_in_dim3A_115 = vector.broadcast %jit3A_114 : i32 to vector<16xi32>
      %select_n3A_116 = arith.select %lt3A_113, %add3A_112, %broadcast_in_dim3A_115 : vector<16xi1>, vector<16xi32>
      tpu.vector_store_idx %arg8[%select_n3A_116], %broadcast_in_dim3A masked %lt3A_113 : memref<2064xi32, #tpu.memory_space<vmem>>[vector<16xi32>], vector<16xi32>, vector<16xi1>
      %jit3A_117 = arith.constant 0 : i32
      %broadcast_in_dim3A_118 = vector.broadcast %jit3A_117 : i32 to vector<16xi32>
      %select_n3A_119 = arith.select %lt3A_113, %add3A_112, %broadcast_in_dim3A_118 : vector<16xi1>, vector<16xi32>
      tpu.vector_store_idx %arg9[%select_n3A_119], %broadcast_in_dim3A_62 masked %lt3A_113 : memref<2064xi32, #tpu.memory_space<vmem>>[vector<16xi32>], vector<16xi32>, vector<16xi1>
    }
    %while3A_100 = arith.constant 1 : i32
    scf.for %while3A_107 = %while3A_98 to %while3A_94 step %while3A_100  : i32 {
      %mul3A_108 = arith.constant 16 : i32
      %mul3A_109 = arith.muli %while3A_107, %mul3A_108 : i32
      %add3A_110 = arith.addi %scan3A_35#0, %mul3A_109 : i32
      %add3A_111 = vector.broadcast %add3A_110 : i32 to vector<16xi32>
      %add3A_112 = arith.addi %add3A_111, %iota3A : vector<16xi32>
      %lt3A = vector.broadcast %mul3A_61 : i32 to vector<16xi32>
      %lt3A_113 = arith.cmpi slt, %add3A_112, %lt3A : vector<16xi32>
      %jit3A_114 = arith.constant 0 : i32
      %broadcast_in_dim3A_115 = vector.broadcast %jit3A_114 : i32 to vector<16xi32>
      %select_n3A_116 = arith.select %lt3A_113, %add3A_112, %broadcast_in_dim3A_115 : vector<16xi1>, vector<16xi32>
      tpu.vector_store_idx %arg8[%select_n3A_116], %broadcast_in_dim3A masked %lt3A_113 : memref<2064xi32, #tpu.memory_space<vmem>>[vector<16xi32>], vector<16xi32>, vector<16xi1>
      %jit3A_117 = arith.constant 0 : i32
      %broadcast_in_dim3A_118 = vector.broadcast %jit3A_117 : i32 to vector<16xi32>
      %select_n3A_119 = arith.select %lt3A_113, %add3A_112, %broadcast_in_dim3A_118 : vector<16xi1>, vector<16xi32>
      tpu.vector_store_idx %arg9[%select_n3A_119], %broadcast_in_dim3A_62 masked %lt3A_113 : memref<2064xi32, #tpu.memory_space<vmem>>[vector<16xi32>], vector<16xi32>, vector<16xi1>
    }
    %scan3A_101 = arith.constant 0 : i32
    %scan3A_102 = arith.constant 0 : i32
    %scan3A_103 = arith.constant 32 : i32
    %scan3A_104 = arith.addi %scan3A_102, %scan3A_103 : i32
    %scan3A_105 = arith.constant 1 : i32
    scf.for %scan3A_107 = %scan3A_102 to %scan3A_104 step %scan3A_105  : i32 {
      %lt3A = arith.cmpi slt, %scan3A_107, %select_n3A_59 : i32
      %convert_element_type3A_108 = arith.extui %lt3A : i1 to i32
      %cond3A_109 = arith.constant 0 : i32
      %cond3A_110 = arith.cmpi ne, %convert_element_type3A_108, %cond3A_109 : i32
      scf.if %cond3A_110 {
        %mul3A_111 = arith.constant 64 : i32
        %mul3A_112 = arith.muli %scan3A_107, %mul3A_111 : i32
        %add3A_113 = arith.constant 0 : i32
        %add3A_114 = arith.addi %mul3A_112, %add3A_113 : i32
        %get3A = arith.index_cast %add3A_114 : i32 to index
        %get3A_115 = tpu.vector_load %arg8[%get3A] {strides = array<i32>} : memref<2064xi32, #tpu.memory_space<vmem>>, vector<16xi32>,
        %mul3A_116 = arith.constant 64 : i32
        %mul3A_117 = arith.muli %scan3A_107, %mul3A_116 : i32
        %add3A_118 = arith.constant 0 : i32
        %add3A_119 = arith.addi %mul3A_117, %add3A_118 : i32
        %get3A_120 = arith.index_cast %add3A_119 : i32 to index
        %get3A_121 = tpu.vector_load %arg9[%get3A_120] {strides = array<i32>} : memref<2064xi32, #tpu.memory_space<vmem>>, vector<16xi32>,
        %slice3A = vector.extract_strided_slice %get3A_115 {offsets = [0], sizes = [1], strides = [1]} : vector<16xi32> to vector<1xi32>
        %squeeze3A = vector.extract %slice3A[0] : i32 from vector<1xi32>
        %slice3A_122 = vector.extract_strided_slice %get3A_121 {offsets = [0], sizes = [1], strides = [1]} : vector<16xi32> to vector<1xi32>
        %squeeze3A_123 = vector.extract %slice3A_122[0] : i32 from vector<1xi32>
        %dma_start3A = arith.constant 0 : i32
        %dma_start3A_124 = tpu.memref_slice %arg5[%squeeze3A_123, %dma_start3A] : memref<1000000x64xf32, #tpu.memory_space<hbm>> -> memref<1x64xf32, #tpu.memory_space<hbm>>
        %dma_start3A_125 = arith.constant 0 : i32
        %dma_start3A_126 = tpu.memref_slice %arg4[%squeeze3A, %dma_start3A_125] : memref<16384x64xf32, #tpu.memory_space<hbm>> -> memref<1x64xf32, #tpu.memory_space<hbm>>
        tpu.enqueue_dma source(%dma_start3A_126 : memref<1x64xf32, #tpu.memory_space<hbm>>) target(%dma_start3A_124 : memref<1x64xf32, #tpu.memory_space<hbm>>) target_semaphore(%arg12 : memref<!tpu.dma_semaphore, #tpu.memory_space<semaphore_mem>>)
        %slice3A_127 = vector.extract_strided_slice %get3A_115 {offsets = [1], sizes = [1], strides = [1]} : vector<16xi32> to vector<1xi32>
        %squeeze3A_128 = vector.extract %slice3A_127[0] : i32 from vector<1xi32>
        %slice3A_129 = vector.extract_strided_slice %get3A_121 {offsets = [1], sizes = [1], strides = [1]} : vector<16xi32> to vector<1xi32>
        %squeeze3A_130 = vector.extract %slice3A_129[0] : i32 from vector<1xi32>
        %dma_start3A_131 = arith.constant 0 : i32
        %dma_start3A_132 = tpu.memref_slice %arg5[%squeeze3A_130, %dma_start3A_131] : memref<1000000x64xf32, #tpu.memory_space<hbm>> -> memref<1x64xf32, #tpu.memory_space<hbm>>
        %dma_start3A_133 = arith.constant 0 : i32
        %dma_start3A_134 = tpu.memref_slice %arg4[%squeeze3A_128, %dma_start3A_133] : memref<16384x64xf32, #tpu.memory_space<hbm>> -> memref<1x64xf32, #tpu.memory_space<hbm>>
        tpu.enqueue_dma source(%dma_start3A_134 : memref<1x64xf32, #tpu.memory_space<hbm>>) target(%dma_start3A_132 : memref<1x64xf32, #tpu.memory_space<hbm>>) target_semaphore(%arg12 : memref<!tpu.dma_semaphore, #tpu.memory_space<semaphore_mem>>)
        %slice3A_135 = vector.extract_strided_slice %get3A_115 {offsets = [2], sizes = [1], strides = [1]} : vector<16xi32> to vector<1xi32>
        %squeeze3A_136 = vector.extract %slice3A_135[0] : i32 from vector<1xi32>
        %slice3A_137 = vector.extract_strided_slice %get3A_121 {offsets = [2], sizes = [1], strides = [1]} : vector<16xi32> to vector<1xi32>
        %squeeze3A_138 = vector.extract %slice3A_137[0] : i32 from vector<1xi32>
        %dma_start3A_139 = arith.constant 0 : i32
        %dma_start3A_140 = tpu.memref_slice %arg5[%squeeze3A_138, %dma_start3A_139] : memref<1000000x64xf32, #tpu.memory_space<hbm>> -> memref<1x64xf32, #tpu.memory_space<hbm>>
        %dma_start3A_141 = arith.constant 0 : i32
        %dma_start3A_142 = tpu.memref_slice %arg4[%squeeze3A_136, %dma_start3A_141] : memref<16384x64xf32, #tpu.memory_space<hbm>> -> memref<1x64xf32, #tpu.memory_space<hbm>>
        tpu.enqueue_dma source(%dma_start3A_142 : memref<1x64xf32, #tpu.memory_space<hbm>>) target(%dma_start3A_140 : memref<1x64xf32, #tpu.memory_space<hbm>>) target_semaphore(%arg12 : memref<!tpu.dma_semaphore, #tpu.memory_space<semaphore_mem>>)
        %slice3A_143 = vector.extract_strided_slice %get3A_115 {offsets = [3], sizes = [1], strides = [1]} : vector<16xi32> to vector<1xi32>
        %squeeze3A_144 = vector.extract %slice3A_143[0] : i32 from vector<1xi32>
        %slice3A_145 = vector.extract_strided_slice %get3A_121 {offsets = [3], sizes = [1], strides = [1]} : vector<16xi32> to vector<1xi32>
        %squeeze3A_146 = vector.extract %slice3A_145[0] : i32 from vector<1xi32>
        %dma_start3A_147 = arith.constant 0 : i32
        %dma_start3A_148 = tpu.memref_slice %arg5[%squeeze3A_146, %dma_start3A_147] : memref<1000000x64xf32, #tpu.memory_space<hbm>> -> memref<1x64xf32, #tpu.memory_space<hbm>>
        %dma_start3A_149 = arith.constant 0 : i32
        %dma_start3A_150 = tpu.memref_slice %arg4[%squeeze3A_144, %dma_start3A_149] : memref<16384x64xf32, #tpu.memory_space<hbm>> -> memref<1x64xf32, #tpu.memory_space<hbm>>
        tpu.enqueue_dma source(%dma_start3A_150 : memref<1x64xf32, #tpu.memory_space<hbm>>) target(%dma_start3A_148 : memref<1x64xf32, #tpu.memory_space<hbm>>) target_semaphore(%arg12 : memref<!tpu.dma_semaphore, #tpu.memory_space<semaphore_mem>>)
        %slice3A_151 = vector.extract_strided_slice %get3A_115 {offsets = [4], sizes = [1], strides = [1]} : vector<16xi32> to vector<1xi32>
        %squeeze3A_152 = vector.extract %slice3A_151[0] : i32 from vector<1xi32>
        %slice3A_153 = vector.extract_strided_slice %get3A_121 {offsets = [4], sizes = [1], strides = [1]} : vector<16xi32> to vector<1xi32>
        %squeeze3A_154 = vector.extract %slice3A_153[0] : i32 from vector<1xi32>
        %dma_start3A_155 = arith.constant 0 : i32
        %dma_start3A_156 = tpu.memref_slice %arg5[%squeeze3A_154, %dma_start3A_155] : memref<1000000x64xf32, #tpu.memory_space<hbm>> -> memref<1x64xf32, #tpu.memory_space<hbm>>
        %dma_start3A_157 = arith.constant 0 : i32
        %dma_start3A_158 = tpu.memref_slice %arg4[%squeeze3A_152, %dma_start3A_157] : memref<16384x64xf32, #tpu.memory_space<hbm>> -> memref<1x64xf32, #tpu.memory_space<hbm>>
        tpu.enqueue_dma source(%dma_start3A_158 : memref<1x64xf32, #tpu.memory_space<hbm>>) target(%dma_start3A_156 : memref<1x64xf32, #tpu.memory_space<hbm>>) target_semaphore(%arg12 : memref<!tpu.dma_semaphore, #tpu.memory_space<semaphore_mem>>)
        %slice3A_159 = vector.extract_strided_slice %get3A_115 {offsets = [5], sizes = [1], strides = [1]} : vector<16xi32> to vector<1xi32>
        %squeeze3A_160 = vector.extract %slice3A_159[0] : i32 from vector<1xi32>
        %slice3A_161 = vector.extract_strided_slice %get3A_121 {offsets = [5], sizes = [1], strides = [1]} : vector<16xi32> to vector<1xi32>
        %squeeze3A_162 = vector.extract %slice3A_161[0] : i32 from vector<1xi32>
        %dma_start3A_163 = arith.constant 0 : i32
        %dma_start3A_164 = tpu.memref_slice %arg5[%squeeze3A_162, %dma_start3A_163] : memref<1000000x64xf32, #tpu.memory_space<hbm>> -> memref<1x64xf32, #tpu.memory_space<hbm>>
        %dma_start3A_165 = arith.constant 0 : i32
        %dma_start3A_166 = tpu.memref_slice %arg4[%squeeze3A_160, %dma_start3A_165] : memref<16384x64xf32, #tpu.memory_space<hbm>> -> memref<1x64xf32, #tpu.memory_space<hbm>>
        tpu.enqueue_dma source(%dma_start3A_166 : memref<1x64xf32, #tpu.memory_space<hbm>>) target(%dma_start3A_164 : memref<1x64xf32, #tpu.memory_space<hbm>>) target_semaphore(%arg12 : memref<!tpu.dma_semaphore, #tpu.memory_space<semaphore_mem>>)
        %slice3A_167 = vector.extract_strided_slice %get3A_115 {offsets = [6], sizes = [1], strides = [1]} : vector<16xi32> to vector<1xi32>
        %squeeze3A_168 = vector.extract %slice3A_167[0] : i32 from vector<1xi32>
        %slice3A_169 = vector.extract_strided_slice %get3A_121 {offsets = [6], sizes = [1], strides = [1]} : vector<16xi32> to vector<1xi32>
        %squeeze3A_170 = vector.extract %slice3A_169[0] : i32 from vector<1xi32>
        %dma_start3A_171 = arith.constant 0 : i32
        %dma_start3A_172 = tpu.memref_slice %arg5[%squeeze3A_170, %dma_start3A_171] : memref<1000000x64xf32, #tpu.memory_space<hbm>> -> memref<1x64xf32, #tpu.memory_space<hbm>>
        %dma_start3A_173 = arith.constant 0 : i32
        %dma_start3A_174 = tpu.memref_slice %arg4[%squeeze3A_168, %dma_start3A_173] : memref<16384x64xf32, #tpu.memory_space<hbm>> -> memref<1x64xf32, #tpu.memory_space<hbm>>
        tpu.enqueue_dma source(%dma_start3A_174 : memref<1x64xf32, #tpu.memory_space<hbm>>) target(%dma_start3A_172 : memref<1x64xf32, #tpu.memory_space<hbm>>) target_semaphore(%arg12 : memref<!tpu.dma_semaphore, #tpu.memory_space<semaphore_mem>>)
        %slice3A_175 = vector.extract_strided_slice %get3A_115 {offsets = [7], sizes = [1], strides = [1]} : vector<16xi32> to vector<1xi32>
        %squeeze3A_176 = vector.extract %slice3A_175[0] : i32 from vector<1xi32>
        %slice3A_177 = vector.extract_strided_slice %get3A_121 {offsets = [7], sizes = [1], strides = [1]} : vector<16xi32> to vector<1xi32>
        %squeeze3A_178 = vector.extract %slice3A_177[0] : i32 from vector<1xi32>
        %dma_start3A_179 = arith.constant 0 : i32
        %dma_start3A_180 = tpu.memref_slice %arg5[%squeeze3A_178, %dma_start3A_179] : memref<1000000x64xf32, #tpu.memory_space<hbm>> -> memref<1x64xf32, #tpu.memory_space<hbm>>
        %dma_start3A_181 = arith.constant 0 : i32
        %dma_start3A_182 = tpu.memref_slice %arg4[%squeeze3A_176, %dma_start3A_181] : memref<16384x64xf32, #tpu.memory_space<hbm>> -> memref<1x64xf32, #tpu.memory_space<hbm>>
        tpu.enqueue_dma source(%dma_start3A_182 : memref<1x64xf32, #tpu.memory_space<hbm>>) target(%dma_start3A_180 : memref<1x64xf32, #tpu.memory_space<hbm>>) target_semaphore(%arg12 : memref<!tpu.dma_semaphore, #tpu.memory_space<semaphore_mem>>)
        %slice3A_183 = vector.extract_strided_slice %get3A_115 {offsets = [8], sizes = [1], strides = [1]} : vector<16xi32> to vector<1xi32>
        %squeeze3A_184 = vector.extract %slice3A_183[0] : i32 from vector<1xi32>
        %slice3A_185 = vector.extract_strided_slice %get3A_121 {offsets = [8], sizes = [1], strides = [1]} : vector<16xi32> to vector<1xi32>
        %squeeze3A_186 = vector.extract %slice3A_185[0] : i32 from vector<1xi32>
        %dma_start3A_187 = arith.constant 0 : i32
        %dma_start3A_188 = tpu.memref_slice %arg5[%squeeze3A_186, %dma_start3A_187] : memref<1000000x64xf32, #tpu.memory_space<hbm>> -> memref<1x64xf32, #tpu.memory_space<hbm>>
        %dma_start3A_189 = arith.constant 0 : i32
        %dma_start3A_190 = tpu.memref_slice %arg4[%squeeze3A_184, %dma_start3A_189] : memref<16384x64xf32, #tpu.memory_space<hbm>> -> memref<1x64xf32, #tpu.memory_space<hbm>>
        tpu.enqueue_dma source(%dma_start3A_190 : memref<1x64xf32, #tpu.memory_space<hbm>>) target(%dma_start3A_188 : memref<1x64xf32, #tpu.memory_space<hbm>>) target_semaphore(%arg12 : memref<!tpu.dma_semaphore, #tpu.memory_space<semaphore_mem>>)
        %slice3A_191 = vector.extract_strided_slice %get3A_115 {offsets = [9], sizes = [1], strides = [1]} : vector<16xi32> to vector<1xi32>
        %squeeze3A_192 = vector.extract %slice3A_191[0] : i32 from vector<1xi32>
        %slice3A_193 = vector.extract_strided_slice %get3A_121 {offsets = [9], sizes = [1], strides = [1]} : vector<16xi32> to vector<1xi32>
        %squeeze3A_194 = vector.extract %slice3A_193[0] : i32 from vector<1xi32>
        %dma_start3A_195 = arith.constant 0 : i32
        %dma_start3A_196 = tpu.memref_slice %arg5[%squeeze3A_194, %dma_start3A_195] : memref<1000000x64xf32, #tpu.memory_space<hbm>> -> memref<1x64xf32, #tpu.memory_space<hbm>>
        %dma_start3A_197 = arith.constant 0 : i32
        %dma_start3A_198 = tpu.memref_slice %arg4[%squeeze3A_192, %dma_start3A_197] : memref<16384x64xf32, #tpu.memory_space<hbm>> -> memref<1x64xf32, #tpu.memory_space<hbm>>
        tpu.enqueue_dma source(%dma_start3A_198 : memref<1x64xf32, #tpu.memory_space<hbm>>) target(%dma_start3A_196 : memref<1x64xf32, #tpu.memory_space<hbm>>) target_semaphore(%arg12 : memref<!tpu.dma_semaphore, #tpu.memory_space<semaphore_mem>>)
        %slice3A_199 = vector.extract_strided_slice %get3A_115 {offsets = [10], sizes = [1], strides = [1]} : vector<16xi32> to vector<1xi32>
        %squeeze3A_200 = vector.extract %slice3A_199[0] : i32 from vector<1xi32>
        %slice3A_201 = vector.extract_strided_slice %get3A_121 {offsets = [10], sizes = [1], strides = [1]} : vector<16xi32> to vector<1xi32>
        %squeeze3A_202 = vector.extract %slice3A_201[0] : i32 from vector<1xi32>
        %dma_start3A_203 = arith.constant 0 : i32
        %dma_start3A_204 = tpu.memref_slice %arg5[%squeeze3A_202, %dma_start3A_203] : memref<1000000x64xf32, #tpu.memory_space<hbm>> -> memref<1x64xf32, #tpu.memory_space<hbm>>
        %dma_start3A_205 = arith.constant 0 : i32
        %dma_start3A_206 = tpu.memref_slice %arg4[%squeeze3A_200, %dma_start3A_205] : memref<16384x64xf32, #tpu.memory_space<hbm>> -> memref<1x64xf32, #tpu.memory_space<hbm>>
        tpu.enqueue_dma source(%dma_start3A_206 : memref<1x64xf32, #tpu.memory_space<hbm>>) target(%dma_start3A_204 : memref<1x64xf32, #tpu.memory_space<hbm>>) target_semaphore(%arg12 : memref<!tpu.dma_semaphore, #tpu.memory_space<semaphore_mem>>)
        %slice3A_207 = vector.extract_strided_slice %get3A_115 {offsets = [11], sizes = [1], strides = [1]} : vector<16xi32> to vector<1xi32>
        %squeeze3A_208 = vector.extract %slice3A_207[0] : i32 from vector<1xi32>
        %slice3A_209 = vector.extract_strided_slice %get3A_121 {offsets = [11], sizes = [1], strides = [1]} : vector<16xi32> to vector<1xi32>
        %squeeze3A_210 = vector.extract %slice3A_209[0] : i32 from vector<1xi32>
        %dma_start3A_211 = arith.constant 0 : i32
        %dma_start3A_212 = tpu.memref_slice %arg5[%squeeze3A_210, %dma_start3A_211] : memref<1000000x64xf32, #tpu.memory_space<hbm>> -> memref<1x64xf32, #tpu.memory_space<hbm>>
        %dma_start3A_213 = arith.constant 0 : i32
        %dma_start3A_214 = tpu.memref_slice %arg4[%squeeze3A_208, %dma_start3A_213] : memref<16384x64xf32, #tpu.memory_space<hbm>> -> memref<1x64xf32, #tpu.memory_space<hbm>>
        tpu.enqueue_dma source(%dma_start3A_214 : memref<1x64xf32, #tpu.memory_space<hbm>>) target(%dma_start3A_212 : memref<1x64xf32, #tpu.memory_space<hbm>>) target_semaphore(%arg12 : memref<!tpu.dma_semaphore, #tpu.memory_space<semaphore_mem>>)
        %slice3A_215 = vector.extract_strided_slice %get3A_115 {offsets = [12], sizes = [1], strides = [1]} : vector<16xi32> to vector<1xi32>
        %squeeze3A_216 = vector.extract %slice3A_215[0] : i32 from vector<1xi32>
        %slice3A_217 = vector.extract_strided_slice %get3A_121 {offsets = [12], sizes = [1], strides = [1]} : vector<16xi32> to vector<1xi32>
        %squeeze3A_218 = vector.extract %slice3A_217[0] : i32 from vector<1xi32>
        %dma_start3A_219 = arith.constant 0 : i32
        %dma_start3A_220 = tpu.memref_slice %arg5[%squeeze3A_218, %dma_start3A_219] : memref<1000000x64xf32, #tpu.memory_space<hbm>> -> memref<1x64xf32, #tpu.memory_space<hbm>>
        %dma_start3A_221 = arith.constant 0 : i32
        %dma_start3A_222 = tpu.memref_slice %arg4[%squeeze3A_216, %dma_start3A_221] : memref<16384x64xf32, #tpu.memory_space<hbm>> -> memref<1x64xf32, #tpu.memory_space<hbm>>
        tpu.enqueue_dma source(%dma_start3A_222 : memref<1x64xf32, #tpu.memory_space<hbm>>) target(%dma_start3A_220 : memref<1x64xf32, #tpu.memory_space<hbm>>) target_semaphore(%arg12 : memref<!tpu.dma_semaphore, #tpu.memory_space<semaphore_mem>>)
        %slice3A_223 = vector.extract_strided_slice %get3A_115 {offsets = [13], sizes = [1], strides = [1]} : vector<16xi32> to vector<1xi32>
        %squeeze3A_224 = vector.extract %slice3A_223[0] : i32 from vector<1xi32>
        %slice3A_225 = vector.extract_strided_slice %get3A_121 {offsets = [13], sizes = [1], strides = [1]} : vector<16xi32> to vector<1xi32>
        %squeeze3A_226 = vector.extract %slice3A_225[0] : i32 from vector<1xi32>
        %dma_start3A_227 = arith.constant 0 : i32
        %dma_start3A_228 = tpu.memref_slice %arg5[%squeeze3A_226, %dma_start3A_227] : memref<1000000x64xf32, #tpu.memory_space<hbm>> -> memref<1x64xf32, #tpu.memory_space<hbm>>
        %dma_start3A_229 = arith.constant 0 : i32
        %dma_start3A_230 = tpu.memref_slice %arg4[%squeeze3A_224, %dma_start3A_229] : memref<16384x64xf32, #tpu.memory_space<hbm>> -> memref<1x64xf32, #tpu.memory_space<hbm>>
        tpu.enqueue_dma source(%dma_start3A_230 : memref<1x64xf32, #tpu.memory_space<hbm>>) target(%dma_start3A_228 : memref<1x64xf32, #tpu.memory_space<hbm>>) target_semaphore(%arg12 : memref<!tpu.dma_semaphore, #tpu.memory_space<semaphore_mem>>)
        %slice3A_231 = vector.extract_strided_slice %get3A_115 {offsets = [14], sizes = [1], strides = [1]} : vector<16xi32> to vector<1xi32>
        %squeeze3A_232 = vector.extract %slice3A_231[0] : i32 from vector<1xi32>
        %slice3A_233 = vector.extract_strided_slice %get3A_121 {offsets = [14], sizes = [1], strides = [1]} : vector<16xi32> to vector<1xi32>
        %squeeze3A_234 = vector.extract %slice3A_233[0] : i32 from vector<1xi32>
        %dma_start3A_235 = arith.constant 0 : i32
        %dma_start3A_236 = tpu.memref_slice %arg5[%squeeze3A_234, %dma_start3A_235] : memref<1000000x64xf32, #tpu.memory_space<hbm>> -> memref<1x64xf32, #tpu.memory_space<hbm>>
        %dma_start3A_237 = arith.constant 0 : i32
        %dma_start3A_238 = tpu.memref_slice %arg4[%squeeze3A_232, %dma_start3A_237] : memref<16384x64xf32, #tpu.memory_space<hbm>> -> memref<1x64xf32, #tpu.memory_space<hbm>>
        tpu.enqueue_dma source(%dma_start3A_238 : memref<1x64xf32, #tpu.memory_space<hbm>>) target(%dma_start3A_236 : memref<1x64xf32, #tpu.memory_space<hbm>>) target_semaphore(%arg12 : memref<!tpu.dma_semaphore, #tpu.memory_space<semaphore_mem>>)
        %slice3A_239 = vector.extract_strided_slice %get3A_115 {offsets = [15], sizes = [1], strides = [1]} : vector<16xi32> to vector<1xi32>
        %squeeze3A_240 = vector.extract %slice3A_239[0] : i32 from vector<1xi32>
        %slice3A_241 = vector.extract_strided_slice %get3A_121 {offsets = [15], sizes = [1], strides = [1]} : vector<16xi32> to vector<1xi32>
        %squeeze3A_242 = vector.extract %slice3A_241[0] : i32 from vector<1xi32>
        %dma_start3A_243 = arith.constant 0 : i32
        %dma_start3A_244 = tpu.memref_slice %arg5[%squeeze3A_242, %dma_start3A_243] : memref<1000000x64xf32, #tpu.memory_space<hbm>> -> memref<1x64xf32, #tpu.memory_space<hbm>>
        %dma_start3A_245 = arith.constant 0 : i32
        %dma_start3A_246 = tpu.memref_slice %arg4[%squeeze3A_240, %dma_start3A_245] : memref<16384x64xf32, #tpu.memory_space<hbm>> -> memref<1x64xf32, #tpu.memory_space<hbm>>
        tpu.enqueue_dma source(%dma_start3A_246 : memref<1x64xf32, #tpu.memory_space<hbm>>) target(%dma_start3A_244 : memref<1x64xf32, #tpu.memory_space<hbm>>) target_semaphore(%arg12 : memref<!tpu.dma_semaphore, #tpu.memory_space<semaphore_mem>>)
        %mul3A_247 = arith.constant 64 : i32
        %mul3A_248 = arith.muli %scan3A_107, %mul3A_247 : i32
        %add3A_249 = arith.constant 16 : i32
        %add3A_250 = arith.addi %mul3A_248, %add3A_249 : i32
        %get3A_251 = arith.index_cast %add3A_250 : i32 to index
        %get3A_252 = tpu.vector_load %arg8[%get3A_251] {strides = array<i32>} : memref<2064xi32, #tpu.memory_space<vmem>>, vector<16xi32>,
        %mul3A_253 = arith.constant 64 : i32
        %mul3A_254 = arith.muli %scan3A_107, %mul3A_253 : i32
        %add3A_255 = arith.constant 16 : i32
        %add3A_256 = arith.addi %mul3A_254, %add3A_255 : i32
        %get3A_257 = arith.index_cast %add3A_256 : i32 to index
        %get3A_258 = tpu.vector_load %arg9[%get3A_257] {strides = array<i32>} : memref<2064xi32, #tpu.memory_space<vmem>>, vector<16xi32>,
        %slice3A_259 = vector.extract_strided_slice %get3A_252 {offsets = [0], sizes = [1], strides = [1]} : vector<16xi32> to vector<1xi32>
        %squeeze3A_260 = vector.extract %slice3A_259[0] : i32 from vector<1xi32>
        %slice3A_261 = vector.extract_strided_slice %get3A_258 {offsets = [0], sizes = [1], strides = [1]} : vector<16xi32> to vector<1xi32>
        %squeeze3A_262 = vector.extract %slice3A_261[0] : i32 from vector<1xi32>
        %dma_start3A_263 = arith.constant 0 : i32
        %dma_start3A_264 = tpu.memref_slice %arg5[%squeeze3A_262, %dma_start3A_263] : memref<1000000x64xf32, #tpu.memory_space<hbm>> -> memref<1x64xf32, #tpu.memory_space<hbm>>
        %dma_start3A_265 = arith.constant 0 : i32
        %dma_start3A_266 = tpu.memref_slice %arg4[%squeeze3A_260, %dma_start3A_265] : memref<16384x64xf32, #tpu.memory_space<hbm>> -> memref<1x64xf32, #tpu.memory_space<hbm>>
        tpu.enqueue_dma source(%dma_start3A_266 : memref<1x64xf32, #tpu.memory_space<hbm>>) target(%dma_start3A_264 : memref<1x64xf32, #tpu.memory_space<hbm>>) target_semaphore(%arg12 : memref<!tpu.dma_semaphore, #tpu.memory_space<semaphore_mem>>)
        %slice3A_267 = vector.extract_strided_slice %get3A_252 {offsets = [1], sizes = [1], strides = [1]} : vector<16xi32> to vector<1xi32>
        %squeeze3A_268 = vector.extract %slice3A_267[0] : i32 from vector<1xi32>
        %slice3A_269 = vector.extract_strided_slice %get3A_258 {offsets = [1], sizes = [1], strides = [1]} : vector<16xi32> to vector<1xi32>
        %squeeze3A_270 = vector.extract %slice3A_269[0] : i32 from vector<1xi32>
        %dma_start3A_271 = arith.constant 0 : i32
        %dma_start3A_272 = tpu.memref_slice %arg5[%squeeze3A_270, %dma_start3A_271] : memref<1000000x64xf32, #tpu.memory_space<hbm>> -> memref<1x64xf32, #tpu.memory_space<hbm>>
        %dma_start3A_273 = arith.constant 0 : i32
        %dma_start3A_274 = tpu.memref_slice %arg4[%squeeze3A_268, %dma_start3A_273] : memref<16384x64xf32, #tpu.memory_space<hbm>> -> memref<1x64xf32, #tpu.memory_space<hbm>>
        tpu.enqueue_dma source(%dma_start3A_274 : memref<1x64xf32, #tpu.memory_space<hbm>>) target(%dma_start3A_272 : memref<1x64xf32, #tpu.memory_space<hbm>>) target_semaphore(%arg12 : memref<!tpu.dma_semaphore, #tpu.memory_space<semaphore_mem>>)
        %slice3A_275 = vector.extract_strided_slice %get3A_252 {offsets = [2], sizes = [1], strides = [1]} : vector<16xi32> to vector<1xi32>
        %squeeze3A_276 = vector.extract %slice3A_275[0] : i32 from vector<1xi32>
        %slice3A_277 = vector.extract_strided_slice %get3A_258 {offsets = [2], sizes = [1], strides = [1]} : vector<16xi32> to vector<1xi32>
        %squeeze3A_278 = vector.extract %slice3A_277[0] : i32 from vector<1xi32>
        %dma_start3A_279 = arith.constant 0 : i32
        %dma_start3A_280 = tpu.memref_slice %arg5[%squeeze3A_278, %dma_start3A_279] : memref<1000000x64xf32, #tpu.memory_space<hbm>> -> memref<1x64xf32, #tpu.memory_space<hbm>>
        %dma_start3A_281 = arith.constant 0 : i32
        %dma_start3A_282 = tpu.memref_slice %arg4[%squeeze3A_276, %dma_start3A_281] : memref<16384x64xf32, #tpu.memory_space<hbm>> -> memref<1x64xf32, #tpu.memory_space<hbm>>
        tpu.enqueue_dma source(%dma_start3A_282 : memref<1x64xf32, #tpu.memory_space<hbm>>) target(%dma_start3A_280 : memref<1x64xf32, #tpu.memory_space<hbm>>) target_semaphore(%arg12 : memref<!tpu.dma_semaphore, #tpu.memory_space<semaphore_mem>>)
        %slice3A_283 = vector.extract_strided_slice %get3A_252 {offsets = [3], sizes = [1], strides = [1]} : vector<16xi32> to vector<1xi32>
        %squeeze3A_284 = vector.extract %slice3A_283[0] : i32 from vector<1xi32>
        %slice3A_285 = vector.extract_strided_slice %get3A_258 {offsets = [3], sizes = [1], strides = [1]} : vector<16xi32> to vector<1xi32>
        %squeeze3A_286 = vector.extract %slice3A_285[0] : i32 from vector<1xi32>
        %dma_start3A_287 = arith.constant 0 : i32
        %dma_start3A_288 = tpu.memref_slice %arg5[%squeeze3A_286, %dma_start3A_287] : memref<1000000x64xf32, #tpu.memory_space<hbm>> -> memref<1x64xf32, #tpu.memory_space<hbm>>
        %dma_start3A_289 = arith.constant 0 : i32
        %dma_start3A_290 = tpu.memref_slice %arg4[%squeeze3A_284, %dma_start3A_289] : memref<16384x64xf32, #tpu.memory_space<hbm>> -> memref<1x64xf32, #tpu.memory_space<hbm>>
        tpu.enqueue_dma source(%dma_start3A_290 : memref<1x64xf32, #tpu.memory_space<hbm>>) target(%dma_start3A_288 : memref<1x64xf32, #tpu.memory_space<hbm>>) target_semaphore(%arg12 : memref<!tpu.dma_semaphore, #tpu.memory_space<semaphore_mem>>)
        %slice3A_291 = vector.extract_strided_slice %get3A_252 {offsets = [4], sizes = [1], strides = [1]} : vector<16xi32> to vector<1xi32>
        %squeeze3A_292 = vector.extract %slice3A_291[0] : i32 from vector<1xi32>
        %slice3A_293 = vector.extract_strided_slice %get3A_258 {offsets = [4], sizes = [1], strides = [1]} : vector<16xi32> to vector<1xi32>
        %squeeze3A_294 = vector.extract %slice3A_293[0] : i32 from vector<1xi32>
        %dma_start3A_295 = arith.constant 0 : i32
        %dma_start3A_296 = tpu.memref_slice %arg5[%squeeze3A_294, %dma_start3A_295] : memref<1000000x64xf32, #tpu.memory_space<hbm>> -> memref<1x64xf32, #tpu.memory_space<hbm>>
        %dma_start3A_297 = arith.constant 0 : i32
        %dma_start3A_298 = tpu.memref_slice %arg4[%squeeze3A_292, %dma_start3A_297] : memref<16384x64xf32, #tpu.memory_space<hbm>> -> memref<1x64xf32, #tpu.memory_space<hbm>>
        tpu.enqueue_dma source(%dma_start3A_298 : memref<1x64xf32, #tpu.memory_space<hbm>>) target(%dma_start3A_296 : memref<1x64xf32, #tpu.memory_space<hbm>>) target_semaphore(%arg12 : memref<!tpu.dma_semaphore, #tpu.memory_space<semaphore_mem>>)
        %slice3A_299 = vector.extract_strided_slice %get3A_252 {offsets = [5], sizes = [1], strides = [1]} : vector<16xi32> to vector<1xi32>
        %squeeze3A_300 = vector.extract %slice3A_299[0] : i32 from vector<1xi32>
        %slice3A_301 = vector.extract_strided_slice %get3A_258 {offsets = [5], sizes = [1], strides = [1]} : vector<16xi32> to vector<1xi32>
        %squeeze3A_302 = vector.extract %slice3A_301[0] : i32 from vector<1xi32>
        %dma_start3A_303 = arith.constant 0 : i32
        %dma_start3A_304 = tpu.memref_slice %arg5[%squeeze3A_302, %dma_start3A_303] : memref<1000000x64xf32, #tpu.memory_space<hbm>> -> memref<1x64xf32, #tpu.memory_space<hbm>>
        %dma_start3A_305 = arith.constant 0 : i32
        %dma_start3A_306 = tpu.memref_slice %arg4[%squeeze3A_300, %dma_start3A_305] : memref<16384x64xf32, #tpu.memory_space<hbm>> -> memref<1x64xf32, #tpu.memory_space<hbm>>
        tpu.enqueue_dma source(%dma_start3A_306 : memref<1x64xf32, #tpu.memory_space<hbm>>) target(%dma_start3A_304 : memref<1x64xf32, #tpu.memory_space<hbm>>) target_semaphore(%arg12 : memref<!tpu.dma_semaphore, #tpu.memory_space<semaphore_mem>>)
        %slice3A_307 = vector.extract_strided_slice %get3A_252 {offsets = [6], sizes = [1], strides = [1]} : vector<16xi32> to vector<1xi32>
        %squeeze3A_308 = vector.extract %slice3A_307[0] : i32 from vector<1xi32>
        %slice3A_309 = vector.extract_strided_slice %get3A_258 {offsets = [6], sizes = [1], strides = [1]} : vector<16xi32> to vector<1xi32>
        %squeeze3A_310 = vector.extract %slice3A_309[0] : i32 from vector<1xi32>
        %dma_start3A_311 = arith.constant 0 : i32
        %dma_start3A_312 = tpu.memref_slice %arg5[%squeeze3A_310, %dma_start3A_311] : memref<1000000x64xf32, #tpu.memory_space<hbm>> -> memref<1x64xf32, #tpu.memory_space<hbm>>
        %dma_start3A_313 = arith.constant 0 : i32
        %dma_start3A_314 = tpu.memref_slice %arg4[%squeeze3A_308, %dma_start3A_313] : memref<16384x64xf32, #tpu.memory_space<hbm>> -> memref<1x64xf32, #tpu.memory_space<hbm>>
        tpu.enqueue_dma source(%dma_start3A_314 : memref<1x64xf32, #tpu.memory_space<hbm>>) target(%dma_start3A_312 : memref<1x64xf32, #tpu.memory_space<hbm>>) target_semaphore(%arg12 : memref<!tpu.dma_semaphore, #tpu.memory_space<semaphore_mem>>)
        %slice3A_315 = vector.extract_strided_slice %get3A_252 {offsets = [7], sizes = [1], strides = [1]} : vector<16xi32> to vector<1xi32>
        %squeeze3A_316 = vector.extract %slice3A_315[0] : i32 from vector<1xi32>
        %slice3A_317 = vector.extract_strided_slice %get3A_258 {offsets = [7], sizes = [1], strides = [1]} : vector<16xi32> to vector<1xi32>
        %squeeze3A_318 = vector.extract %slice3A_317[0] : i32 from vector<1xi32>
        %dma_start3A_319 = arith.constant 0 : i32
        %dma_start3A_320 = tpu.memref_slice %arg5[%squeeze3A_318, %dma_start3A_319] : memref<1000000x64xf32, #tpu.memory_space<hbm>> -> memref<1x64xf32, #tpu.memory_space<hbm>>
        %dma_start3A_321 = arith.constant 0 : i32
        %dma_start3A_322 = tpu.memref_slice %arg4[%squeeze3A_316, %dma_start3A_321] : memref<16384x64xf32, #tpu.memory_space<hbm>> -> memref<1x64xf32, #tpu.memory_space<hbm>>
        tpu.enqueue_dma source(%dma_start3A_322 : memref<1x64xf32, #tpu.memory_space<hbm>>) target(%dma_start3A_320 : memref<1x64xf32, #tpu.memory_space<hbm>>) target_semaphore(%arg12 : memref<!tpu.dma_semaphore, #tpu.memory_space<semaphore_mem>>)
        %slice3A_323 = vector.extract_strided_slice %get3A_252 {offsets = [8], sizes = [1], strides = [1]} : vector<16xi32> to vector<1xi32>
        %squeeze3A_324 = vector.extract %slice3A_323[0] : i32 from vector<1xi32>
        %slice3A_325 = vector.extract_strided_slice %get3A_258 {offsets = [8], sizes = [1], strides = [1]} : vector<16xi32> to vector<1xi32>
        %squeeze3A_326 = vector.extract %slice3A_325[0] : i32 from vector<1xi32>
        %dma_start3A_327 = arith.constant 0 : i32
        %dma_start3A_328 = tpu.memref_slice %arg5[%squeeze3A_326, %dma_start3A_327] : memref<1000000x64xf32, #tpu.memory_space<hbm>> -> memref<1x64xf32, #tpu.memory_space<hbm>>
        %dma_start3A_329 = arith.constant 0 : i32
        %dma_start3A_330 = tpu.memref_slice %arg4[%squeeze3A_324, %dma_start3A_329] : memref<16384x64xf32, #tpu.memory_space<hbm>> -> memref<1x64xf32, #tpu.memory_space<hbm>>
        tpu.enqueue_dma source(%dma_start3A_330 : memref<1x64xf32, #tpu.memory_space<hbm>>) target(%dma_start3A_328 : memref<1x64xf32, #tpu.memory_space<hbm>>) target_semaphore(%arg12 : memref<!tpu.dma_semaphore, #tpu.memory_space<semaphore_mem>>)
        %slice3A_331 = vector.extract_strided_slice %get3A_252 {offsets = [9], sizes = [1], strides = [1]} : vector<16xi32> to vector<1xi32>
        %squeeze3A_332 = vector.extract %slice3A_331[0] : i32 from vector<1xi32>
        %slice3A_333 = vector.extract_strided_slice %get3A_258 {offsets = [9], sizes = [1], strides = [1]} : vector<16xi32> to vector<1xi32>
        %squeeze3A_334 = vector.extract %slice3A_333[0] : i32 from vector<1xi32>
        %dma_start3A_335 = arith.constant 0 : i32
        %dma_start3A_336 = tpu.memref_slice %arg5[%squeeze3A_334, %dma_start3A_335] : memref<1000000x64xf32, #tpu.memory_space<hbm>> -> memref<1x64xf32, #tpu.memory_space<hbm>>
        %dma_start3A_337 = arith.constant 0 : i32
        %dma_start3A_338 = tpu.memref_slice %arg4[%squeeze3A_332, %dma_start3A_337] : memref<16384x64xf32, #tpu.memory_space<hbm>> -> memref<1x64xf32, #tpu.memory_space<hbm>>
        tpu.enqueue_dma source(%dma_start3A_338 : memref<1x64xf32, #tpu.memory_space<hbm>>) target(%dma_start3A_336 : memref<1x64xf32, #tpu.memory_space<hbm>>) target_semaphore(%arg12 : memref<!tpu.dma_semaphore, #tpu.memory_space<semaphore_mem>>)
        %slice3A_339 = vector.extract_strided_slice %get3A_252 {offsets = [10], sizes = [1], strides = [1]} : vector<16xi32> to vector<1xi32>
        %squeeze3A_340 = vector.extract %slice3A_339[0] : i32 from vector<1xi32>
        %slice3A_341 = vector.extract_strided_slice %get3A_258 {offsets = [10], sizes = [1], strides = [1]} : vector<16xi32> to vector<1xi32>
        %squeeze3A_342 = vector.extract %slice3A_341[0] : i32 from vector<1xi32>
        %dma_start3A_343 = arith.constant 0 : i32
        %dma_start3A_344 = tpu.memref_slice %arg5[%squeeze3A_342, %dma_start3A_343] : memref<1000000x64xf32, #tpu.memory_space<hbm>> -> memref<1x64xf32, #tpu.memory_space<hbm>>
        %dma_start3A_345 = arith.constant 0 : i32
        %dma_start3A_346 = tpu.memref_slice %arg4[%squeeze3A_340, %dma_start3A_345] : memref<16384x64xf32, #tpu.memory_space<hbm>> -> memref<1x64xf32, #tpu.memory_space<hbm>>
        tpu.enqueue_dma source(%dma_start3A_346 : memref<1x64xf32, #tpu.memory_space<hbm>>) target(%dma_start3A_344 : memref<1x64xf32, #tpu.memory_space<hbm>>) target_semaphore(%arg12 : memref<!tpu.dma_semaphore, #tpu.memory_space<semaphore_mem>>)
        %slice3A_347 = vector.extract_strided_slice %get3A_252 {offsets = [11], sizes = [1], strides = [1]} : vector<16xi32> to vector<1xi32>
        %squeeze3A_348 = vector.extract %slice3A_347[0] : i32 from vector<1xi32>
        %slice3A_349 = vector.extract_strided_slice %get3A_258 {offsets = [11], sizes = [1], strides = [1]} : vector<16xi32> to vector<1xi32>
        %squeeze3A_350 = vector.extract %slice3A_349[0] : i32 from vector<1xi32>
        %dma_start3A_351 = arith.constant 0 : i32
        %dma_start3A_352 = tpu.memref_slice %arg5[%squeeze3A_350, %dma_start3A_351] : memref<1000000x64xf32, #tpu.memory_space<hbm>> -> memref<1x64xf32, #tpu.memory_space<hbm>>
        %dma_start3A_353 = arith.constant 0 : i32
        %dma_start3A_354 = tpu.memref_slice %arg4[%squeeze3A_348, %dma_start3A_353] : memref<16384x64xf32, #tpu.memory_space<hbm>> -> memref<1x64xf32, #tpu.memory_space<hbm>>
        tpu.enqueue_dma source(%dma_start3A_354 : memref<1x64xf32, #tpu.memory_space<hbm>>) target(%dma_start3A_352 : memref<1x64xf32, #tpu.memory_space<hbm>>) target_semaphore(%arg12 : memref<!tpu.dma_semaphore, #tpu.memory_space<semaphore_mem>>)
        %slice3A_355 = vector.extract_strided_slice %get3A_252 {offsets = [12], sizes = [1], strides = [1]} : vector<16xi32> to vector<1xi32>
        %squeeze3A_356 = vector.extract %slice3A_355[0] : i32 from vector<1xi32>
        %slice3A_357 = vector.extract_strided_slice %get3A_258 {offsets = [12], sizes = [1], strides = [1]} : vector<16xi32> to vector<1xi32>
        %squeeze3A_358 = vector.extract %slice3A_357[0] : i32 from vector<1xi32>
        %dma_start3A_359 = arith.constant 0 : i32
        %dma_start3A_360 = tpu.memref_slice %arg5[%squeeze3A_358, %dma_start3A_359] : memref<1000000x64xf32, #tpu.memory_space<hbm>> -> memref<1x64xf32, #tpu.memory_space<hbm>>
        %dma_start3A_361 = arith.constant 0 : i32
        %dma_start3A_362 = tpu.memref_slice %arg4[%squeeze3A_356, %dma_start3A_361] : memref<16384x64xf32, #tpu.memory_space<hbm>> -> memref<1x64xf32, #tpu.memory_space<hbm>>
        tpu.enqueue_dma source(%dma_start3A_362 : memref<1x64xf32, #tpu.memory_space<hbm>>) target(%dma_start3A_360 : memref<1x64xf32, #tpu.memory_space<hbm>>) target_semaphore(%arg12 : memref<!tpu.dma_semaphore, #tpu.memory_space<semaphore_mem>>)
        %slice3A_363 = vector.extract_strided_slice %get3A_252 {offsets = [13], sizes = [1], strides = [1]} : vector<16xi32> to vector<1xi32>
        %squeeze3A_364 = vector.extract %slice3A_363[0] : i32 from vector<1xi32>
        %slice3A_365 = vector.extract_strided_slice %get3A_258 {offsets = [13], sizes = [1], strides = [1]} : vector<16xi32> to vector<1xi32>
        %squeeze3A_366 = vector.extract %slice3A_365[0] : i32 from vector<1xi32>
        %dma_start3A_367 = arith.constant 0 : i32
        %dma_start3A_368 = tpu.memref_slice %arg5[%squeeze3A_366, %dma_start3A_367] : memref<1000000x64xf32, #tpu.memory_space<hbm>> -> memref<1x64xf32, #tpu.memory_space<hbm>>
        %dma_start3A_369 = arith.constant 0 : i32
        %dma_start3A_370 = tpu.memref_slice %arg4[%squeeze3A_364, %dma_start3A_369] : memref<16384x64xf32, #tpu.memory_space<hbm>> -> memref<1x64xf32, #tpu.memory_space<hbm>>
        tpu.enqueue_dma source(%dma_start3A_370 : memref<1x64xf32, #tpu.memory_space<hbm>>) target(%dma_start3A_368 : memref<1x64xf32, #tpu.memory_space<hbm>>) target_semaphore(%arg12 : memref<!tpu.dma_semaphore, #tpu.memory_space<semaphore_mem>>)
        %slice3A_371 = vector.extract_strided_slice %get3A_252 {offsets = [14], sizes = [1], strides = [1]} : vector<16xi32> to vector<1xi32>
        %squeeze3A_372 = vector.extract %slice3A_371[0] : i32 from vector<1xi32>
        %slice3A_373 = vector.extract_strided_slice %get3A_258 {offsets = [14], sizes = [1], strides = [1]} : vector<16xi32> to vector<1xi32>
        %squeeze3A_374 = vector.extract %slice3A_373[0] : i32 from vector<1xi32>
        %dma_start3A_375 = arith.constant 0 : i32
        %dma_start3A_376 = tpu.memref_slice %arg5[%squeeze3A_374, %dma_start3A_375] : memref<1000000x64xf32, #tpu.memory_space<hbm>> -> memref<1x64xf32, #tpu.memory_space<hbm>>
        %dma_start3A_377 = arith.constant 0 : i32
        %dma_start3A_378 = tpu.memref_slice %arg4[%squeeze3A_372, %dma_start3A_377] : memref<16384x64xf32, #tpu.memory_space<hbm>> -> memref<1x64xf32, #tpu.memory_space<hbm>>
        tpu.enqueue_dma source(%dma_start3A_378 : memref<1x64xf32, #tpu.memory_space<hbm>>) target(%dma_start3A_376 : memref<1x64xf32, #tpu.memory_space<hbm>>) target_semaphore(%arg12 : memref<!tpu.dma_semaphore, #tpu.memory_space<semaphore_mem>>)
        %slice3A_379 = vector.extract_strided_slice %get3A_252 {offsets = [15], sizes = [1], strides = [1]} : vector<16xi32> to vector<1xi32>
        %squeeze3A_380 = vector.extract %slice3A_379[0] : i32 from vector<1xi32>
        %slice3A_381 = vector.extract_strided_slice %get3A_258 {offsets = [15], sizes = [1], strides = [1]} : vector<16xi32> to vector<1xi32>
        %squeeze3A_382 = vector.extract %slice3A_381[0] : i32 from vector<1xi32>
        %dma_start3A_383 = arith.constant 0 : i32
        %dma_start3A_384 = tpu.memref_slice %arg5[%squeeze3A_382, %dma_start3A_383] : memref<1000000x64xf32, #tpu.memory_space<hbm>> -> memref<1x64xf32, #tpu.memory_space<hbm>>
        %dma_start3A_385 = arith.constant 0 : i32
        %dma_start3A_386 = tpu.memref_slice %arg4[%squeeze3A_380, %dma_start3A_385] : memref<16384x64xf32, #tpu.memory_space<hbm>> -> memref<1x64xf32, #tpu.memory_space<hbm>>
        tpu.enqueue_dma source(%dma_start3A_386 : memref<1x64xf32, #tpu.memory_space<hbm>>) target(%dma_start3A_384 : memref<1x64xf32, #tpu.memory_space<hbm>>) target_semaphore(%arg12 : memref<!tpu.dma_semaphore, #tpu.memory_space<semaphore_mem>>)
        %mul3A_387 = arith.constant 64 : i32
        %mul3A_388 = arith.muli %scan3A_107, %mul3A_387 : i32
        %add3A_389 = arith.constant 32 : i32
        %add3A_390 = arith.addi %mul3A_388, %add3A_389 : i32
        %get3A_391 = arith.index_cast %add3A_390 : i32 to index
        %get3A_392 = tpu.vector_load %arg8[%get3A_391] {strides = array<i32>} : memref<2064xi32, #tpu.memory_space<vmem>>, vector<16xi32>,
        %mul3A_393 = arith.constant 64 : i32
        %mul3A_394 = arith.muli %scan3A_107, %mul3A_393 : i32
        %add3A_395 = arith.constant 32 : i32
        %add3A_396 = arith.addi %mul3A_394, %add3A_395 : i32
        %get3A_397 = arith.index_cast %add3A_396 : i32 to index
        %get3A_398 = tpu.vector_load %arg9[%get3A_397] {strides = array<i32>} : memref<2064xi32, #tpu.memory_space<vmem>>, vector<16xi32>,
        %slice3A_399 = vector.extract_strided_slice %get3A_392 {offsets = [0], sizes = [1], strides = [1]} : vector<16xi32> to vector<1xi32>
        %squeeze3A_400 = vector.extract %slice3A_399[0] : i32 from vector<1xi32>
        %slice3A_401 = vector.extract_strided_slice %get3A_398 {offsets = [0], sizes = [1], strides = [1]} : vector<16xi32> to vector<1xi32>
        %squeeze3A_402 = vector.extract %slice3A_401[0] : i32 from vector<1xi32>
        %dma_start3A_403 = arith.constant 0 : i32
        %dma_start3A_404 = tpu.memref_slice %arg5[%squeeze3A_402, %dma_start3A_403] : memref<1000000x64xf32, #tpu.memory_space<hbm>> -> memref<1x64xf32, #tpu.memory_space<hbm>>
        %dma_start3A_405 = arith.constant 0 : i32
        %dma_start3A_406 = tpu.memref_slice %arg4[%squeeze3A_400, %dma_start3A_405] : memref<16384x64xf32, #tpu.memory_space<hbm>> -> memref<1x64xf32, #tpu.memory_space<hbm>>
        tpu.enqueue_dma source(%dma_start3A_406 : memref<1x64xf32, #tpu.memory_space<hbm>>) target(%dma_start3A_404 : memref<1x64xf32, #tpu.memory_space<hbm>>) target_semaphore(%arg12 : memref<!tpu.dma_semaphore, #tpu.memory_space<semaphore_mem>>)
        %slice3A_407 = vector.extract_strided_slice %get3A_392 {offsets = [1], sizes = [1], strides = [1]} : vector<16xi32> to vector<1xi32>
        %squeeze3A_408 = vector.extract %slice3A_407[0] : i32 from vector<1xi32>
        %slice3A_409 = vector.extract_strided_slice %get3A_398 {offsets = [1], sizes = [1], strides = [1]} : vector<16xi32> to vector<1xi32>
        %squeeze3A_410 = vector.extract %slice3A_409[0] : i32 from vector<1xi32>
        %dma_start3A_411 = arith.constant 0 : i32
        %dma_start3A_412 = tpu.memref_slice %arg5[%squeeze3A_410, %dma_start3A_411] : memref<1000000x64xf32, #tpu.memory_space<hbm>> -> memref<1x64xf32, #tpu.memory_space<hbm>>
        %dma_start3A_413 = arith.constant 0 : i32
        %dma_start3A_414 = tpu.memref_slice %arg4[%squeeze3A_408, %dma_start3A_413] : memref<16384x64xf32, #tpu.memory_space<hbm>> -> memref<1x64xf32, #tpu.memory_space<hbm>>
        tpu.enqueue_dma source(%dma_start3A_414 : memref<1x64xf32, #tpu.memory_space<hbm>>) target(%dma_start3A_412 : memref<1x64xf32, #tpu.memory_space<hbm>>) target_semaphore(%arg12 : memref<!tpu.dma_semaphore, #tpu.memory_space<semaphore_mem>>)
        %slice3A_415 = vector.extract_strided_slice %get3A_392 {offsets = [2], sizes = [1], strides = [1]} : vector<16xi32> to vector<1xi32>
        %squeeze3A_416 = vector.extract %slice3A_415[0] : i32 from vector<1xi32>
        %slice3A_417 = vector.extract_strided_slice %get3A_398 {offsets = [2], sizes = [1], strides = [1]} : vector<16xi32> to vector<1xi32>
        %squeeze3A_418 = vector.extract %slice3A_417[0] : i32 from vector<1xi32>
        %dma_start3A_419 = arith.constant 0 : i32
        %dma_start3A_420 = tpu.memref_slice %arg5[%squeeze3A_418, %dma_start3A_419] : memref<1000000x64xf32, #tpu.memory_space<hbm>> -> memref<1x64xf32, #tpu.memory_space<hbm>>
        %dma_start3A_421 = arith.constant 0 : i32
        %dma_start3A_422 = tpu.memref_slice %arg4[%squeeze3A_416, %dma_start3A_421] : memref<16384x64xf32, #tpu.memory_space<hbm>> -> memref<1x64xf32, #tpu.memory_space<hbm>>
        tpu.enqueue_dma source(%dma_start3A_422 : memref<1x64xf32, #tpu.memory_space<hbm>>) target(%dma_start3A_420 : memref<1x64xf32, #tpu.memory_space<hbm>>) target_semaphore(%arg12 : memref<!tpu.dma_semaphore, #tpu.memory_space<semaphore_mem>>)
        %slice3A_423 = vector.extract_strided_slice %get3A_392 {offsets = [3], sizes = [1], strides = [1]} : vector<16xi32> to vector<1xi32>
        %squeeze3A_424 = vector.extract %slice3A_423[0] : i32 from vector<1xi32>
        %slice3A_425 = vector.extract_strided_slice %get3A_398 {offsets = [3], sizes = [1], strides = [1]} : vector<16xi32> to vector<1xi32>
        %squeeze3A_426 = vector.extract %slice3A_425[0] : i32 from vector<1xi32>
        %dma_start3A_427 = arith.constant 0 : i32
        %dma_start3A_428 = tpu.memref_slice %arg5[%squeeze3A_426, %dma_start3A_427] : memref<1000000x64xf32, #tpu.memory_space<hbm>> -> memref<1x64xf32, #tpu.memory_space<hbm>>
        %dma_start3A_429 = arith.constant 0 : i32
        %dma_start3A_430 = tpu.memref_slice %arg4[%squeeze3A_424, %dma_start3A_429] : memref<16384x64xf32, #tpu.memory_space<hbm>> -> memref<1x64xf32, #tpu.memory_space<hbm>>
        tpu.enqueue_dma source(%dma_start3A_430 : memref<1x64xf32, #tpu.memory_space<hbm>>) target(%dma_start3A_428 : memref<1x64xf32, #tpu.memory_space<hbm>>) target_semaphore(%arg12 : memref<!tpu.dma_semaphore, #tpu.memory_space<semaphore_mem>>)
        %slice3A_431 = vector.extract_strided_slice %get3A_392 {offsets = [4], sizes = [1], strides = [1]} : vector<16xi32> to vector<1xi32>
        %squeeze3A_432 = vector.extract %slice3A_431[0] : i32 from vector<1xi32>
        %slice3A_433 = vector.extract_strided_slice %get3A_398 {offsets = [4], sizes = [1], strides = [1]} : vector<16xi32> to vector<1xi32>
        %squeeze3A_434 = vector.extract %slice3A_433[0] : i32 from vector<1xi32>
        %dma_start3A_435 = arith.constant 0 : i32
        %dma_start3A_436 = tpu.memref_slice %arg5[%squeeze3A_434, %dma_start3A_435] : memref<1000000x64xf32, #tpu.memory_space<hbm>> -> memref<1x64xf32, #tpu.memory_space<hbm>>
        %dma_start3A_437 = arith.constant 0 : i32
        %dma_start3A_438 = tpu.memref_slice %arg4[%squeeze3A_432, %dma_start3A_437] : memref<16384x64xf32, #tpu.memory_space<hbm>> -> memref<1x64xf32, #tpu.memory_space<hbm>>
        tpu.enqueue_dma source(%dma_start3A_438 : memref<1x64xf32, #tpu.memory_space<hbm>>) target(%dma_start3A_436 : memref<1x64xf32, #tpu.memory_space<hbm>>) target_semaphore(%arg12 : memref<!tpu.dma_semaphore, #tpu.memory_space<semaphore_mem>>)
        %slice3A_439 = vector.extract_strided_slice %get3A_392 {offsets = [5], sizes = [1], strides = [1]} : vector<16xi32> to vector<1xi32>
        %squeeze3A_440 = vector.extract %slice3A_439[0] : i32 from vector<1xi32>
        %slice3A_441 = vector.extract_strided_slice %get3A_398 {offsets = [5], sizes = [1], strides = [1]} : vector<16xi32> to vector<1xi32>
        %squeeze3A_442 = vector.extract %slice3A_441[0] : i32 from vector<1xi32>
        %dma_start3A_443 = arith.constant 0 : i32
        %dma_start3A_444 = tpu.memref_slice %arg5[%squeeze3A_442, %dma_start3A_443] : memref<1000000x64xf32, #tpu.memory_space<hbm>> -> memref<1x64xf32, #tpu.memory_space<hbm>>
        %dma_start3A_445 = arith.constant 0 : i32
        %dma_start3A_446 = tpu.memref_slice %arg4[%squeeze3A_440, %dma_start3A_445] : memref<16384x64xf32, #tpu.memory_space<hbm>> -> memref<1x64xf32, #tpu.memory_space<hbm>>
        tpu.enqueue_dma source(%dma_start3A_446 : memref<1x64xf32, #tpu.memory_space<hbm>>) target(%dma_start3A_444 : memref<1x64xf32, #tpu.memory_space<hbm>>) target_semaphore(%arg12 : memref<!tpu.dma_semaphore, #tpu.memory_space<semaphore_mem>>)
        %slice3A_447 = vector.extract_strided_slice %get3A_392 {offsets = [6], sizes = [1], strides = [1]} : vector<16xi32> to vector<1xi32>
        %squeeze3A_448 = vector.extract %slice3A_447[0] : i32 from vector<1xi32>
        %slice3A_449 = vector.extract_strided_slice %get3A_398 {offsets = [6], sizes = [1], strides = [1]} : vector<16xi32> to vector<1xi32>
        %squeeze3A_450 = vector.extract %slice3A_449[0] : i32 from vector<1xi32>
        %dma_start3A_451 = arith.constant 0 : i32
        %dma_start3A_452 = tpu.memref_slice %arg5[%squeeze3A_450, %dma_start3A_451] : memref<1000000x64xf32, #tpu.memory_space<hbm>> -> memref<1x64xf32, #tpu.memory_space<hbm>>
        %dma_start3A_453 = arith.constant 0 : i32
        %dma_start3A_454 = tpu.memref_slice %arg4[%squeeze3A_448, %dma_start3A_453] : memref<16384x64xf32, #tpu.memory_space<hbm>> -> memref<1x64xf32, #tpu.memory_space<hbm>>
        tpu.enqueue_dma source(%dma_start3A_454 : memref<1x64xf32, #tpu.memory_space<hbm>>) target(%dma_start3A_452 : memref<1x64xf32, #tpu.memory_space<hbm>>) target_semaphore(%arg12 : memref<!tpu.dma_semaphore, #tpu.memory_space<semaphore_mem>>)
        %slice3A_455 = vector.extract_strided_slice %get3A_392 {offsets = [7], sizes = [1], strides = [1]} : vector<16xi32> to vector<1xi32>
        %squeeze3A_456 = vector.extract %slice3A_455[0] : i32 from vector<1xi32>
        %slice3A_457 = vector.extract_strided_slice %get3A_398 {offsets = [7], sizes = [1], strides = [1]} : vector<16xi32> to vector<1xi32>
        %squeeze3A_458 = vector.extract %slice3A_457[0] : i32 from vector<1xi32>
        %dma_start3A_459 = arith.constant 0 : i32
        %dma_start3A_460 = tpu.memref_slice %arg5[%squeeze3A_458, %dma_start3A_459] : memref<1000000x64xf32, #tpu.memory_space<hbm>> -> memref<1x64xf32, #tpu.memory_space<hbm>>
        %dma_start3A_461 = arith.constant 0 : i32
        %dma_start3A_462 = tpu.memref_slice %arg4[%squeeze3A_456, %dma_start3A_461] : memref<16384x64xf32, #tpu.memory_space<hbm>> -> memref<1x64xf32, #tpu.memory_space<hbm>>
        tpu.enqueue_dma source(%dma_start3A_462 : memref<1x64xf32, #tpu.memory_space<hbm>>) target(%dma_start3A_460 : memref<1x64xf32, #tpu.memory_space<hbm>>) target_semaphore(%arg12 : memref<!tpu.dma_semaphore, #tpu.memory_space<semaphore_mem>>)
        %slice3A_463 = vector.extract_strided_slice %get3A_392 {offsets = [8], sizes = [1], strides = [1]} : vector<16xi32> to vector<1xi32>
        %squeeze3A_464 = vector.extract %slice3A_463[0] : i32 from vector<1xi32>
        %slice3A_465 = vector.extract_strided_slice %get3A_398 {offsets = [8], sizes = [1], strides = [1]} : vector<16xi32> to vector<1xi32>
        %squeeze3A_466 = vector.extract %slice3A_465[0] : i32 from vector<1xi32>
        %dma_start3A_467 = arith.constant 0 : i32
        %dma_start3A_468 = tpu.memref_slice %arg5[%squeeze3A_466, %dma_start3A_467] : memref<1000000x64xf32, #tpu.memory_space<hbm>> -> memref<1x64xf32, #tpu.memory_space<hbm>>
        %dma_start3A_469 = arith.constant 0 : i32
        %dma_start3A_470 = tpu.memref_slice %arg4[%squeeze3A_464, %dma_start3A_469] : memref<16384x64xf32, #tpu.memory_space<hbm>> -> memref<1x64xf32, #tpu.memory_space<hbm>>
        tpu.enqueue_dma source(%dma_start3A_470 : memref<1x64xf32, #tpu.memory_space<hbm>>) target(%dma_start3A_468 : memref<1x64xf32, #tpu.memory_space<hbm>>) target_semaphore(%arg12 : memref<!tpu.dma_semaphore, #tpu.memory_space<semaphore_mem>>)
        %slice3A_471 = vector.extract_strided_slice %get3A_392 {offsets = [9], sizes = [1], strides = [1]} : vector<16xi32> to vector<1xi32>
        %squeeze3A_472 = vector.extract %slice3A_471[0] : i32 from vector<1xi32>
        %slice3A_473 = vector.extract_strided_slice %get3A_398 {offsets = [9], sizes = [1], strides = [1]} : vector<16xi32> to vector<1xi32>
        %squeeze3A_474 = vector.extract %slice3A_473[0] : i32 from vector<1xi32>
        %dma_start3A_475 = arith.constant 0 : i32
        %dma_start3A_476 = tpu.memref_slice %arg5[%squeeze3A_474, %dma_start3A_475] : memref<1000000x64xf32, #tpu.memory_space<hbm>> -> memref<1x64xf32, #tpu.memory_space<hbm>>
        %dma_start3A_477 = arith.constant 0 : i32
        %dma_start3A_478 = tpu.memref_slice %arg4[%squeeze3A_472, %dma_start3A_477] : memref<16384x64xf32, #tpu.memory_space<hbm>> -> memref<1x64xf32, #tpu.memory_space<hbm>>
        tpu.enqueue_dma source(%dma_start3A_478 : memref<1x64xf32, #tpu.memory_space<hbm>>) target(%dma_start3A_476 : memref<1x64xf32, #tpu.memory_space<hbm>>) target_semaphore(%arg12 : memref<!tpu.dma_semaphore, #tpu.memory_space<semaphore_mem>>)
        %slice3A_479 = vector.extract_strided_slice %get3A_392 {offsets = [10], sizes = [1], strides = [1]} : vector<16xi32> to vector<1xi32>
        %squeeze3A_480 = vector.extract %slice3A_479[0] : i32 from vector<1xi32>
        %slice3A_481 = vector.extract_strided_slice %get3A_398 {offsets = [10], sizes = [1], strides = [1]} : vector<16xi32> to vector<1xi32>
        %squeeze3A_482 = vector.extract %slice3A_481[0] : i32 from vector<1xi32>
        %dma_start3A_483 = arith.constant 0 : i32
        %dma_start3A_484 = tpu.memref_slice %arg5[%squeeze3A_482, %dma_start3A_483] : memref<1000000x64xf32, #tpu.memory_space<hbm>> -> memref<1x64xf32, #tpu.memory_space<hbm>>
        %dma_start3A_485 = arith.constant 0 : i32
        %dma_start3A_486 = tpu.memref_slice %arg4[%squeeze3A_480, %dma_start3A_485] : memref<16384x64xf32, #tpu.memory_space<hbm>> -> memref<1x64xf32, #tpu.memory_space<hbm>>
        tpu.enqueue_dma source(%dma_start3A_486 : memref<1x64xf32, #tpu.memory_space<hbm>>) target(%dma_start3A_484 : memref<1x64xf32, #tpu.memory_space<hbm>>) target_semaphore(%arg12 : memref<!tpu.dma_semaphore, #tpu.memory_space<semaphore_mem>>)
        %slice3A_487 = vector.extract_strided_slice %get3A_392 {offsets = [11], sizes = [1], strides = [1]} : vector<16xi32> to vector<1xi32>
        %squeeze3A_488 = vector.extract %slice3A_487[0] : i32 from vector<1xi32>
        %slice3A_489 = vector.extract_strided_slice %get3A_398 {offsets = [11], sizes = [1], strides = [1]} : vector<16xi32> to vector<1xi32>
        %squeeze3A_490 = vector.extract %slice3A_489[0] : i32 from vector<1xi32>
        %dma_start3A_491 = arith.constant 0 : i32
        %dma_start3A_492 = tpu.memref_slice %arg5[%squeeze3A_490, %dma_start3A_491] : memref<1000000x64xf32, #tpu.memory_space<hbm>> -> memref<1x64xf32, #tpu.memory_space<hbm>>
        %dma_start3A_493 = arith.constant 0 : i32
        %dma_start3A_494 = tpu.memref_slice %arg4[%squeeze3A_488, %dma_start3A_493] : memref<16384x64xf32, #tpu.memory_space<hbm>> -> memref<1x64xf32, #tpu.memory_space<hbm>>
        tpu.enqueue_dma source(%dma_start3A_494 : memref<1x64xf32, #tpu.memory_space<hbm>>) target(%dma_start3A_492 : memref<1x64xf32, #tpu.memory_space<hbm>>) target_semaphore(%arg12 : memref<!tpu.dma_semaphore, #tpu.memory_space<semaphore_mem>>)
        %slice3A_495 = vector.extract_strided_slice %get3A_392 {offsets = [12], sizes = [1], strides = [1]} : vector<16xi32> to vector<1xi32>
        %squeeze3A_496 = vector.extract %slice3A_495[0] : i32 from vector<1xi32>
        %slice3A_497 = vector.extract_strided_slice %get3A_398 {offsets = [12], sizes = [1], strides = [1]} : vector<16xi32> to vector<1xi32>
        %squeeze3A_498 = vector.extract %slice3A_497[0] : i32 from vector<1xi32>
        %dma_start3A_499 = arith.constant 0 : i32
        %dma_start3A_500 = tpu.memref_slice %arg5[%squeeze3A_498, %dma_start3A_499] : memref<1000000x64xf32, #tpu.memory_space<hbm>> -> memref<1x64xf32, #tpu.memory_space<hbm>>
        %dma_start3A_501 = arith.constant 0 : i32
        %dma_start3A_502 = tpu.memref_slice %arg4[%squeeze3A_496, %dma_start3A_501] : memref<16384x64xf32, #tpu.memory_space<hbm>> -> memref<1x64xf32, #tpu.memory_space<hbm>>
        tpu.enqueue_dma source(%dma_start3A_502 : memref<1x64xf32, #tpu.memory_space<hbm>>) target(%dma_start3A_500 : memref<1x64xf32, #tpu.memory_space<hbm>>) target_semaphore(%arg12 : memref<!tpu.dma_semaphore, #tpu.memory_space<semaphore_mem>>)
        %slice3A_503 = vector.extract_strided_slice %get3A_392 {offsets = [13], sizes = [1], strides = [1]} : vector<16xi32> to vector<1xi32>
        %squeeze3A_504 = vector.extract %slice3A_503[0] : i32 from vector<1xi32>
        %slice3A_505 = vector.extract_strided_slice %get3A_398 {offsets = [13], sizes = [1], strides = [1]} : vector<16xi32> to vector<1xi32>
        %squeeze3A_506 = vector.extract %slice3A_505[0] : i32 from vector<1xi32>
        %dma_start3A_507 = arith.constant 0 : i32
        %dma_start3A_508 = tpu.memref_slice %arg5[%squeeze3A_506, %dma_start3A_507] : memref<1000000x64xf32, #tpu.memory_space<hbm>> -> memref<1x64xf32, #tpu.memory_space<hbm>>
        %dma_start3A_509 = arith.constant 0 : i32
        %dma_start3A_510 = tpu.memref_slice %arg4[%squeeze3A_504, %dma_start3A_509] : memref<16384x64xf32, #tpu.memory_space<hbm>> -> memref<1x64xf32, #tpu.memory_space<hbm>>
        tpu.enqueue_dma source(%dma_start3A_510 : memref<1x64xf32, #tpu.memory_space<hbm>>) target(%dma_start3A_508 : memref<1x64xf32, #tpu.memory_space<hbm>>) target_semaphore(%arg12 : memref<!tpu.dma_semaphore, #tpu.memory_space<semaphore_mem>>)
        %slice3A_511 = vector.extract_strided_slice %get3A_392 {offsets = [14], sizes = [1], strides = [1]} : vector<16xi32> to vector<1xi32>
        %squeeze3A_512 = vector.extract %slice3A_511[0] : i32 from vector<1xi32>
        %slice3A_513 = vector.extract_strided_slice %get3A_398 {offsets = [14], sizes = [1], strides = [1]} : vector<16xi32> to vector<1xi32>
        %squeeze3A_514 = vector.extract %slice3A_513[0] : i32 from vector<1xi32>
        %dma_start3A_515 = arith.constant 0 : i32
        %dma_start3A_516 = tpu.memref_slice %arg5[%squeeze3A_514, %dma_start3A_515] : memref<1000000x64xf32, #tpu.memory_space<hbm>> -> memref<1x64xf32, #tpu.memory_space<hbm>>
        %dma_start3A_517 = arith.constant 0 : i32
        %dma_start3A_518 = tpu.memref_slice %arg4[%squeeze3A_512, %dma_start3A_517] : memref<16384x64xf32, #tpu.memory_space<hbm>> -> memref<1x64xf32, #tpu.memory_space<hbm>>
        tpu.enqueue_dma source(%dma_start3A_518 : memref<1x64xf32, #tpu.memory_space<hbm>>) target(%dma_start3A_516 : memref<1x64xf32, #tpu.memory_space<hbm>>) target_semaphore(%arg12 : memref<!tpu.dma_semaphore, #tpu.memory_space<semaphore_mem>>)
        %slice3A_519 = vector.extract_strided_slice %get3A_392 {offsets = [15], sizes = [1], strides = [1]} : vector<16xi32> to vector<1xi32>
        %squeeze3A_520 = vector.extract %slice3A_519[0] : i32 from vector<1xi32>
        %slice3A_521 = vector.extract_strided_slice %get3A_398 {offsets = [15], sizes = [1], strides = [1]} : vector<16xi32> to vector<1xi32>
        %squeeze3A_522 = vector.extract %slice3A_521[0] : i32 from vector<1xi32>
        %dma_start3A_523 = arith.constant 0 : i32
        %dma_start3A_524 = tpu.memref_slice %arg5[%squeeze3A_522, %dma_start3A_523] : memref<1000000x64xf32, #tpu.memory_space<hbm>> -> memref<1x64xf32, #tpu.memory_space<hbm>>
        %dma_start3A_525 = arith.constant 0 : i32
        %dma_start3A_526 = tpu.memref_slice %arg4[%squeeze3A_520, %dma_start3A_525] : memref<16384x64xf32, #tpu.memory_space<hbm>> -> memref<1x64xf32, #tpu.memory_space<hbm>>
        tpu.enqueue_dma source(%dma_start3A_526 : memref<1x64xf32, #tpu.memory_space<hbm>>) target(%dma_start3A_524 : memref<1x64xf32, #tpu.memory_space<hbm>>) target_semaphore(%arg12 : memref<!tpu.dma_semaphore, #tpu.memory_space<semaphore_mem>>)
        %mul3A_527 = arith.constant 64 : i32
        %mul3A_528 = arith.muli %scan3A_107, %mul3A_527 : i32
        %add3A_529 = arith.constant 48 : i32
        %add3A_530 = arith.addi %mul3A_528, %add3A_529 : i32
        %get3A_531 = arith.index_cast %add3A_530 : i32 to index
        %get3A_532 = tpu.vector_load %arg8[%get3A_531] {strides = array<i32>} : memref<2064xi32, #tpu.memory_space<vmem>>, vector<16xi32>,
        %mul3A_533 = arith.constant 64 : i32
        %mul3A_534 = arith.muli %scan3A_107, %mul3A_533 : i32
        %add3A_535 = arith.constant 48 : i32
        %add3A_536 = arith.addi %mul3A_534, %add3A_535 : i32
        %get3A_537 = arith.index_cast %add3A_536 : i32 to index
        %get3A_538 = tpu.vector_load %arg9[%get3A_537] {strides = array<i32>} : memref<2064xi32, #tpu.memory_space<vmem>>, vector<16xi32>,
        %slice3A_539 = vector.extract_strided_slice %get3A_532 {offsets = [0], sizes = [1], strides = [1]} : vector<16xi32> to vector<1xi32>
        %squeeze3A_540 = vector.extract %slice3A_539[0] : i32 from vector<1xi32>
        %slice3A_541 = vector.extract_strided_slice %get3A_538 {offsets = [0], sizes = [1], strides = [1]} : vector<16xi32> to vector<1xi32>
        %squeeze3A_542 = vector.extract %slice3A_541[0] : i32 from vector<1xi32>
        %dma_start3A_543 = arith.constant 0 : i32
        %dma_start3A_544 = tpu.memref_slice %arg5[%squeeze3A_542, %dma_start3A_543] : memref<1000000x64xf32, #tpu.memory_space<hbm>> -> memref<1x64xf32, #tpu.memory_space<hbm>>
        %dma_start3A_545 = arith.constant 0 : i32
        %dma_start3A_546 = tpu.memref_slice %arg4[%squeeze3A_540, %dma_start3A_545] : memref<16384x64xf32, #tpu.memory_space<hbm>> -> memref<1x64xf32, #tpu.memory_space<hbm>>
        tpu.enqueue_dma source(%dma_start3A_546 : memref<1x64xf32, #tpu.memory_space<hbm>>) target(%dma_start3A_544 : memref<1x64xf32, #tpu.memory_space<hbm>>) target_semaphore(%arg12 : memref<!tpu.dma_semaphore, #tpu.memory_space<semaphore_mem>>)
        %slice3A_547 = vector.extract_strided_slice %get3A_532 {offsets = [1], sizes = [1], strides = [1]} : vector<16xi32> to vector<1xi32>
        %squeeze3A_548 = vector.extract %slice3A_547[0] : i32 from vector<1xi32>
        %slice3A_549 = vector.extract_strided_slice %get3A_538 {offsets = [1], sizes = [1], strides = [1]} : vector<16xi32> to vector<1xi32>
        %squeeze3A_550 = vector.extract %slice3A_549[0] : i32 from vector<1xi32>
        %dma_start3A_551 = arith.constant 0 : i32
        %dma_start3A_552 = tpu.memref_slice %arg5[%squeeze3A_550, %dma_start3A_551] : memref<1000000x64xf32, #tpu.memory_space<hbm>> -> memref<1x64xf32, #tpu.memory_space<hbm>>
        %dma_start3A_553 = arith.constant 0 : i32
        %dma_start3A_554 = tpu.memref_slice %arg4[%squeeze3A_548, %dma_start3A_553] : memref<16384x64xf32, #tpu.memory_space<hbm>> -> memref<1x64xf32, #tpu.memory_space<hbm>>
        tpu.enqueue_dma source(%dma_start3A_554 : memref<1x64xf32, #tpu.memory_space<hbm>>) target(%dma_start3A_552 : memref<1x64xf32, #tpu.memory_space<hbm>>) target_semaphore(%arg12 : memref<!tpu.dma_semaphore, #tpu.memory_space<semaphore_mem>>)
        %slice3A_555 = vector.extract_strided_slice %get3A_532 {offsets = [2], sizes = [1], strides = [1]} : vector<16xi32> to vector<1xi32>
        %squeeze3A_556 = vector.extract %slice3A_555[0] : i32 from vector<1xi32>
        %slice3A_557 = vector.extract_strided_slice %get3A_538 {offsets = [2], sizes = [1], strides = [1]} : vector<16xi32> to vector<1xi32>
        %squeeze3A_558 = vector.extract %slice3A_557[0] : i32 from vector<1xi32>
        %dma_start3A_559 = arith.constant 0 : i32
        %dma_start3A_560 = tpu.memref_slice %arg5[%squeeze3A_558, %dma_start3A_559] : memref<1000000x64xf32, #tpu.memory_space<hbm>> -> memref<1x64xf32, #tpu.memory_space<hbm>>
        %dma_start3A_561 = arith.constant 0 : i32
        %dma_start3A_562 = tpu.memref_slice %arg4[%squeeze3A_556, %dma_start3A_561] : memref<16384x64xf32, #tpu.memory_space<hbm>> -> memref<1x64xf32, #tpu.memory_space<hbm>>
        tpu.enqueue_dma source(%dma_start3A_562 : memref<1x64xf32, #tpu.memory_space<hbm>>) target(%dma_start3A_560 : memref<1x64xf32, #tpu.memory_space<hbm>>) target_semaphore(%arg12 : memref<!tpu.dma_semaphore, #tpu.memory_space<semaphore_mem>>)
        %slice3A_563 = vector.extract_strided_slice %get3A_532 {offsets = [3], sizes = [1], strides = [1]} : vector<16xi32> to vector<1xi32>
        %squeeze3A_564 = vector.extract %slice3A_563[0] : i32 from vector<1xi32>
        %slice3A_565 = vector.extract_strided_slice %get3A_538 {offsets = [3], sizes = [1], strides = [1]} : vector<16xi32> to vector<1xi32>
        %squeeze3A_566 = vector.extract %slice3A_565[0] : i32 from vector<1xi32>
        %dma_start3A_567 = arith.constant 0 : i32
        %dma_start3A_568 = tpu.memref_slice %arg5[%squeeze3A_566, %dma_start3A_567] : memref<1000000x64xf32, #tpu.memory_space<hbm>> -> memref<1x64xf32, #tpu.memory_space<hbm>>
        %dma_start3A_569 = arith.constant 0 : i32
        %dma_start3A_570 = tpu.memref_slice %arg4[%squeeze3A_564, %dma_start3A_569] : memref<16384x64xf32, #tpu.memory_space<hbm>> -> memref<1x64xf32, #tpu.memory_space<hbm>>
        tpu.enqueue_dma source(%dma_start3A_570 : memref<1x64xf32, #tpu.memory_space<hbm>>) target(%dma_start3A_568 : memref<1x64xf32, #tpu.memory_space<hbm>>) target_semaphore(%arg12 : memref<!tpu.dma_semaphore, #tpu.memory_space<semaphore_mem>>)
        %slice3A_571 = vector.extract_strided_slice %get3A_532 {offsets = [4], sizes = [1], strides = [1]} : vector<16xi32> to vector<1xi32>
        %squeeze3A_572 = vector.extract %slice3A_571[0] : i32 from vector<1xi32>
        %slice3A_573 = vector.extract_strided_slice %get3A_538 {offsets = [4], sizes = [1], strides = [1]} : vector<16xi32> to vector<1xi32>
        %squeeze3A_574 = vector.extract %slice3A_573[0] : i32 from vector<1xi32>
        %dma_start3A_575 = arith.constant 0 : i32
        %dma_start3A_576 = tpu.memref_slice %arg5[%squeeze3A_574, %dma_start3A_575] : memref<1000000x64xf32, #tpu.memory_space<hbm>> -> memref<1x64xf32, #tpu.memory_space<hbm>>
        %dma_start3A_577 = arith.constant 0 : i32
        %dma_start3A_578 = tpu.memref_slice %arg4[%squeeze3A_572, %dma_start3A_577] : memref<16384x64xf32, #tpu.memory_space<hbm>> -> memref<1x64xf32, #tpu.memory_space<hbm>>
        tpu.enqueue_dma source(%dma_start3A_578 : memref<1x64xf32, #tpu.memory_space<hbm>>) target(%dma_start3A_576 : memref<1x64xf32, #tpu.memory_space<hbm>>) target_semaphore(%arg12 : memref<!tpu.dma_semaphore, #tpu.memory_space<semaphore_mem>>)
        %slice3A_579 = vector.extract_strided_slice %get3A_532 {offsets = [5], sizes = [1], strides = [1]} : vector<16xi32> to vector<1xi32>
        %squeeze3A_580 = vector.extract %slice3A_579[0] : i32 from vector<1xi32>
        %slice3A_581 = vector.extract_strided_slice %get3A_538 {offsets = [5], sizes = [1], strides = [1]} : vector<16xi32> to vector<1xi32>
        %squeeze3A_582 = vector.extract %slice3A_581[0] : i32 from vector<1xi32>
        %dma_start3A_583 = arith.constant 0 : i32
        %dma_start3A_584 = tpu.memref_slice %arg5[%squeeze3A_582, %dma_start3A_583] : memref<1000000x64xf32, #tpu.memory_space<hbm>> -> memref<1x64xf32, #tpu.memory_space<hbm>>
        %dma_start3A_585 = arith.constant 0 : i32
        %dma_start3A_586 = tpu.memref_slice %arg4[%squeeze3A_580, %dma_start3A_585] : memref<16384x64xf32, #tpu.memory_space<hbm>> -> memref<1x64xf32, #tpu.memory_space<hbm>>
        tpu.enqueue_dma source(%dma_start3A_586 : memref<1x64xf32, #tpu.memory_space<hbm>>) target(%dma_start3A_584 : memref<1x64xf32, #tpu.memory_space<hbm>>) target_semaphore(%arg12 : memref<!tpu.dma_semaphore, #tpu.memory_space<semaphore_mem>>)
        %slice3A_587 = vector.extract_strided_slice %get3A_532 {offsets = [6], sizes = [1], strides = [1]} : vector<16xi32> to vector<1xi32>
        %squeeze3A_588 = vector.extract %slice3A_587[0] : i32 from vector<1xi32>
        %slice3A_589 = vector.extract_strided_slice %get3A_538 {offsets = [6], sizes = [1], strides = [1]} : vector<16xi32> to vector<1xi32>
        %squeeze3A_590 = vector.extract %slice3A_589[0] : i32 from vector<1xi32>
        %dma_start3A_591 = arith.constant 0 : i32
        %dma_start3A_592 = tpu.memref_slice %arg5[%squeeze3A_590, %dma_start3A_591] : memref<1000000x64xf32, #tpu.memory_space<hbm>> -> memref<1x64xf32, #tpu.memory_space<hbm>>
        %dma_start3A_593 = arith.constant 0 : i32
        %dma_start3A_594 = tpu.memref_slice %arg4[%squeeze3A_588, %dma_start3A_593] : memref<16384x64xf32, #tpu.memory_space<hbm>> -> memref<1x64xf32, #tpu.memory_space<hbm>>
        tpu.enqueue_dma source(%dma_start3A_594 : memref<1x64xf32, #tpu.memory_space<hbm>>) target(%dma_start3A_592 : memref<1x64xf32, #tpu.memory_space<hbm>>) target_semaphore(%arg12 : memref<!tpu.dma_semaphore, #tpu.memory_space<semaphore_mem>>)
        %slice3A_595 = vector.extract_strided_slice %get3A_532 {offsets = [7], sizes = [1], strides = [1]} : vector<16xi32> to vector<1xi32>
        %squeeze3A_596 = vector.extract %slice3A_595[0] : i32 from vector<1xi32>
        %slice3A_597 = vector.extract_strided_slice %get3A_538 {offsets = [7], sizes = [1], strides = [1]} : vector<16xi32> to vector<1xi32>
        %squeeze3A_598 = vector.extract %slice3A_597[0] : i32 from vector<1xi32>
        %dma_start3A_599 = arith.constant 0 : i32
        %dma_start3A_600 = tpu.memref_slice %arg5[%squeeze3A_598, %dma_start3A_599] : memref<1000000x64xf32, #tpu.memory_space<hbm>> -> memref<1x64xf32, #tpu.memory_space<hbm>>
        %dma_start3A_601 = arith.constant 0 : i32
        %dma_start3A_602 = tpu.memref_slice %arg4[%squeeze3A_596, %dma_start3A_601] : memref<16384x64xf32, #tpu.memory_space<hbm>> -> memref<1x64xf32, #tpu.memory_space<hbm>>
        tpu.enqueue_dma source(%dma_start3A_602 : memref<1x64xf32, #tpu.memory_space<hbm>>) target(%dma_start3A_600 : memref<1x64xf32, #tpu.memory_space<hbm>>) target_semaphore(%arg12 : memref<!tpu.dma_semaphore, #tpu.memory_space<semaphore_mem>>)
        %slice3A_603 = vector.extract_strided_slice %get3A_532 {offsets = [8], sizes = [1], strides = [1]} : vector<16xi32> to vector<1xi32>
        %squeeze3A_604 = vector.extract %slice3A_603[0] : i32 from vector<1xi32>
        %slice3A_605 = vector.extract_strided_slice %get3A_538 {offsets = [8], sizes = [1], strides = [1]} : vector<16xi32> to vector<1xi32>
        %squeeze3A_606 = vector.extract %slice3A_605[0] : i32 from vector<1xi32>
        %dma_start3A_607 = arith.constant 0 : i32
        %dma_start3A_608 = tpu.memref_slice %arg5[%squeeze3A_606, %dma_start3A_607] : memref<1000000x64xf32, #tpu.memory_space<hbm>> -> memref<1x64xf32, #tpu.memory_space<hbm>>
        %dma_start3A_609 = arith.constant 0 : i32
        %dma_start3A_610 = tpu.memref_slice %arg4[%squeeze3A_604, %dma_start3A_609] : memref<16384x64xf32, #tpu.memory_space<hbm>> -> memref<1x64xf32, #tpu.memory_space<hbm>>
        tpu.enqueue_dma source(%dma_start3A_610 : memref<1x64xf32, #tpu.memory_space<hbm>>) target(%dma_start3A_608 : memref<1x64xf32, #tpu.memory_space<hbm>>) target_semaphore(%arg12 : memref<!tpu.dma_semaphore, #tpu.memory_space<semaphore_mem>>)
        %slice3A_611 = vector.extract_strided_slice %get3A_532 {offsets = [9], sizes = [1], strides = [1]} : vector<16xi32> to vector<1xi32>
        %squeeze3A_612 = vector.extract %slice3A_611[0] : i32 from vector<1xi32>
        %slice3A_613 = vector.extract_strided_slice %get3A_538 {offsets = [9], sizes = [1], strides = [1]} : vector<16xi32> to vector<1xi32>
        %squeeze3A_614 = vector.extract %slice3A_613[0] : i32 from vector<1xi32>
        %dma_start3A_615 = arith.constant 0 : i32
        %dma_start3A_616 = tpu.memref_slice %arg5[%squeeze3A_614, %dma_start3A_615] : memref<1000000x64xf32, #tpu.memory_space<hbm>> -> memref<1x64xf32, #tpu.memory_space<hbm>>
        %dma_start3A_617 = arith.constant 0 : i32
        %dma_start3A_618 = tpu.memref_slice %arg4[%squeeze3A_612, %dma_start3A_617] : memref<16384x64xf32, #tpu.memory_space<hbm>> -> memref<1x64xf32, #tpu.memory_space<hbm>>
        tpu.enqueue_dma source(%dma_start3A_618 : memref<1x64xf32, #tpu.memory_space<hbm>>) target(%dma_start3A_616 : memref<1x64xf32, #tpu.memory_space<hbm>>) target_semaphore(%arg12 : memref<!tpu.dma_semaphore, #tpu.memory_space<semaphore_mem>>)
        %slice3A_619 = vector.extract_strided_slice %get3A_532 {offsets = [10], sizes = [1], strides = [1]} : vector<16xi32> to vector<1xi32>
        %squeeze3A_620 = vector.extract %slice3A_619[0] : i32 from vector<1xi32>
        %slice3A_621 = vector.extract_strided_slice %get3A_538 {offsets = [10], sizes = [1], strides = [1]} : vector<16xi32> to vector<1xi32>
        %squeeze3A_622 = vector.extract %slice3A_621[0] : i32 from vector<1xi32>
        %dma_start3A_623 = arith.constant 0 : i32
        %dma_start3A_624 = tpu.memref_slice %arg5[%squeeze3A_622, %dma_start3A_623] : memref<1000000x64xf32, #tpu.memory_space<hbm>> -> memref<1x64xf32, #tpu.memory_space<hbm>>
        %dma_start3A_625 = arith.constant 0 : i32
        %dma_start3A_626 = tpu.memref_slice %arg4[%squeeze3A_620, %dma_start3A_625] : memref<16384x64xf32, #tpu.memory_space<hbm>> -> memref<1x64xf32, #tpu.memory_space<hbm>>
        tpu.enqueue_dma source(%dma_start3A_626 : memref<1x64xf32, #tpu.memory_space<hbm>>) target(%dma_start3A_624 : memref<1x64xf32, #tpu.memory_space<hbm>>) target_semaphore(%arg12 : memref<!tpu.dma_semaphore, #tpu.memory_space<semaphore_mem>>)
        %slice3A_627 = vector.extract_strided_slice %get3A_532 {offsets = [11], sizes = [1], strides = [1]} : vector<16xi32> to vector<1xi32>
        %squeeze3A_628 = vector.extract %slice3A_627[0] : i32 from vector<1xi32>
        %slice3A_629 = vector.extract_strided_slice %get3A_538 {offsets = [11], sizes = [1], strides = [1]} : vector<16xi32> to vector<1xi32>
        %squeeze3A_630 = vector.extract %slice3A_629[0] : i32 from vector<1xi32>
        %dma_start3A_631 = arith.constant 0 : i32
        %dma_start3A_632 = tpu.memref_slice %arg5[%squeeze3A_630, %dma_start3A_631] : memref<1000000x64xf32, #tpu.memory_space<hbm>> -> memref<1x64xf32, #tpu.memory_space<hbm>>
        %dma_start3A_633 = arith.constant 0 : i32
        %dma_start3A_634 = tpu.memref_slice %arg4[%squeeze3A_628, %dma_start3A_633] : memref<16384x64xf32, #tpu.memory_space<hbm>> -> memref<1x64xf32, #tpu.memory_space<hbm>>
        tpu.enqueue_dma source(%dma_start3A_634 : memref<1x64xf32, #tpu.memory_space<hbm>>) target(%dma_start3A_632 : memref<1x64xf32, #tpu.memory_space<hbm>>) target_semaphore(%arg12 : memref<!tpu.dma_semaphore, #tpu.memory_space<semaphore_mem>>)
        %slice3A_635 = vector.extract_strided_slice %get3A_532 {offsets = [12], sizes = [1], strides = [1]} : vector<16xi32> to vector<1xi32>
        %squeeze3A_636 = vector.extract %slice3A_635[0] : i32 from vector<1xi32>
        %slice3A_637 = vector.extract_strided_slice %get3A_538 {offsets = [12], sizes = [1], strides = [1]} : vector<16xi32> to vector<1xi32>
        %squeeze3A_638 = vector.extract %slice3A_637[0] : i32 from vector<1xi32>
        %dma_start3A_639 = arith.constant 0 : i32
        %dma_start3A_640 = tpu.memref_slice %arg5[%squeeze3A_638, %dma_start3A_639] : memref<1000000x64xf32, #tpu.memory_space<hbm>> -> memref<1x64xf32, #tpu.memory_space<hbm>>
        %dma_start3A_641 = arith.constant 0 : i32
        %dma_start3A_642 = tpu.memref_slice %arg4[%squeeze3A_636, %dma_start3A_641] : memref<16384x64xf32, #tpu.memory_space<hbm>> -> memref<1x64xf32, #tpu.memory_space<hbm>>
        tpu.enqueue_dma source(%dma_start3A_642 : memref<1x64xf32, #tpu.memory_space<hbm>>) target(%dma_start3A_640 : memref<1x64xf32, #tpu.memory_space<hbm>>) target_semaphore(%arg12 : memref<!tpu.dma_semaphore, #tpu.memory_space<semaphore_mem>>)
        %slice3A_643 = vector.extract_strided_slice %get3A_532 {offsets = [13], sizes = [1], strides = [1]} : vector<16xi32> to vector<1xi32>
        %squeeze3A_644 = vector.extract %slice3A_643[0] : i32 from vector<1xi32>
        %slice3A_645 = vector.extract_strided_slice %get3A_538 {offsets = [13], sizes = [1], strides = [1]} : vector<16xi32> to vector<1xi32>
        %squeeze3A_646 = vector.extract %slice3A_645[0] : i32 from vector<1xi32>
        %dma_start3A_647 = arith.constant 0 : i32
        %dma_start3A_648 = tpu.memref_slice %arg5[%squeeze3A_646, %dma_start3A_647] : memref<1000000x64xf32, #tpu.memory_space<hbm>> -> memref<1x64xf32, #tpu.memory_space<hbm>>
        %dma_start3A_649 = arith.constant 0 : i32
        %dma_start3A_650 = tpu.memref_slice %arg4[%squeeze3A_644, %dma_start3A_649] : memref<16384x64xf32, #tpu.memory_space<hbm>> -> memref<1x64xf32, #tpu.memory_space<hbm>>
        tpu.enqueue_dma source(%dma_start3A_650 : memref<1x64xf32, #tpu.memory_space<hbm>>) target(%dma_start3A_648 : memref<1x64xf32, #tpu.memory_space<hbm>>) target_semaphore(%arg12 : memref<!tpu.dma_semaphore, #tpu.memory_space<semaphore_mem>>)
        %slice3A_651 = vector.extract_strided_slice %get3A_532 {offsets = [14], sizes = [1], strides = [1]} : vector<16xi32> to vector<1xi32>
        %squeeze3A_652 = vector.extract %slice3A_651[0] : i32 from vector<1xi32>
        %slice3A_653 = vector.extract_strided_slice %get3A_538 {offsets = [14], sizes = [1], strides = [1]} : vector<16xi32> to vector<1xi32>
        %squeeze3A_654 = vector.extract %slice3A_653[0] : i32 from vector<1xi32>
        %dma_start3A_655 = arith.constant 0 : i32
        %dma_start3A_656 = tpu.memref_slice %arg5[%squeeze3A_654, %dma_start3A_655] : memref<1000000x64xf32, #tpu.memory_space<hbm>> -> memref<1x64xf32, #tpu.memory_space<hbm>>
        %dma_start3A_657 = arith.constant 0 : i32
        %dma_start3A_658 = tpu.memref_slice %arg4[%squeeze3A_652, %dma_start3A_657] : memref<16384x64xf32, #tpu.memory_space<hbm>> -> memref<1x64xf32, #tpu.memory_space<hbm>>
        tpu.enqueue_dma source(%dma_start3A_658 : memref<1x64xf32, #tpu.memory_space<hbm>>) target(%dma_start3A_656 : memref<1x64xf32, #tpu.memory_space<hbm>>) target_semaphore(%arg12 : memref<!tpu.dma_semaphore, #tpu.memory_space<semaphore_mem>>)
        %slice3A_659 = vector.extract_strided_slice %get3A_532 {offsets = [15], sizes = [1], strides = [1]} : vector<16xi32> to vector<1xi32>
        %squeeze3A_660 = vector.extract %slice3A_659[0] : i32 from vector<1xi32>
        %slice3A_661 = vector.extract_strided_slice %get3A_538 {offsets = [15], sizes = [1], strides = [1]} : vector<16xi32> to vector<1xi32>
        %squeeze3A_662 = vector.extract %slice3A_661[0] : i32 from vector<1xi32>
        %dma_start3A_663 = arith.constant 0 : i32
        %dma_start3A_664 = tpu.memref_slice %arg5[%squeeze3A_662, %dma_start3A_663] : memref<1000000x64xf32, #tpu.memory_space<hbm>> -> memref<1x64xf32, #tpu.memory_space<hbm>>
        %dma_start3A_665 = arith.constant 0 : i32
        %dma_start3A_666 = tpu.memref_slice %arg4[%squeeze3A_660, %dma_start3A_665] : memref<16384x64xf32, #tpu.memory_space<hbm>> -> memref<1x64xf32, #tpu.memory_space<hbm>>
        tpu.enqueue_dma source(%dma_start3A_666 : memref<1x64xf32, #tpu.memory_space<hbm>>) target(%dma_start3A_664 : memref<1x64xf32, #tpu.memory_space<hbm>>) target_semaphore(%arg12 : memref<!tpu.dma_semaphore, #tpu.memory_space<semaphore_mem>>)
        %dma_wait3A = arith.constant 0 : i32
        %dma_wait3A_667 = tpu.memref_slice %arg5[%squeeze3A_123, %dma_wait3A] : memref<1000000x64xf32, #tpu.memory_space<hbm>> -> memref<1x64xf32, #tpu.memory_space<hbm>>
        %dma_wait3A_668 = arith.constant 0 : i32
        %dma_wait3A_669 = tpu.memref_slice %arg4[%squeeze3A, %dma_wait3A_668] : memref<16384x64xf32, #tpu.memory_space<hbm>> -> memref<1x64xf32, #tpu.memory_space<hbm>>
        tpu.wait_dma2 semaphore(%arg12 : memref<!tpu.dma_semaphore, #tpu.memory_space<semaphore_mem>>) src(%dma_wait3A_669 : memref<1x64xf32, #tpu.memory_space<hbm>>) dst(%dma_wait3A_667 : memref<1x64xf32, #tpu.memory_space<hbm>>)
        %dma_wait3A_670 = arith.constant 0 : i32
        %dma_wait3A_671 = tpu.memref_slice %arg5[%squeeze3A_130, %dma_wait3A_670] : memref<1000000x64xf32, #tpu.memory_space<hbm>> -> memref<1x64xf32, #tpu.memory_space<hbm>>
        %dma_wait3A_672 = arith.constant 0 : i32
        %dma_wait3A_673 = tpu.memref_slice %arg4[%squeeze3A_128, %dma_wait3A_672] : memref<16384x64xf32, #tpu.memory_space<hbm>> -> memref<1x64xf32, #tpu.memory_space<hbm>>
        tpu.wait_dma2 semaphore(%arg12 : memref<!tpu.dma_semaphore, #tpu.memory_space<semaphore_mem>>) src(%dma_wait3A_673 : memref<1x64xf32, #tpu.memory_space<hbm>>) dst(%dma_wait3A_671 : memref<1x64xf32, #tpu.memory_space<hbm>>)
        %dma_wait3A_674 = arith.constant 0 : i32
        %dma_wait3A_675 = tpu.memref_slice %arg5[%squeeze3A_138, %dma_wait3A_674] : memref<1000000x64xf32, #tpu.memory_space<hbm>> -> memref<1x64xf32, #tpu.memory_space<hbm>>
        %dma_wait3A_676 = arith.constant 0 : i32
        %dma_wait3A_677 = tpu.memref_slice %arg4[%squeeze3A_136, %dma_wait3A_676] : memref<16384x64xf32, #tpu.memory_space<hbm>> -> memref<1x64xf32, #tpu.memory_space<hbm>>
        tpu.wait_dma2 semaphore(%arg12 : memref<!tpu.dma_semaphore, #tpu.memory_space<semaphore_mem>>) src(%dma_wait3A_677 : memref<1x64xf32, #tpu.memory_space<hbm>>) dst(%dma_wait3A_675 : memref<1x64xf32, #tpu.memory_space<hbm>>)
        %dma_wait3A_678 = arith.constant 0 : i32
        %dma_wait3A_679 = tpu.memref_slice %arg5[%squeeze3A_146, %dma_wait3A_678] : memref<1000000x64xf32, #tpu.memory_space<hbm>> -> memref<1x64xf32, #tpu.memory_space<hbm>>
        %dma_wait3A_680 = arith.constant 0 : i32
        %dma_wait3A_681 = tpu.memref_slice %arg4[%squeeze3A_144, %dma_wait3A_680] : memref<16384x64xf32, #tpu.memory_space<hbm>> -> memref<1x64xf32, #tpu.memory_space<hbm>>
        tpu.wait_dma2 semaphore(%arg12 : memref<!tpu.dma_semaphore, #tpu.memory_space<semaphore_mem>>) src(%dma_wait3A_681 : memref<1x64xf32, #tpu.memory_space<hbm>>) dst(%dma_wait3A_679 : memref<1x64xf32, #tpu.memory_space<hbm>>)
        %dma_wait3A_682 = arith.constant 0 : i32
        %dma_wait3A_683 = tpu.memref_slice %arg5[%squeeze3A_154, %dma_wait3A_682] : memref<1000000x64xf32, #tpu.memory_space<hbm>> -> memref<1x64xf32, #tpu.memory_space<hbm>>
        %dma_wait3A_684 = arith.constant 0 : i32
        %dma_wait3A_685 = tpu.memref_slice %arg4[%squeeze3A_152, %dma_wait3A_684] : memref<16384x64xf32, #tpu.memory_space<hbm>> -> memref<1x64xf32, #tpu.memory_space<hbm>>
        tpu.wait_dma2 semaphore(%arg12 : memref<!tpu.dma_semaphore, #tpu.memory_space<semaphore_mem>>) src(%dma_wait3A_685 : memref<1x64xf32, #tpu.memory_space<hbm>>) dst(%dma_wait3A_683 : memref<1x64xf32, #tpu.memory_space<hbm>>)
        %dma_wait3A_686 = arith.constant 0 : i32
        %dma_wait3A_687 = tpu.memref_slice %arg5[%squeeze3A_162, %dma_wait3A_686] : memref<1000000x64xf32, #tpu.memory_space<hbm>> -> memref<1x64xf32, #tpu.memory_space<hbm>>
        %dma_wait3A_688 = arith.constant 0 : i32
        %dma_wait3A_689 = tpu.memref_slice %arg4[%squeeze3A_160, %dma_wait3A_688] : memref<16384x64xf32, #tpu.memory_space<hbm>> -> memref<1x64xf32, #tpu.memory_space<hbm>>
        tpu.wait_dma2 semaphore(%arg12 : memref<!tpu.dma_semaphore, #tpu.memory_space<semaphore_mem>>) src(%dma_wait3A_689 : memref<1x64xf32, #tpu.memory_space<hbm>>) dst(%dma_wait3A_687 : memref<1x64xf32, #tpu.memory_space<hbm>>)
        %dma_wait3A_690 = arith.constant 0 : i32
        %dma_wait3A_691 = tpu.memref_slice %arg5[%squeeze3A_170, %dma_wait3A_690] : memref<1000000x64xf32, #tpu.memory_space<hbm>> -> memref<1x64xf32, #tpu.memory_space<hbm>>
        %dma_wait3A_692 = arith.constant 0 : i32
        %dma_wait3A_693 = tpu.memref_slice %arg4[%squeeze3A_168, %dma_wait3A_692] : memref<16384x64xf32, #tpu.memory_space<hbm>> -> memref<1x64xf32, #tpu.memory_space<hbm>>
        tpu.wait_dma2 semaphore(%arg12 : memref<!tpu.dma_semaphore, #tpu.memory_space<semaphore_mem>>) src(%dma_wait3A_693 : memref<1x64xf32, #tpu.memory_space<hbm>>) dst(%dma_wait3A_691 : memref<1x64xf32, #tpu.memory_space<hbm>>)
        %dma_wait3A_694 = arith.constant 0 : i32
        %dma_wait3A_695 = tpu.memref_slice %arg5[%squeeze3A_178, %dma_wait3A_694] : memref<1000000x64xf32, #tpu.memory_space<hbm>> -> memref<1x64xf32, #tpu.memory_space<hbm>>
        %dma_wait3A_696 = arith.constant 0 : i32
        %dma_wait3A_697 = tpu.memref_slice %arg4[%squeeze3A_176, %dma_wait3A_696] : memref<16384x64xf32, #tpu.memory_space<hbm>> -> memref<1x64xf32, #tpu.memory_space<hbm>>
        tpu.wait_dma2 semaphore(%arg12 : memref<!tpu.dma_semaphore, #tpu.memory_space<semaphore_mem>>) src(%dma_wait3A_697 : memref<1x64xf32, #tpu.memory_space<hbm>>) dst(%dma_wait3A_695 : memref<1x64xf32, #tpu.memory_space<hbm>>)
        %dma_wait3A_698 = arith.constant 0 : i32
        %dma_wait3A_699 = tpu.memref_slice %arg5[%squeeze3A_186, %dma_wait3A_698] : memref<1000000x64xf32, #tpu.memory_space<hbm>> -> memref<1x64xf32, #tpu.memory_space<hbm>>
        %dma_wait3A_700 = arith.constant 0 : i32
        %dma_wait3A_701 = tpu.memref_slice %arg4[%squeeze3A_184, %dma_wait3A_700] : memref<16384x64xf32, #tpu.memory_space<hbm>> -> memref<1x64xf32, #tpu.memory_space<hbm>>
        tpu.wait_dma2 semaphore(%arg12 : memref<!tpu.dma_semaphore, #tpu.memory_space<semaphore_mem>>) src(%dma_wait3A_701 : memref<1x64xf32, #tpu.memory_space<hbm>>) dst(%dma_wait3A_699 : memref<1x64xf32, #tpu.memory_space<hbm>>)
        %dma_wait3A_702 = arith.constant 0 : i32
        %dma_wait3A_703 = tpu.memref_slice %arg5[%squeeze3A_194, %dma_wait3A_702] : memref<1000000x64xf32, #tpu.memory_space<hbm>> -> memref<1x64xf32, #tpu.memory_space<hbm>>
        %dma_wait3A_704 = arith.constant 0 : i32
        %dma_wait3A_705 = tpu.memref_slice %arg4[%squeeze3A_192, %dma_wait3A_704] : memref<16384x64xf32, #tpu.memory_space<hbm>> -> memref<1x64xf32, #tpu.memory_space<hbm>>
        tpu.wait_dma2 semaphore(%arg12 : memref<!tpu.dma_semaphore, #tpu.memory_space<semaphore_mem>>) src(%dma_wait3A_705 : memref<1x64xf32, #tpu.memory_space<hbm>>) dst(%dma_wait3A_703 : memref<1x64xf32, #tpu.memory_space<hbm>>)
        %dma_wait3A_706 = arith.constant 0 : i32
        %dma_wait3A_707 = tpu.memref_slice %arg5[%squeeze3A_202, %dma_wait3A_706] : memref<1000000x64xf32, #tpu.memory_space<hbm>> -> memref<1x64xf32, #tpu.memory_space<hbm>>
        %dma_wait3A_708 = arith.constant 0 : i32
        %dma_wait3A_709 = tpu.memref_slice %arg4[%squeeze3A_200, %dma_wait3A_708] : memref<16384x64xf32, #tpu.memory_space<hbm>> -> memref<1x64xf32, #tpu.memory_space<hbm>>
        tpu.wait_dma2 semaphore(%arg12 : memref<!tpu.dma_semaphore, #tpu.memory_space<semaphore_mem>>) src(%dma_wait3A_709 : memref<1x64xf32, #tpu.memory_space<hbm>>) dst(%dma_wait3A_707 : memref<1x64xf32, #tpu.memory_space<hbm>>)
        %dma_wait3A_710 = arith.constant 0 : i32
        %dma_wait3A_711 = tpu.memref_slice %arg5[%squeeze3A_210, %dma_wait3A_710] : memref<1000000x64xf32, #tpu.memory_space<hbm>> -> memref<1x64xf32, #tpu.memory_space<hbm>>
        %dma_wait3A_712 = arith.constant 0 : i32
        %dma_wait3A_713 = tpu.memref_slice %arg4[%squeeze3A_208, %dma_wait3A_712] : memref<16384x64xf32, #tpu.memory_space<hbm>> -> memref<1x64xf32, #tpu.memory_space<hbm>>
        tpu.wait_dma2 semaphore(%arg12 : memref<!tpu.dma_semaphore, #tpu.memory_space<semaphore_mem>>) src(%dma_wait3A_713 : memref<1x64xf32, #tpu.memory_space<hbm>>) dst(%dma_wait3A_711 : memref<1x64xf32, #tpu.memory_space<hbm>>)
        %dma_wait3A_714 = arith.constant 0 : i32
        %dma_wait3A_715 = tpu.memref_slice %arg5[%squeeze3A_218, %dma_wait3A_714] : memref<1000000x64xf32, #tpu.memory_space<hbm>> -> memref<1x64xf32, #tpu.memory_space<hbm>>
        %dma_wait3A_716 = arith.constant 0 : i32
        %dma_wait3A_717 = tpu.memref_slice %arg4[%squeeze3A_216, %dma_wait3A_716] : memref<16384x64xf32, #tpu.memory_space<hbm>> -> memref<1x64xf32, #tpu.memory_space<hbm>>
        tpu.wait_dma2 semaphore(%arg12 : memref<!tpu.dma_semaphore, #tpu.memory_space<semaphore_mem>>) src(%dma_wait3A_717 : memref<1x64xf32, #tpu.memory_space<hbm>>) dst(%dma_wait3A_715 : memref<1x64xf32, #tpu.memory_space<hbm>>)
        %dma_wait3A_718 = arith.constant 0 : i32
        %dma_wait3A_719 = tpu.memref_slice %arg5[%squeeze3A_226, %dma_wait3A_718] : memref<1000000x64xf32, #tpu.memory_space<hbm>> -> memref<1x64xf32, #tpu.memory_space<hbm>>
        %dma_wait3A_720 = arith.constant 0 : i32
        %dma_wait3A_721 = tpu.memref_slice %arg4[%squeeze3A_224, %dma_wait3A_720] : memref<16384x64xf32, #tpu.memory_space<hbm>> -> memref<1x64xf32, #tpu.memory_space<hbm>>
        tpu.wait_dma2 semaphore(%arg12 : memref<!tpu.dma_semaphore, #tpu.memory_space<semaphore_mem>>) src(%dma_wait3A_721 : memref<1x64xf32, #tpu.memory_space<hbm>>) dst(%dma_wait3A_719 : memref<1x64xf32, #tpu.memory_space<hbm>>)
        %dma_wait3A_722 = arith.constant 0 : i32
        %dma_wait3A_723 = tpu.memref_slice %arg5[%squeeze3A_234, %dma_wait3A_722] : memref<1000000x64xf32, #tpu.memory_space<hbm>> -> memref<1x64xf32, #tpu.memory_space<hbm>>
        %dma_wait3A_724 = arith.constant 0 : i32
        %dma_wait3A_725 = tpu.memref_slice %arg4[%squeeze3A_232, %dma_wait3A_724] : memref<16384x64xf32, #tpu.memory_space<hbm>> -> memref<1x64xf32, #tpu.memory_space<hbm>>
        tpu.wait_dma2 semaphore(%arg12 : memref<!tpu.dma_semaphore, #tpu.memory_space<semaphore_mem>>) src(%dma_wait3A_725 : memref<1x64xf32, #tpu.memory_space<hbm>>) dst(%dma_wait3A_723 : memref<1x64xf32, #tpu.memory_space<hbm>>)
        %dma_wait3A_726 = arith.constant 0 : i32
        %dma_wait3A_727 = tpu.memref_slice %arg5[%squeeze3A_242, %dma_wait3A_726] : memref<1000000x64xf32, #tpu.memory_space<hbm>> -> memref<1x64xf32, #tpu.memory_space<hbm>>
        %dma_wait3A_728 = arith.constant 0 : i32
        %dma_wait3A_729 = tpu.memref_slice %arg4[%squeeze3A_240, %dma_wait3A_728] : memref<16384x64xf32, #tpu.memory_space<hbm>> -> memref<1x64xf32, #tpu.memory_space<hbm>>
        tpu.wait_dma2 semaphore(%arg12 : memref<!tpu.dma_semaphore, #tpu.memory_space<semaphore_mem>>) src(%dma_wait3A_729 : memref<1x64xf32, #tpu.memory_space<hbm>>) dst(%dma_wait3A_727 : memref<1x64xf32, #tpu.memory_space<hbm>>)
        %dma_wait3A_730 = arith.constant 0 : i32
        %dma_wait3A_731 = tpu.memref_slice %arg5[%squeeze3A_262, %dma_wait3A_730] : memref<1000000x64xf32, #tpu.memory_space<hbm>> -> memref<1x64xf32, #tpu.memory_space<hbm>>
        %dma_wait3A_732 = arith.constant 0 : i32
        %dma_wait3A_733 = tpu.memref_slice %arg4[%squeeze3A_260, %dma_wait3A_732] : memref<16384x64xf32, #tpu.memory_space<hbm>> -> memref<1x64xf32, #tpu.memory_space<hbm>>
        tpu.wait_dma2 semaphore(%arg12 : memref<!tpu.dma_semaphore, #tpu.memory_space<semaphore_mem>>) src(%dma_wait3A_733 : memref<1x64xf32, #tpu.memory_space<hbm>>) dst(%dma_wait3A_731 : memref<1x64xf32, #tpu.memory_space<hbm>>)
        %dma_wait3A_734 = arith.constant 0 : i32
        %dma_wait3A_735 = tpu.memref_slice %arg5[%squeeze3A_270, %dma_wait3A_734] : memref<1000000x64xf32, #tpu.memory_space<hbm>> -> memref<1x64xf32, #tpu.memory_space<hbm>>
        %dma_wait3A_736 = arith.constant 0 : i32
        %dma_wait3A_737 = tpu.memref_slice %arg4[%squeeze3A_268, %dma_wait3A_736] : memref<16384x64xf32, #tpu.memory_space<hbm>> -> memref<1x64xf32, #tpu.memory_space<hbm>>
        tpu.wait_dma2 semaphore(%arg12 : memref<!tpu.dma_semaphore, #tpu.memory_space<semaphore_mem>>) src(%dma_wait3A_737 : memref<1x64xf32, #tpu.memory_space<hbm>>) dst(%dma_wait3A_735 : memref<1x64xf32, #tpu.memory_space<hbm>>)
        %dma_wait3A_738 = arith.constant 0 : i32
        %dma_wait3A_739 = tpu.memref_slice %arg5[%squeeze3A_278, %dma_wait3A_738] : memref<1000000x64xf32, #tpu.memory_space<hbm>> -> memref<1x64xf32, #tpu.memory_space<hbm>>
        %dma_wait3A_740 = arith.constant 0 : i32
        %dma_wait3A_741 = tpu.memref_slice %arg4[%squeeze3A_276, %dma_wait3A_740] : memref<16384x64xf32, #tpu.memory_space<hbm>> -> memref<1x64xf32, #tpu.memory_space<hbm>>
        tpu.wait_dma2 semaphore(%arg12 : memref<!tpu.dma_semaphore, #tpu.memory_space<semaphore_mem>>) src(%dma_wait3A_741 : memref<1x64xf32, #tpu.memory_space<hbm>>) dst(%dma_wait3A_739 : memref<1x64xf32, #tpu.memory_space<hbm>>)
        %dma_wait3A_742 = arith.constant 0 : i32
        %dma_wait3A_743 = tpu.memref_slice %arg5[%squeeze3A_286, %dma_wait3A_742] : memref<1000000x64xf32, #tpu.memory_space<hbm>> -> memref<1x64xf32, #tpu.memory_space<hbm>>
        %dma_wait3A_744 = arith.constant 0 : i32
        %dma_wait3A_745 = tpu.memref_slice %arg4[%squeeze3A_284, %dma_wait3A_744] : memref<16384x64xf32, #tpu.memory_space<hbm>> -> memref<1x64xf32, #tpu.memory_space<hbm>>
        tpu.wait_dma2 semaphore(%arg12 : memref<!tpu.dma_semaphore, #tpu.memory_space<semaphore_mem>>) src(%dma_wait3A_745 : memref<1x64xf32, #tpu.memory_space<hbm>>) dst(%dma_wait3A_743 : memref<1x64xf32, #tpu.memory_space<hbm>>)
        %dma_wait3A_746 = arith.constant 0 : i32
        %dma_wait3A_747 = tpu.memref_slice %arg5[%squeeze3A_294, %dma_wait3A_746] : memref<1000000x64xf32, #tpu.memory_space<hbm>> -> memref<1x64xf32, #tpu.memory_space<hbm>>
        %dma_wait3A_748 = arith.constant 0 : i32
        %dma_wait3A_749 = tpu.memref_slice %arg4[%squeeze3A_292, %dma_wait3A_748] : memref<16384x64xf32, #tpu.memory_space<hbm>> -> memref<1x64xf32, #tpu.memory_space<hbm>>
        tpu.wait_dma2 semaphore(%arg12 : memref<!tpu.dma_semaphore, #tpu.memory_space<semaphore_mem>>) src(%dma_wait3A_749 : memref<1x64xf32, #tpu.memory_space<hbm>>) dst(%dma_wait3A_747 : memref<1x64xf32, #tpu.memory_space<hbm>>)
        %dma_wait3A_750 = arith.constant 0 : i32
        %dma_wait3A_751 = tpu.memref_slice %arg5[%squeeze3A_302, %dma_wait3A_750] : memref<1000000x64xf32, #tpu.memory_space<hbm>> -> memref<1x64xf32, #tpu.memory_space<hbm>>
        %dma_wait3A_752 = arith.constant 0 : i32
        %dma_wait3A_753 = tpu.memref_slice %arg4[%squeeze3A_300, %dma_wait3A_752] : memref<16384x64xf32, #tpu.memory_space<hbm>> -> memref<1x64xf32, #tpu.memory_space<hbm>>
        tpu.wait_dma2 semaphore(%arg12 : memref<!tpu.dma_semaphore, #tpu.memory_space<semaphore_mem>>) src(%dma_wait3A_753 : memref<1x64xf32, #tpu.memory_space<hbm>>) dst(%dma_wait3A_751 : memref<1x64xf32, #tpu.memory_space<hbm>>)
        %dma_wait3A_754 = arith.constant 0 : i32
        %dma_wait3A_755 = tpu.memref_slice %arg5[%squeeze3A_310, %dma_wait3A_754] : memref<1000000x64xf32, #tpu.memory_space<hbm>> -> memref<1x64xf32, #tpu.memory_space<hbm>>
        %dma_wait3A_756 = arith.constant 0 : i32
        %dma_wait3A_757 = tpu.memref_slice %arg4[%squeeze3A_308, %dma_wait3A_756] : memref<16384x64xf32, #tpu.memory_space<hbm>> -> memref<1x64xf32, #tpu.memory_space<hbm>>
        tpu.wait_dma2 semaphore(%arg12 : memref<!tpu.dma_semaphore, #tpu.memory_space<semaphore_mem>>) src(%dma_wait3A_757 : memref<1x64xf32, #tpu.memory_space<hbm>>) dst(%dma_wait3A_755 : memref<1x64xf32, #tpu.memory_space<hbm>>)
        %dma_wait3A_758 = arith.constant 0 : i32
        %dma_wait3A_759 = tpu.memref_slice %arg5[%squeeze3A_318, %dma_wait3A_758] : memref<1000000x64xf32, #tpu.memory_space<hbm>> -> memref<1x64xf32, #tpu.memory_space<hbm>>
        %dma_wait3A_760 = arith.constant 0 : i32
        %dma_wait3A_761 = tpu.memref_slice %arg4[%squeeze3A_316, %dma_wait3A_760] : memref<16384x64xf32, #tpu.memory_space<hbm>> -> memref<1x64xf32, #tpu.memory_space<hbm>>
        tpu.wait_dma2 semaphore(%arg12 : memref<!tpu.dma_semaphore, #tpu.memory_space<semaphore_mem>>) src(%dma_wait3A_761 : memref<1x64xf32, #tpu.memory_space<hbm>>) dst(%dma_wait3A_759 : memref<1x64xf32, #tpu.memory_space<hbm>>)
        %dma_wait3A_762 = arith.constant 0 : i32
        %dma_wait3A_763 = tpu.memref_slice %arg5[%squeeze3A_326, %dma_wait3A_762] : memref<1000000x64xf32, #tpu.memory_space<hbm>> -> memref<1x64xf32, #tpu.memory_space<hbm>>
        %dma_wait3A_764 = arith.constant 0 : i32
        %dma_wait3A_765 = tpu.memref_slice %arg4[%squeeze3A_324, %dma_wait3A_764] : memref<16384x64xf32, #tpu.memory_space<hbm>> -> memref<1x64xf32, #tpu.memory_space<hbm>>
        tpu.wait_dma2 semaphore(%arg12 : memref<!tpu.dma_semaphore, #tpu.memory_space<semaphore_mem>>) src(%dma_wait3A_765 : memref<1x64xf32, #tpu.memory_space<hbm>>) dst(%dma_wait3A_763 : memref<1x64xf32, #tpu.memory_space<hbm>>)
        %dma_wait3A_766 = arith.constant 0 : i32
        %dma_wait3A_767 = tpu.memref_slice %arg5[%squeeze3A_334, %dma_wait3A_766] : memref<1000000x64xf32, #tpu.memory_space<hbm>> -> memref<1x64xf32, #tpu.memory_space<hbm>>
        %dma_wait3A_768 = arith.constant 0 : i32
        %dma_wait3A_769 = tpu.memref_slice %arg4[%squeeze3A_332, %dma_wait3A_768] : memref<16384x64xf32, #tpu.memory_space<hbm>> -> memref<1x64xf32, #tpu.memory_space<hbm>>
        tpu.wait_dma2 semaphore(%arg12 : memref<!tpu.dma_semaphore, #tpu.memory_space<semaphore_mem>>) src(%dma_wait3A_769 : memref<1x64xf32, #tpu.memory_space<hbm>>) dst(%dma_wait3A_767 : memref<1x64xf32, #tpu.memory_space<hbm>>)
        %dma_wait3A_770 = arith.constant 0 : i32
        %dma_wait3A_771 = tpu.memref_slice %arg5[%squeeze3A_342, %dma_wait3A_770] : memref<1000000x64xf32, #tpu.memory_space<hbm>> -> memref<1x64xf32, #tpu.memory_space<hbm>>
        %dma_wait3A_772 = arith.constant 0 : i32
        %dma_wait3A_773 = tpu.memref_slice %arg4[%squeeze3A_340, %dma_wait3A_772] : memref<16384x64xf32, #tpu.memory_space<hbm>> -> memref<1x64xf32, #tpu.memory_space<hbm>>
        tpu.wait_dma2 semaphore(%arg12 : memref<!tpu.dma_semaphore, #tpu.memory_space<semaphore_mem>>) src(%dma_wait3A_773 : memref<1x64xf32, #tpu.memory_space<hbm>>) dst(%dma_wait3A_771 : memref<1x64xf32, #tpu.memory_space<hbm>>)
        %dma_wait3A_774 = arith.constant 0 : i32
        %dma_wait3A_775 = tpu.memref_slice %arg5[%squeeze3A_350, %dma_wait3A_774] : memref<1000000x64xf32, #tpu.memory_space<hbm>> -> memref<1x64xf32, #tpu.memory_space<hbm>>
        %dma_wait3A_776 = arith.constant 0 : i32
        %dma_wait3A_777 = tpu.memref_slice %arg4[%squeeze3A_348, %dma_wait3A_776] : memref<16384x64xf32, #tpu.memory_space<hbm>> -> memref<1x64xf32, #tpu.memory_space<hbm>>
        tpu.wait_dma2 semaphore(%arg12 : memref<!tpu.dma_semaphore, #tpu.memory_space<semaphore_mem>>) src(%dma_wait3A_777 : memref<1x64xf32, #tpu.memory_space<hbm>>) dst(%dma_wait3A_775 : memref<1x64xf32, #tpu.memory_space<hbm>>)
        %dma_wait3A_778 = arith.constant 0 : i32
        %dma_wait3A_779 = tpu.memref_slice %arg5[%squeeze3A_358, %dma_wait3A_778] : memref<1000000x64xf32, #tpu.memory_space<hbm>> -> memref<1x64xf32, #tpu.memory_space<hbm>>
        %dma_wait3A_780 = arith.constant 0 : i32
        %dma_wait3A_781 = tpu.memref_slice %arg4[%squeeze3A_356, %dma_wait3A_780] : memref<16384x64xf32, #tpu.memory_space<hbm>> -> memref<1x64xf32, #tpu.memory_space<hbm>>
        tpu.wait_dma2 semaphore(%arg12 : memref<!tpu.dma_semaphore, #tpu.memory_space<semaphore_mem>>) src(%dma_wait3A_781 : memref<1x64xf32, #tpu.memory_space<hbm>>) dst(%dma_wait3A_779 : memref<1x64xf32, #tpu.memory_space<hbm>>)
        %dma_wait3A_782 = arith.constant 0 : i32
        %dma_wait3A_783 = tpu.memref_slice %arg5[%squeeze3A_366, %dma_wait3A_782] : memref<1000000x64xf32, #tpu.memory_space<hbm>> -> memref<1x64xf32, #tpu.memory_space<hbm>>
        %dma_wait3A_784 = arith.constant 0 : i32
        %dma_wait3A_785 = tpu.memref_slice %arg4[%squeeze3A_364, %dma_wait3A_784] : memref<16384x64xf32, #tpu.memory_space<hbm>> -> memref<1x64xf32, #tpu.memory_space<hbm>>
        tpu.wait_dma2 semaphore(%arg12 : memref<!tpu.dma_semaphore, #tpu.memory_space<semaphore_mem>>) src(%dma_wait3A_785 : memref<1x64xf32, #tpu.memory_space<hbm>>) dst(%dma_wait3A_783 : memref<1x64xf32, #tpu.memory_space<hbm>>)
        %dma_wait3A_786 = arith.constant 0 : i32
        %dma_wait3A_787 = tpu.memref_slice %arg5[%squeeze3A_374, %dma_wait3A_786] : memref<1000000x64xf32, #tpu.memory_space<hbm>> -> memref<1x64xf32, #tpu.memory_space<hbm>>
        %dma_wait3A_788 = arith.constant 0 : i32
        %dma_wait3A_789 = tpu.memref_slice %arg4[%squeeze3A_372, %dma_wait3A_788] : memref<16384x64xf32, #tpu.memory_space<hbm>> -> memref<1x64xf32, #tpu.memory_space<hbm>>
        tpu.wait_dma2 semaphore(%arg12 : memref<!tpu.dma_semaphore, #tpu.memory_space<semaphore_mem>>) src(%dma_wait3A_789 : memref<1x64xf32, #tpu.memory_space<hbm>>) dst(%dma_wait3A_787 : memref<1x64xf32, #tpu.memory_space<hbm>>)
        %dma_wait3A_790 = arith.constant 0 : i32
        %dma_wait3A_791 = tpu.memref_slice %arg5[%squeeze3A_382, %dma_wait3A_790] : memref<1000000x64xf32, #tpu.memory_space<hbm>> -> memref<1x64xf32, #tpu.memory_space<hbm>>
        %dma_wait3A_792 = arith.constant 0 : i32
        %dma_wait3A_793 = tpu.memref_slice %arg4[%squeeze3A_380, %dma_wait3A_792] : memref<16384x64xf32, #tpu.memory_space<hbm>> -> memref<1x64xf32, #tpu.memory_space<hbm>>
        tpu.wait_dma2 semaphore(%arg12 : memref<!tpu.dma_semaphore, #tpu.memory_space<semaphore_mem>>) src(%dma_wait3A_793 : memref<1x64xf32, #tpu.memory_space<hbm>>) dst(%dma_wait3A_791 : memref<1x64xf32, #tpu.memory_space<hbm>>)
        %dma_wait3A_794 = arith.constant 0 : i32
        %dma_wait3A_795 = tpu.memref_slice %arg5[%squeeze3A_402, %dma_wait3A_794] : memref<1000000x64xf32, #tpu.memory_space<hbm>> -> memref<1x64xf32, #tpu.memory_space<hbm>>
        %dma_wait3A_796 = arith.constant 0 : i32
        %dma_wait3A_797 = tpu.memref_slice %arg4[%squeeze3A_400, %dma_wait3A_796] : memref<16384x64xf32, #tpu.memory_space<hbm>> -> memref<1x64xf32, #tpu.memory_space<hbm>>
        tpu.wait_dma2 semaphore(%arg12 : memref<!tpu.dma_semaphore, #tpu.memory_space<semaphore_mem>>) src(%dma_wait3A_797 : memref<1x64xf32, #tpu.memory_space<hbm>>) dst(%dma_wait3A_795 : memref<1x64xf32, #tpu.memory_space<hbm>>)
        %dma_wait3A_798 = arith.constant 0 : i32
        %dma_wait3A_799 = tpu.memref_slice %arg5[%squeeze3A_410, %dma_wait3A_798] : memref<1000000x64xf32, #tpu.memory_space<hbm>> -> memref<1x64xf32, #tpu.memory_space<hbm>>
        %dma_wait3A_800 = arith.constant 0 : i32
        %dma_wait3A_801 = tpu.memref_slice %arg4[%squeeze3A_408, %dma_wait3A_800] : memref<16384x64xf32, #tpu.memory_space<hbm>> -> memref<1x64xf32, #tpu.memory_space<hbm>>
        tpu.wait_dma2 semaphore(%arg12 : memref<!tpu.dma_semaphore, #tpu.memory_space<semaphore_mem>>) src(%dma_wait3A_801 : memref<1x64xf32, #tpu.memory_space<hbm>>) dst(%dma_wait3A_799 : memref<1x64xf32, #tpu.memory_space<hbm>>)
        %dma_wait3A_802 = arith.constant 0 : i32
        %dma_wait3A_803 = tpu.memref_slice %arg5[%squeeze3A_418, %dma_wait3A_802] : memref<1000000x64xf32, #tpu.memory_space<hbm>> -> memref<1x64xf32, #tpu.memory_space<hbm>>
        %dma_wait3A_804 = arith.constant 0 : i32
        %dma_wait3A_805 = tpu.memref_slice %arg4[%squeeze3A_416, %dma_wait3A_804] : memref<16384x64xf32, #tpu.memory_space<hbm>> -> memref<1x64xf32, #tpu.memory_space<hbm>>
        tpu.wait_dma2 semaphore(%arg12 : memref<!tpu.dma_semaphore, #tpu.memory_space<semaphore_mem>>) src(%dma_wait3A_805 : memref<1x64xf32, #tpu.memory_space<hbm>>) dst(%dma_wait3A_803 : memref<1x64xf32, #tpu.memory_space<hbm>>)
        %dma_wait3A_806 = arith.constant 0 : i32
        %dma_wait3A_807 = tpu.memref_slice %arg5[%squeeze3A_426, %dma_wait3A_806] : memref<1000000x64xf32, #tpu.memory_space<hbm>> -> memref<1x64xf32, #tpu.memory_space<hbm>>
        %dma_wait3A_808 = arith.constant 0 : i32
        %dma_wait3A_809 = tpu.memref_slice %arg4[%squeeze3A_424, %dma_wait3A_808] : memref<16384x64xf32, #tpu.memory_space<hbm>> -> memref<1x64xf32, #tpu.memory_space<hbm>>
        tpu.wait_dma2 semaphore(%arg12 : memref<!tpu.dma_semaphore, #tpu.memory_space<semaphore_mem>>) src(%dma_wait3A_809 : memref<1x64xf32, #tpu.memory_space<hbm>>) dst(%dma_wait3A_807 : memref<1x64xf32, #tpu.memory_space<hbm>>)
        %dma_wait3A_810 = arith.constant 0 : i32
        %dma_wait3A_811 = tpu.memref_slice %arg5[%squeeze3A_434, %dma_wait3A_810] : memref<1000000x64xf32, #tpu.memory_space<hbm>> -> memref<1x64xf32, #tpu.memory_space<hbm>>
        %dma_wait3A_812 = arith.constant 0 : i32
        %dma_wait3A_813 = tpu.memref_slice %arg4[%squeeze3A_432, %dma_wait3A_812] : memref<16384x64xf32, #tpu.memory_space<hbm>> -> memref<1x64xf32, #tpu.memory_space<hbm>>
        tpu.wait_dma2 semaphore(%arg12 : memref<!tpu.dma_semaphore, #tpu.memory_space<semaphore_mem>>) src(%dma_wait3A_813 : memref<1x64xf32, #tpu.memory_space<hbm>>) dst(%dma_wait3A_811 : memref<1x64xf32, #tpu.memory_space<hbm>>)
        %dma_wait3A_814 = arith.constant 0 : i32
        %dma_wait3A_815 = tpu.memref_slice %arg5[%squeeze3A_442, %dma_wait3A_814] : memref<1000000x64xf32, #tpu.memory_space<hbm>> -> memref<1x64xf32, #tpu.memory_space<hbm>>
        %dma_wait3A_816 = arith.constant 0 : i32
        %dma_wait3A_817 = tpu.memref_slice %arg4[%squeeze3A_440, %dma_wait3A_816] : memref<16384x64xf32, #tpu.memory_space<hbm>> -> memref<1x64xf32, #tpu.memory_space<hbm>>
        tpu.wait_dma2 semaphore(%arg12 : memref<!tpu.dma_semaphore, #tpu.memory_space<semaphore_mem>>) src(%dma_wait3A_817 : memref<1x64xf32, #tpu.memory_space<hbm>>) dst(%dma_wait3A_815 : memref<1x64xf32, #tpu.memory_space<hbm>>)
        %dma_wait3A_818 = arith.constant 0 : i32
        %dma_wait3A_819 = tpu.memref_slice %arg5[%squeeze3A_450, %dma_wait3A_818] : memref<1000000x64xf32, #tpu.memory_space<hbm>> -> memref<1x64xf32, #tpu.memory_space<hbm>>
        %dma_wait3A_820 = arith.constant 0 : i32
        %dma_wait3A_821 = tpu.memref_slice %arg4[%squeeze3A_448, %dma_wait3A_820] : memref<16384x64xf32, #tpu.memory_space<hbm>> -> memref<1x64xf32, #tpu.memory_space<hbm>>
        tpu.wait_dma2 semaphore(%arg12 : memref<!tpu.dma_semaphore, #tpu.memory_space<semaphore_mem>>) src(%dma_wait3A_821 : memref<1x64xf32, #tpu.memory_space<hbm>>) dst(%dma_wait3A_819 : memref<1x64xf32, #tpu.memory_space<hbm>>)
        %dma_wait3A_822 = arith.constant 0 : i32
        %dma_wait3A_823 = tpu.memref_slice %arg5[%squeeze3A_458, %dma_wait3A_822] : memref<1000000x64xf32, #tpu.memory_space<hbm>> -> memref<1x64xf32, #tpu.memory_space<hbm>>
        %dma_wait3A_824 = arith.constant 0 : i32
        %dma_wait3A_825 = tpu.memref_slice %arg4[%squeeze3A_456, %dma_wait3A_824] : memref<16384x64xf32, #tpu.memory_space<hbm>> -> memref<1x64xf32, #tpu.memory_space<hbm>>
        tpu.wait_dma2 semaphore(%arg12 : memref<!tpu.dma_semaphore, #tpu.memory_space<semaphore_mem>>) src(%dma_wait3A_825 : memref<1x64xf32, #tpu.memory_space<hbm>>) dst(%dma_wait3A_823 : memref<1x64xf32, #tpu.memory_space<hbm>>)
        %dma_wait3A_826 = arith.constant 0 : i32
        %dma_wait3A_827 = tpu.memref_slice %arg5[%squeeze3A_466, %dma_wait3A_826] : memref<1000000x64xf32, #tpu.memory_space<hbm>> -> memref<1x64xf32, #tpu.memory_space<hbm>>
        %dma_wait3A_828 = arith.constant 0 : i32
        %dma_wait3A_829 = tpu.memref_slice %arg4[%squeeze3A_464, %dma_wait3A_828] : memref<16384x64xf32, #tpu.memory_space<hbm>> -> memref<1x64xf32, #tpu.memory_space<hbm>>
        tpu.wait_dma2 semaphore(%arg12 : memref<!tpu.dma_semaphore, #tpu.memory_space<semaphore_mem>>) src(%dma_wait3A_829 : memref<1x64xf32, #tpu.memory_space<hbm>>) dst(%dma_wait3A_827 : memref<1x64xf32, #tpu.memory_space<hbm>>)
        %dma_wait3A_830 = arith.constant 0 : i32
        %dma_wait3A_831 = tpu.memref_slice %arg5[%squeeze3A_474, %dma_wait3A_830] : memref<1000000x64xf32, #tpu.memory_space<hbm>> -> memref<1x64xf32, #tpu.memory_space<hbm>>
        %dma_wait3A_832 = arith.constant 0 : i32
        %dma_wait3A_833 = tpu.memref_slice %arg4[%squeeze3A_472, %dma_wait3A_832] : memref<16384x64xf32, #tpu.memory_space<hbm>> -> memref<1x64xf32, #tpu.memory_space<hbm>>
        tpu.wait_dma2 semaphore(%arg12 : memref<!tpu.dma_semaphore, #tpu.memory_space<semaphore_mem>>) src(%dma_wait3A_833 : memref<1x64xf32, #tpu.memory_space<hbm>>) dst(%dma_wait3A_831 : memref<1x64xf32, #tpu.memory_space<hbm>>)
        %dma_wait3A_834 = arith.constant 0 : i32
        %dma_wait3A_835 = tpu.memref_slice %arg5[%squeeze3A_482, %dma_wait3A_834] : memref<1000000x64xf32, #tpu.memory_space<hbm>> -> memref<1x64xf32, #tpu.memory_space<hbm>>
        %dma_wait3A_836 = arith.constant 0 : i32
        %dma_wait3A_837 = tpu.memref_slice %arg4[%squeeze3A_480, %dma_wait3A_836] : memref<16384x64xf32, #tpu.memory_space<hbm>> -> memref<1x64xf32, #tpu.memory_space<hbm>>
        tpu.wait_dma2 semaphore(%arg12 : memref<!tpu.dma_semaphore, #tpu.memory_space<semaphore_mem>>) src(%dma_wait3A_837 : memref<1x64xf32, #tpu.memory_space<hbm>>) dst(%dma_wait3A_835 : memref<1x64xf32, #tpu.memory_space<hbm>>)
        %dma_wait3A_838 = arith.constant 0 : i32
        %dma_wait3A_839 = tpu.memref_slice %arg5[%squeeze3A_490, %dma_wait3A_838] : memref<1000000x64xf32, #tpu.memory_space<hbm>> -> memref<1x64xf32, #tpu.memory_space<hbm>>
        %dma_wait3A_840 = arith.constant 0 : i32
        %dma_wait3A_841 = tpu.memref_slice %arg4[%squeeze3A_488, %dma_wait3A_840] : memref<16384x64xf32, #tpu.memory_space<hbm>> -> memref<1x64xf32, #tpu.memory_space<hbm>>
        tpu.wait_dma2 semaphore(%arg12 : memref<!tpu.dma_semaphore, #tpu.memory_space<semaphore_mem>>) src(%dma_wait3A_841 : memref<1x64xf32, #tpu.memory_space<hbm>>) dst(%dma_wait3A_839 : memref<1x64xf32, #tpu.memory_space<hbm>>)
        %dma_wait3A_842 = arith.constant 0 : i32
        %dma_wait3A_843 = tpu.memref_slice %arg5[%squeeze3A_498, %dma_wait3A_842] : memref<1000000x64xf32, #tpu.memory_space<hbm>> -> memref<1x64xf32, #tpu.memory_space<hbm>>
        %dma_wait3A_844 = arith.constant 0 : i32
        %dma_wait3A_845 = tpu.memref_slice %arg4[%squeeze3A_496, %dma_wait3A_844] : memref<16384x64xf32, #tpu.memory_space<hbm>> -> memref<1x64xf32, #tpu.memory_space<hbm>>
        tpu.wait_dma2 semaphore(%arg12 : memref<!tpu.dma_semaphore, #tpu.memory_space<semaphore_mem>>) src(%dma_wait3A_845 : memref<1x64xf32, #tpu.memory_space<hbm>>) dst(%dma_wait3A_843 : memref<1x64xf32, #tpu.memory_space<hbm>>)
        %dma_wait3A_846 = arith.constant 0 : i32
        %dma_wait3A_847 = tpu.memref_slice %arg5[%squeeze3A_506, %dma_wait3A_846] : memref<1000000x64xf32, #tpu.memory_space<hbm>> -> memref<1x64xf32, #tpu.memory_space<hbm>>
        %dma_wait3A_848 = arith.constant 0 : i32
        %dma_wait3A_849 = tpu.memref_slice %arg4[%squeeze3A_504, %dma_wait3A_848] : memref<16384x64xf32, #tpu.memory_space<hbm>> -> memref<1x64xf32, #tpu.memory_space<hbm>>
        tpu.wait_dma2 semaphore(%arg12 : memref<!tpu.dma_semaphore, #tpu.memory_space<semaphore_mem>>) src(%dma_wait3A_849 : memref<1x64xf32, #tpu.memory_space<hbm>>) dst(%dma_wait3A_847 : memref<1x64xf32, #tpu.memory_space<hbm>>)
        %dma_wait3A_850 = arith.constant 0 : i32
        %dma_wait3A_851 = tpu.memref_slice %arg5[%squeeze3A_514, %dma_wait3A_850] : memref<1000000x64xf32, #tpu.memory_space<hbm>> -> memref<1x64xf32, #tpu.memory_space<hbm>>
        %dma_wait3A_852 = arith.constant 0 : i32
        %dma_wait3A_853 = tpu.memref_slice %arg4[%squeeze3A_512, %dma_wait3A_852] : memref<16384x64xf32, #tpu.memory_space<hbm>> -> memref<1x64xf32, #tpu.memory_space<hbm>>
        tpu.wait_dma2 semaphore(%arg12 : memref<!tpu.dma_semaphore, #tpu.memory_space<semaphore_mem>>) src(%dma_wait3A_853 : memref<1x64xf32, #tpu.memory_space<hbm>>) dst(%dma_wait3A_851 : memref<1x64xf32, #tpu.memory_space<hbm>>)
        %dma_wait3A_854 = arith.constant 0 : i32
        %dma_wait3A_855 = tpu.memref_slice %arg5[%squeeze3A_522, %dma_wait3A_854] : memref<1000000x64xf32, #tpu.memory_space<hbm>> -> memref<1x64xf32, #tpu.memory_space<hbm>>
        %dma_wait3A_856 = arith.constant 0 : i32
        %dma_wait3A_857 = tpu.memref_slice %arg4[%squeeze3A_520, %dma_wait3A_856] : memref<16384x64xf32, #tpu.memory_space<hbm>> -> memref<1x64xf32, #tpu.memory_space<hbm>>
        tpu.wait_dma2 semaphore(%arg12 : memref<!tpu.dma_semaphore, #tpu.memory_space<semaphore_mem>>) src(%dma_wait3A_857 : memref<1x64xf32, #tpu.memory_space<hbm>>) dst(%dma_wait3A_855 : memref<1x64xf32, #tpu.memory_space<hbm>>)
        %dma_wait3A_858 = arith.constant 0 : i32
        %dma_wait3A_859 = tpu.memref_slice %arg5[%squeeze3A_542, %dma_wait3A_858] : memref<1000000x64xf32, #tpu.memory_space<hbm>> -> memref<1x64xf32, #tpu.memory_space<hbm>>
        %dma_wait3A_860 = arith.constant 0 : i32
        %dma_wait3A_861 = tpu.memref_slice %arg4[%squeeze3A_540, %dma_wait3A_860] : memref<16384x64xf32, #tpu.memory_space<hbm>> -> memref<1x64xf32, #tpu.memory_space<hbm>>
        tpu.wait_dma2 semaphore(%arg12 : memref<!tpu.dma_semaphore, #tpu.memory_space<semaphore_mem>>) src(%dma_wait3A_861 : memref<1x64xf32, #tpu.memory_space<hbm>>) dst(%dma_wait3A_859 : memref<1x64xf32, #tpu.memory_space<hbm>>)
        %dma_wait3A_862 = arith.constant 0 : i32
        %dma_wait3A_863 = tpu.memref_slice %arg5[%squeeze3A_550, %dma_wait3A_862] : memref<1000000x64xf32, #tpu.memory_space<hbm>> -> memref<1x64xf32, #tpu.memory_space<hbm>>
        %dma_wait3A_864 = arith.constant 0 : i32
        %dma_wait3A_865 = tpu.memref_slice %arg4[%squeeze3A_548, %dma_wait3A_864] : memref<16384x64xf32, #tpu.memory_space<hbm>> -> memref<1x64xf32, #tpu.memory_space<hbm>>
        tpu.wait_dma2 semaphore(%arg12 : memref<!tpu.dma_semaphore, #tpu.memory_space<semaphore_mem>>) src(%dma_wait3A_865 : memref<1x64xf32, #tpu.memory_space<hbm>>) dst(%dma_wait3A_863 : memref<1x64xf32, #tpu.memory_space<hbm>>)
        %dma_wait3A_866 = arith.constant 0 : i32
        %dma_wait3A_867 = tpu.memref_slice %arg5[%squeeze3A_558, %dma_wait3A_866] : memref<1000000x64xf32, #tpu.memory_space<hbm>> -> memref<1x64xf32, #tpu.memory_space<hbm>>
        %dma_wait3A_868 = arith.constant 0 : i32
        %dma_wait3A_869 = tpu.memref_slice %arg4[%squeeze3A_556, %dma_wait3A_868] : memref<16384x64xf32, #tpu.memory_space<hbm>> -> memref<1x64xf32, #tpu.memory_space<hbm>>
        tpu.wait_dma2 semaphore(%arg12 : memref<!tpu.dma_semaphore, #tpu.memory_space<semaphore_mem>>) src(%dma_wait3A_869 : memref<1x64xf32, #tpu.memory_space<hbm>>) dst(%dma_wait3A_867 : memref<1x64xf32, #tpu.memory_space<hbm>>)
        %dma_wait3A_870 = arith.constant 0 : i32
        %dma_wait3A_871 = tpu.memref_slice %arg5[%squeeze3A_566, %dma_wait3A_870] : memref<1000000x64xf32, #tpu.memory_space<hbm>> -> memref<1x64xf32, #tpu.memory_space<hbm>>
        %dma_wait3A_872 = arith.constant 0 : i32
        %dma_wait3A_873 = tpu.memref_slice %arg4[%squeeze3A_564, %dma_wait3A_872] : memref<16384x64xf32, #tpu.memory_space<hbm>> -> memref<1x64xf32, #tpu.memory_space<hbm>>
        tpu.wait_dma2 semaphore(%arg12 : memref<!tpu.dma_semaphore, #tpu.memory_space<semaphore_mem>>) src(%dma_wait3A_873 : memref<1x64xf32, #tpu.memory_space<hbm>>) dst(%dma_wait3A_871 : memref<1x64xf32, #tpu.memory_space<hbm>>)
        %dma_wait3A_874 = arith.constant 0 : i32
        %dma_wait3A_875 = tpu.memref_slice %arg5[%squeeze3A_574, %dma_wait3A_874] : memref<1000000x64xf32, #tpu.memory_space<hbm>> -> memref<1x64xf32, #tpu.memory_space<hbm>>
        %dma_wait3A_876 = arith.constant 0 : i32
        %dma_wait3A_877 = tpu.memref_slice %arg4[%squeeze3A_572, %dma_wait3A_876] : memref<16384x64xf32, #tpu.memory_space<hbm>> -> memref<1x64xf32, #tpu.memory_space<hbm>>
        tpu.wait_dma2 semaphore(%arg12 : memref<!tpu.dma_semaphore, #tpu.memory_space<semaphore_mem>>) src(%dma_wait3A_877 : memref<1x64xf32, #tpu.memory_space<hbm>>) dst(%dma_wait3A_875 : memref<1x64xf32, #tpu.memory_space<hbm>>)
        %dma_wait3A_878 = arith.constant 0 : i32
        %dma_wait3A_879 = tpu.memref_slice %arg5[%squeeze3A_582, %dma_wait3A_878] : memref<1000000x64xf32, #tpu.memory_space<hbm>> -> memref<1x64xf32, #tpu.memory_space<hbm>>
        %dma_wait3A_880 = arith.constant 0 : i32
        %dma_wait3A_881 = tpu.memref_slice %arg4[%squeeze3A_580, %dma_wait3A_880] : memref<16384x64xf32, #tpu.memory_space<hbm>> -> memref<1x64xf32, #tpu.memory_space<hbm>>
        tpu.wait_dma2 semaphore(%arg12 : memref<!tpu.dma_semaphore, #tpu.memory_space<semaphore_mem>>) src(%dma_wait3A_881 : memref<1x64xf32, #tpu.memory_space<hbm>>) dst(%dma_wait3A_879 : memref<1x64xf32, #tpu.memory_space<hbm>>)
        %dma_wait3A_882 = arith.constant 0 : i32
        %dma_wait3A_883 = tpu.memref_slice %arg5[%squeeze3A_590, %dma_wait3A_882] : memref<1000000x64xf32, #tpu.memory_space<hbm>> -> memref<1x64xf32, #tpu.memory_space<hbm>>
        %dma_wait3A_884 = arith.constant 0 : i32
        %dma_wait3A_885 = tpu.memref_slice %arg4[%squeeze3A_588, %dma_wait3A_884] : memref<16384x64xf32, #tpu.memory_space<hbm>> -> memref<1x64xf32, #tpu.memory_space<hbm>>
        tpu.wait_dma2 semaphore(%arg12 : memref<!tpu.dma_semaphore, #tpu.memory_space<semaphore_mem>>) src(%dma_wait3A_885 : memref<1x64xf32, #tpu.memory_space<hbm>>) dst(%dma_wait3A_883 : memref<1x64xf32, #tpu.memory_space<hbm>>)
        %dma_wait3A_886 = arith.constant 0 : i32
        %dma_wait3A_887 = tpu.memref_slice %arg5[%squeeze3A_598, %dma_wait3A_886] : memref<1000000x64xf32, #tpu.memory_space<hbm>> -> memref<1x64xf32, #tpu.memory_space<hbm>>
        %dma_wait3A_888 = arith.constant 0 : i32
        %dma_wait3A_889 = tpu.memref_slice %arg4[%squeeze3A_596, %dma_wait3A_888] : memref<16384x64xf32, #tpu.memory_space<hbm>> -> memref<1x64xf32, #tpu.memory_space<hbm>>
        tpu.wait_dma2 semaphore(%arg12 : memref<!tpu.dma_semaphore, #tpu.memory_space<semaphore_mem>>) src(%dma_wait3A_889 : memref<1x64xf32, #tpu.memory_space<hbm>>) dst(%dma_wait3A_887 : memref<1x64xf32, #tpu.memory_space<hbm>>)
        %dma_wait3A_890 = arith.constant 0 : i32
        %dma_wait3A_891 = tpu.memref_slice %arg5[%squeeze3A_606, %dma_wait3A_890] : memref<1000000x64xf32, #tpu.memory_space<hbm>> -> memref<1x64xf32, #tpu.memory_space<hbm>>
        %dma_wait3A_892 = arith.constant 0 : i32
        %dma_wait3A_893 = tpu.memref_slice %arg4[%squeeze3A_604, %dma_wait3A_892] : memref<16384x64xf32, #tpu.memory_space<hbm>> -> memref<1x64xf32, #tpu.memory_space<hbm>>
        tpu.wait_dma2 semaphore(%arg12 : memref<!tpu.dma_semaphore, #tpu.memory_space<semaphore_mem>>) src(%dma_wait3A_893 : memref<1x64xf32, #tpu.memory_space<hbm>>) dst(%dma_wait3A_891 : memref<1x64xf32, #tpu.memory_space<hbm>>)
        %dma_wait3A_894 = arith.constant 0 : i32
        %dma_wait3A_895 = tpu.memref_slice %arg5[%squeeze3A_614, %dma_wait3A_894] : memref<1000000x64xf32, #tpu.memory_space<hbm>> -> memref<1x64xf32, #tpu.memory_space<hbm>>
        %dma_wait3A_896 = arith.constant 0 : i32
        %dma_wait3A_897 = tpu.memref_slice %arg4[%squeeze3A_612, %dma_wait3A_896] : memref<16384x64xf32, #tpu.memory_space<hbm>> -> memref<1x64xf32, #tpu.memory_space<hbm>>
        tpu.wait_dma2 semaphore(%arg12 : memref<!tpu.dma_semaphore, #tpu.memory_space<semaphore_mem>>) src(%dma_wait3A_897 : memref<1x64xf32, #tpu.memory_space<hbm>>) dst(%dma_wait3A_895 : memref<1x64xf32, #tpu.memory_space<hbm>>)
        %dma_wait3A_898 = arith.constant 0 : i32
        %dma_wait3A_899 = tpu.memref_slice %arg5[%squeeze3A_622, %dma_wait3A_898] : memref<1000000x64xf32, #tpu.memory_space<hbm>> -> memref<1x64xf32, #tpu.memory_space<hbm>>
        %dma_wait3A_900 = arith.constant 0 : i32
        %dma_wait3A_901 = tpu.memref_slice %arg4[%squeeze3A_620, %dma_wait3A_900] : memref<16384x64xf32, #tpu.memory_space<hbm>> -> memref<1x64xf32, #tpu.memory_space<hbm>>
        tpu.wait_dma2 semaphore(%arg12 : memref<!tpu.dma_semaphore, #tpu.memory_space<semaphore_mem>>) src(%dma_wait3A_901 : memref<1x64xf32, #tpu.memory_space<hbm>>) dst(%dma_wait3A_899 : memref<1x64xf32, #tpu.memory_space<hbm>>)
        %dma_wait3A_902 = arith.constant 0 : i32
        %dma_wait3A_903 = tpu.memref_slice %arg5[%squeeze3A_630, %dma_wait3A_902] : memref<1000000x64xf32, #tpu.memory_space<hbm>> -> memref<1x64xf32, #tpu.memory_space<hbm>>
        %dma_wait3A_904 = arith.constant 0 : i32
        %dma_wait3A_905 = tpu.memref_slice %arg4[%squeeze3A_628, %dma_wait3A_904] : memref<16384x64xf32, #tpu.memory_space<hbm>> -> memref<1x64xf32, #tpu.memory_space<hbm>>
        tpu.wait_dma2 semaphore(%arg12 : memref<!tpu.dma_semaphore, #tpu.memory_space<semaphore_mem>>) src(%dma_wait3A_905 : memref<1x64xf32, #tpu.memory_space<hbm>>) dst(%dma_wait3A_903 : memref<1x64xf32, #tpu.memory_space<hbm>>)
        %dma_wait3A_906 = arith.constant 0 : i32
        %dma_wait3A_907 = tpu.memref_slice %arg5[%squeeze3A_638, %dma_wait3A_906] : memref<1000000x64xf32, #tpu.memory_space<hbm>> -> memref<1x64xf32, #tpu.memory_space<hbm>>
        %dma_wait3A_908 = arith.constant 0 : i32
        %dma_wait3A_909 = tpu.memref_slice %arg4[%squeeze3A_636, %dma_wait3A_908] : memref<16384x64xf32, #tpu.memory_space<hbm>> -> memref<1x64xf32, #tpu.memory_space<hbm>>
        tpu.wait_dma2 semaphore(%arg12 : memref<!tpu.dma_semaphore, #tpu.memory_space<semaphore_mem>>) src(%dma_wait3A_909 : memref<1x64xf32, #tpu.memory_space<hbm>>) dst(%dma_wait3A_907 : memref<1x64xf32, #tpu.memory_space<hbm>>)
        %dma_wait3A_910 = arith.constant 0 : i32
        %dma_wait3A_911 = tpu.memref_slice %arg5[%squeeze3A_646, %dma_wait3A_910] : memref<1000000x64xf32, #tpu.memory_space<hbm>> -> memref<1x64xf32, #tpu.memory_space<hbm>>
        %dma_wait3A_912 = arith.constant 0 : i32
        %dma_wait3A_913 = tpu.memref_slice %arg4[%squeeze3A_644, %dma_wait3A_912] : memref<16384x64xf32, #tpu.memory_space<hbm>> -> memref<1x64xf32, #tpu.memory_space<hbm>>
        tpu.wait_dma2 semaphore(%arg12 : memref<!tpu.dma_semaphore, #tpu.memory_space<semaphore_mem>>) src(%dma_wait3A_913 : memref<1x64xf32, #tpu.memory_space<hbm>>) dst(%dma_wait3A_911 : memref<1x64xf32, #tpu.memory_space<hbm>>)
        %dma_wait3A_914 = arith.constant 0 : i32
        %dma_wait3A_915 = tpu.memref_slice %arg5[%squeeze3A_654, %dma_wait3A_914] : memref<1000000x64xf32, #tpu.memory_space<hbm>> -> memref<1x64xf32, #tpu.memory_space<hbm>>
        %dma_wait3A_916 = arith.constant 0 : i32
        %dma_wait3A_917 = tpu.memref_slice %arg4[%squeeze3A_652, %dma_wait3A_916] : memref<16384x64xf32, #tpu.memory_space<hbm>> -> memref<1x64xf32, #tpu.memory_space<hbm>>
        tpu.wait_dma2 semaphore(%arg12 : memref<!tpu.dma_semaphore, #tpu.memory_space<semaphore_mem>>) src(%dma_wait3A_917 : memref<1x64xf32, #tpu.memory_space<hbm>>) dst(%dma_wait3A_915 : memref<1x64xf32, #tpu.memory_space<hbm>>)
        %dma_wait3A_918 = arith.constant 0 : i32
        %dma_wait3A_919 = tpu.memref_slice %arg5[%squeeze3A_662, %dma_wait3A_918] : memref<1000000x64xf32, #tpu.memory_space<hbm>> -> memref<1x64xf32, #tpu.memory_space<hbm>>
        %dma_wait3A_920 = arith.constant 0 : i32
        %dma_wait3A_921 = tpu.memref_slice %arg4[%squeeze3A_660, %dma_wait3A_920] : memref<16384x64xf32, #tpu.memory_space<hbm>> -> memref<1x64xf32, #tpu.memory_space<hbm>>
        tpu.wait_dma2 semaphore(%arg12 : memref<!tpu.dma_semaphore, #tpu.memory_space<semaphore_mem>>) src(%dma_wait3A_921 : memref<1x64xf32, #tpu.memory_space<hbm>>) dst(%dma_wait3A_919 : memref<1x64xf32, #tpu.memory_space<hbm>>)
      } else {
      }
    }
    %scan3A_106 = arith.constant 32 : i32
    return
  }
}

</mosaic_0001>

<sc_bundles>
// kernel: kernel.3.cloned.1.call-start
scs
__scs_entry_jumppad:
0x0: {  	(pc) =	sbr.rel $0x88, $3  }
0x1: {  	(tag) =	ssettag $0x0;
	lr =	simm.s32 $0x1  }
0x2: {  	[smem:$0x3F9E] =	sst lr;
	_ =	strace $0xD0000000  }
0x3: {  	_ = 	snop  }
0x4: {  	_ = 	snop  }
0x5: {  	_ = 	snop  }
0x6: {  	_ = 	snop  }
0x7: {  	_ = 	snop  }
__scs_overlays_trampoline_lowered:
0x8: {  	[smem:$0x3FAD] =	sst s0  }
0x9: {  	[smem:$0x3FAE] =	sst s1  }
0xa: {  	[smem:$0x3FAF] =	sst s2  }
0xb: {  	[smem:$0x3FB0] =	sst s3  }
0xc: {  	[smem:$0x3FB1] =	sst s4  }
0xd: {  	[smem:$0x3FB2] =	sst s5  }
0xe: {  	[smem:$0x3FB3] =	sst s6  }
0xf: {  	[smem:$0x3FB4] =	sst s7  }
0x10: {  	[smem:$0x3FB5] =	sst s8  }
0x11: {  	[smem:$0x3FB6] =	sst s9;
	s0 =	simm.s32 @!p0 $0x0  }
0x12: {  	s1 =	sld [smem:$0x3F9C];
	s0 =	simm.s32 @p0 $0x1  }
0x13: {  	[smem:$0x3FB7] =	sst s0;
	s0 =	simm.s32 @!p1 $0x0  }
0x14: {  	s2 =	sld [smem:$0x3F9B];
	s0 =	simm.s32 @p1 $0x1  }
0x15: {  	[smem:$0x3FB8] =	sst s0;
	s0 =	simm.s32 @!p2 $0x0  }
0x16: {  	s3 =	sld [smem:$0x3FDB];
	s0 =	simm.s32 @p2 $0x1  }
0x17: {  	s4 =	simm.s32 $0x1BF5;
	[smem:$0x3FBA] =	sst s0  }
0x18: {  	s0 =	sld [smem:$0x3F9D];
	_ =	swait.ge [sflag:s4], $0x0  }
0x19: {  	s7 =	sld [smem:$0x3F9E]  }
0x1a: {  	s8 =	sadd.s32 $0xFFFFE003, lr  }
0x1b: {  	s9 =	sadd.s32 $0xFFFFFEF7, lr;
	s5 =	simm.s32 $0xFFFFFFFF;
	p2 =	slt.u32 s8, $0xFFFFF086  }
0x1c: {  	p1 =	slt.u32 s9, $0xF7A;
	s5 =	simm.s32 @!p2 $0x0  }
0x1d: {  	s5 =	simm.s32 @p1 $0x1;
	p0 =	seq.s32 s7, s2  }
0x1e: {  	s7 =	smul.u32 @!p0 $0xF7A, s2;
	p2 =	seq.s32 @!p0 s5, $0x0  }
0x1f: {  	s9 =	smul.u32 $0xF7A, s1;
	s8 =	simm.s32 @!p0 $0x1BF5;
	p2 =	por !p2, p0  }
0x20: {  	[sflag:s8] =	ssyncset.s32 @!p0 $0xFFFFF086;
	s6 =	sadd.s32 @!p0 s3, s7;
	s7 =	simm.s32 @!p0 $0x108  }
0x21: {  	s3 =	sadd.s32 s3, s9;
	s6 =	sadd.s32 @!p0 $0x88, s6;
	s7 =	simm.s32 @p2 $0x1082  }
0x22: {  	[simem:s7], [sflag:s8] =	dma.local @!p0 [hbm:s6], $0xF7A  }
0x23: {  	s9 =	sor.u32 $0xD0000000, s2;
	s6 =	simm.s32 $0x108;
	_ =	swait.ge @!p0 [sflag:s8], $0x0  }
0x24: {  	s3 =	sadd.s32 $0x88, s3;
	s6 =	simm.s32 @!p1 $0x1082;
	[sflag:s4] =	ssyncset.s32 $0xFFFFF086  }
0x25: {  	[simem:s6], [sflag:s4] =	dma.local [hbm:s3], $0xF7A  }
0x26: {  	[smem:$0x3F9E] =	sst s1;
	(tag) =	ssettag s2;
	_ =	strace s9  }
0x27: {  	s1 =	sld [smem:$0x3FAE]  }
0x28: {  	s2 =	sld [smem:$0x3FAF]  }
0x29: {  	s4 =	sld [smem:$0x3FB1]  }
0x2a: {  	p0 =	seq.s32 s5, $0x0;
	s5 =	sld [smem:$0x3FB2]  }
0x2b: {  	s6 =	sld [smem:$0x3FB3]  }
0x2c: {  	s7 =	sld [smem:$0x3FB4]  }
0x2d: {  	s3 =	simm.s32 $0x108;
	s8 =	sld [smem:$0x3FB5]  }
0x2e: {  	s3 =	simm.s32 @!p0 $0x1082;
	s9 =	sld [smem:$0x3FB6]  }
0x2f: {  	lr =	sadd.s32 s0, s3;
	s0 =	sld [smem:$0x3FAD]  }
0x30: {  	s3 =	sld [smem:$0x3FB0]  }
0x31: {  	[smem:$0x3FB9] =	sst s10  }
0x32: {  	s10 =	sld [smem:$0x3FB7];
	_ =	sdelay $0x3  }
0x33: {  	p0 =	seq.s32 s10, $0x1;
	s10 =	sld [smem:$0x3FB9];
	_ =	sdelay $0x3  }
0x34: {  	[smem:$0x3FB9] =	sst s10  }
0x35: {  	s10 =	sld [smem:$0x3FB8];
	_ =	sdelay $0x3  }
0x36: {  	p1 =	seq.s32 s10, $0x1;
	s10 =	sld [smem:$0x3FB9];
	_ =	sdelay $0x3  }
0x37: {  	[smem:$0x3FB9] =	sst s10  }
0x38: {  	s10 =	sld [smem:$0x3FBA]  }
0x39: {  	_ = 	snop;
	(pc) =	sbr.ind lr, $3  }
0x3a: {  	_ = 	snop  }
0x3b: {  	_ = 	snop  }
0x3c: {  	p2 =	seq.s32 s10, $0x1;
	s10 =	sld [smem:$0x3FB9]  }
0x3d: {  	_ =	shalt  }
0x3e: {  	_ =	shalt  }
0x3f: {  	_ =	shalt  }
0x40: {  	_ =	shalt  }
0x41: {  	_ =	shalt  }
0x42: {  	_ =	shalt  }
0x43: {  	_ =	shalt  }
0x44: {  	_ =	shalt  }
0x45: {  	_ =	shalt  }
0x46: {  	_ =	shalt  }
0x47: {  	_ =	shalt  }
0x48: {  	_ =	shalt  }
0x49: {  	_ =	shalt  }
0x4a: {  	_ =	shalt  }
0x4b: {  	_ =	shalt  }
0x4c: {  	_ =	shalt  }
0x4d: {  	_ =	shalt  }
0x4e: {  	_ =	shalt  }
0x4f: {  	_ =	shalt  }
0x50: {  	_ =	shalt  }
0x51: {  	_ =	shalt  }
0x52: {  	_ =	shalt  }
0x53: {  	_ =	shalt  }
0x54: {  	_ =	shalt  }
0x55: {  	_ =	shalt  }
0x56: {  	_ =	shalt  }
0x57: {  	_ =	shalt  }
0x58: {  	_ =	shalt  }
0x59: {  	_ =	shalt  }
0x5a: {  	_ =	shalt  }
0x5b: {  	_ =	shalt  }
0x5c: {  	_ =	shalt  }
0x5d: {  	_ =	shalt  }
0x5e: {  	_ =	shalt  }
0x5f: {  	_ =	shalt  }
0x60: {  	_ =	shalt  }
0x61: {  	_ =	shalt  }
0x62: {  	_ =	shalt  }
0x63: {  	_ =	shalt  }
0x64: {  	_ =	shalt  }
0x65: {  	_ =	shalt  }
0x66: {  	_ =	shalt  }
0x67: {  	_ =	shalt  }
0x68: {  	_ =	shalt  }
0x69: {  	_ =	shalt  }
0x6a: {  	_ =	shalt  }
0x6b: {  	_ =	shalt  }
0x6c: {  	_ =	shalt  }
0x6d: {  	_ =	shalt  }
0x6e: {  	_ =	shalt  }
0x6f: {  	_ =	shalt  }
0x70: {  	_ =	shalt  }
0x71: {  	_ =	shalt  }
0x72: {  	_ =	shalt  }
0x73: {  	_ =	shalt  }
0x74: {  	_ =	shalt  }
0x75: {  	_ =	shalt  }
0x76: {  	_ =	shalt  }
0x77: {  	_ =	shalt  }
0x78: {  	_ =	shalt  }
0x79: {  	_ =	shalt  }
0x7a: {  	_ =	shalt  }
0x7b: {  	_ =	shalt  }
0x7c: {  	_ =	shalt  }
0x7d: {  	_ =	shalt  }
0x7e: {  	_ =	shalt  }
0x7f: {  	_ =	shalt  }
0x80: {  	_ =	shalt  }
0x81: {  	_ =	shalt  }
0x82: {  	_ =	shalt  }
0x83: {  	_ =	shalt  }
0x84: {  	_ =	shalt  }
0x85: {  	_ =	shalt  }
0x86: {  	_ =	shalt  }
0x87: {  	_ =	shalt  }
.Lfunc_end0:
.L_simem_size_0:
called_computation.1_lowered:
.L_overlay_start_0:
0x88: {  	s2 =	sld [smem:$0x3FD9]  }
0x89: {  	s3 =	sld [smem:$0x3FFE];
	_ =	sdelay $0x1  }
0x8a: {  	s1 =	srdreg.scid  }
0x8b: {  	s0 =	sand.u32 $0x1, s1  }
0x8c: {  	s17 =	sshll.u32 s0, $0xA;
	s2 =	sadd.s32 s3, s2  }
0x8d: {  	s2 =	sadd.s32 s2, s17  }
0x8e: {  	[smem:$0x3FC5] =	sst s2  }
0x8f: {  	_ = 	snop  }
0x90: {  	s2 =	sld [smem:$0x3FC8]  }
0x91: {  	s18 =	sld [smem:$0x3FD0];
	(tm) =	ssettm $0x1  }
0x92: {  	s4 =	sld [smem:$0x3FFB];
	_ =	sdelay $0x3  }
0x93: {  	_ =	strace s4  }
0x94: {  	s4 =	sld [smem:$0x3FFC];
	_ =	sdelay $0x3  }
0x95: {  	_ =	strace s4  }
0x96: {  	s4 =	sld [smem:$0x3FFD];
	_ =	sdelay $0x3  }
0x97: {  	_ =	strace s4  }
0x98: {  	_ =	strace $0x8FFFFFFF  }
0x99: {  	s19 =	sld [smem:$0x3FDB];
	_ =	sdelay $0x1  }
0x9a: {  	s5 =	simm.s32 $_scs_section_size  }
0x9b: {  	s6 =	simm.s32 $_size__tile_overlayer_lowered;
	s7 =	simm.s32 $_tile_overlayer_lowered  }
0x9c: {  	s22 =	simm.s32 $0x1BFF;
	s21 =	sshll.u32 s7, $0x1;
	s4 =	sadd.s32 s5, s19  }
0x9d: {  	s8 =	simm.s32 $0x0;
	s20 =	sshll.u32 s6, $0x1;
	s6 =	sadd.s32 s21, s4  }
0x9e: {  	[timem:s8], [sflag:s22] =	dma.local [hbm:s6], s20  }
0x9f: {  	_ =	swait.ge [sflag:s22], s20  }
0xa0: {  	s5 =	ssub.s32 $0x0, s20;
	[sflag:s22] =	ssyncset.done $0x0  }
0xa1: {  	[sflag:s22] =	ssyncadd.s32 s5;
	_ =	sdelay $0x1  }
0xa2: {  	s23 =	simm.s32 $0x1B8B  }
0xa3: {  	_ =	swait.ge [sflag:s23], $0x1  }
0xa4: {  	[sflag:s23] =	ssyncset.done $0x0  }
0xa5: {  	s25 =	simm.s32 $0x1B8E;
	s24 =	sld [smem:$0x3FFE];
	[sflag:s23] =	ssyncadd.s32 $0xFFFFFFFF  }
0xa6: {  	s26 =	simm.s32 $execute0_lowered;
	[smem:$0x3FD2] =	sst s25  }
0xa7: {  	s6 =	sshll.u32 s26, $0x1;
	_ =	strace $0x80000046;
	[dreg:$0x1] =	wrdreg $0xFFFFFFFF  }
0xa8: {  	s28 =	simm.s32 $_size_execute0_lowered;
	s4 =	sadd.s32 s4, s6;
	[dreg:$0x0] =	wrdreg $0x0  }
0xa9: {  	s6 =	sshll.u32 s28, $0x1;
	[dreg:$0x2] =	wrdreg s4  }
0xaa: {  	[dreg:$0x3] =	wrdreg s6  }
0xab: {  	[dreg:$0x4] =	wrdreg $0xC0  }
0xac: {  	_ =	task [dreg:s8], $0x5FFFF  }
0xad: {  	[dreg:$0x1] =	wrdreg $0xFFFFFFFF  }
0xae: {  	[dreg:$0x0] =	wrdreg $0x60  }
0xaf: {  	[dreg:$0x2] =	wrdreg s18  }
0xb0: {  	[dreg:$0x3] =	wrdreg s2  }
0xb1: {  	[dreg:$0x4] =	wrdreg s24  }
0xb2: {  	[dreg:$0x5] =	wrdreg $0x9  }
0xb3: {  	_ =	task.clear_ibuf [dreg:s8], $0x6FFFF;
	_ =	strace $0x90000046  }
0xb4: {  	s29 =	simm.s32 $0x9;
	_ =	strace $0x80000048  }
0xb5: {  	_ =	swait.ge [sflag:s29], $0x1  }
0xb6: {  	[sflag:s29] =	ssyncadd.s32 $0xFFFFFFFF  }
0xb7: {  	_ =	strace $0x90000048  }
0xb8: {  	_ =	sfence  }
0xb9: {  	s30 =	sld [smem:$0x0];
	_ =	sdelay $0x2  }
0xba: {  	s31 =	sshll.u32 s1, $0xD;
	s1 =	sshrl.u32 s1, $0x2  }
0xbb: {  	s3 =	sand.u32 $0x4000, s31;
	s1 =	sadd.s32 s1, s30  }
0xbc: {  	s0 =	sor.u32 s3, s0;
	s1 =	sshll.u32 s1, $0x11  }
0xbd: {  	s0 =	sor.u32 s1, s0  }
0xbe: {  	s0 =	sadd.s32 $0x8F2B, s0  }
0xbf: {  	[sflag:s0] =	ssyncadd.remote.s32 $0x1  }
0xc0: {  	_ =	sfence.sel $0xFFFF  }
0xc1: {  	[dreg:$0x0] =	wrdreg $0xFFFFFFFF;
	(pc) =	sbr.abs _section_cstart, $3  }
0xc2: {  	[dreg:$0x1] =	wrdreg $0xFFFFFFFF  }
0xc3: {  	_ =	task.clear_ibuf [dreg:s8], $0x2FFFF;
	_ =	strace $0x9FFFFFFF  }
0xc4: {  	(tm) =	ssettm $0x7FFFFFFF  }
0xc5: {  	_ =	shalt  }
tec
execute0_lowered:
.L_overlay_start_1:
0x0: {  	(tag) =	ssettag $0x1  }
0x1: {  	s0 =	rddreg [dreg:$0x0]  }
0x2: {  	s1 =	rddreg [dreg:$0x2];
	s2 =	srdreg.scid  }
0x3: {  	s3 =	simm.s32 $0x0;
	s10 =	simm.s32 $0x40;
	s14 =	simm.s32 $0xCA70  }
0x4: {  	s15 =	simm.s32 $0x14670;
	s16 =	simm.s32 $0x1;
	s17 =	simm.s32 $0x2  }
0x5: {  	s18 =	simm.s32 $0x3;
	s19 =	simm.s32 $0x4;
	s21 =	simm.s32 $0x4000  }
0x6: {  	s23 =	simm.s32 $0xC260;
	s24 =	simm.s32 $0x0;
	s7 =	sand.u32 $0x1, s2  }
0x7: {  	[smem:$0x7FF] =	sst s3;
	s2 =	stileid.u32;
	s4 =	sadd.s32 $0xA00, s1  }
0x8: {  	s29 =	sadd.s32 $0x7A1000, s0;
	s5 =	sshll.u32 s7, $0x4;
	_ =	strace $0x80000047  }
0x9: {  	s8 =	ssub.s32 $0x2, s7;
	s7 =	smul.u32 $0x3D0800, s7;
	[dreg:$0x7] =	wrdreg s29  }
0xa: {  	s13 =	smul.u32 $0x3D080, s2;
	s20 =	sor.u32 s2, s5;
	s5 =	sadd.s32 $0x20A00, s1  }
0xb: {  	s11 =	sshrl.u32 s8, $0x1;
	s1 =	sadd.s32 $0x7C1A00, s1;
	s9 =	smul.u32 $0x1E8400, s20  }
0xc: {  	s6 =	smul.u32 $0x7A10, s20;
	p0 =	seq.s32 s20, $0x1F;
	s11 =	ssub.s32 s8, s11  }
0xd: {  	[dreg:$0x8] =	wrdreg s1;
	s30 =	sadd.s32 s7, s5;
	s10 =	simm.s32 @!p0 $0x0  }
0xe: {  	s31 =	smax.u32 s11, $0x1;
	s12 =	sadd.s32 s13, s30;
	p0 =	sne.s32 s20, $0x1F  }
.Ltmp0:
0xf: {  	s20 =	simm.s32 $0x5;
	s9 =	sshrl.u32 s9, $0x3;
	(pc) =	sbr.rel .LBB2_1-.Ltmp0, $4  }
0x10: {  	s25 =	sadd.s32 s10, s6;
	[dreg:$0x9] =	wrdreg s31;
	s9 =	sadd.s32 $0x3C100, s9  }
0x11: {  	[dreg:$0x4] =	wrdreg s6;
	s22 =	sadd.s32 $0x7A10, s25;
	s26 =	sadd.s32 s0, s9  }
0x12: {  	v1 =	vlaneseq.u32;
	v3 =	vimm.s32 $0x0;
	s28 =	sadd.s32 s5, s9;
	s0 =	sadd.s32 s7, s0;
	[dreg:$0x5] =	wrdreg s26  }
0x13: {  	v4 =	vor.u32 $0x80000000, v1;
	v0 =	vmov s6;
	v2 =	vmov s22;
	s22 =	simm.s32 $0xBA50;
	[dreg:$0x6] =	wrdreg s28;
	s13 =	sadd.s32 s13, s0  }
.LBB2_15:
0x14: {  	s24 =	sadd.s32 $0x1, s24;
	s0 =	rddreg [dreg:$0x9]  }
0x15: {  	p1 =	sne.s32 s24, s0  }
.Ltmp1:
0x16: {  	_ = 	snop;
	(pc) =	sbr.rel @!p1 .LBB2_16-.Ltmp1, $1  }
0x17: {  	_ =	sdelay $0x3  }
.LBB2_1:
0x18: {  	s0 =	sadd.s32 $0x0, s13  }
0x19: {  	[tilespmem:s14], [sflag:$0x1] =	stream.linear.gather [hbm4b:s0+s3], $0x7C00, $0x38;
	[tilespmem:$0x1C270] =	vst v63  }
0x1a: {  	s0 =	sadd.s32 $0xF80, s0  }
0x1b: {  	[tilespmem:s15], [sflag:$0x2] =	stream.linear.gather [hbm4b:s0+s3], $0x7C00, $0x38;
	[tilespmem:$0x1C270] =	vst v63  }
0x1c: {  	_ =	swait.ge [sflag:s16], $0x7C00  }
0x1d: {  	[sflag:s16] =	ssyncset.done $0x0  }
0x1e: {  	s31 =	sadd.s32 $0x0, s12;
	[sflag:s16] =	ssyncadd.s32 $0xFFFF8400  }
0x1f: {  	[hbm4b:s31+s3] =	stream.linear.scatter [tilespmem:s14], [sflag:$0x3], $0x7C00, $0x38;
	[tilespmem:$0x1C270] =	vst v63  }
0x20: {  	_ =	swait.ge [sflag:s17], $0x7C00  }
0x21: {  	[sflag:s17] =	ssyncset.done $0x0  }
0x22: {  	s0 =	sadd.s32 $0xF80, s31;
	[sflag:s17] =	ssyncadd.s32 $0xFFFF8400  }
0x23: {  	[hbm4b:s0+s3] =	stream.linear.scatter [tilespmem:s15], [sflag:$0x4], $0x7C00, $0x38;
	[tilespmem:$0x1C270] =	vst v63  }
0x24: {  	_ =	swait.ge [sflag:s18], $0x7C00  }
0x25: {  	[sflag:s18] =	ssyncset.done $0x0  }
0x26: {  	[sflag:s18] =	ssyncadd.s32 $0xFFFF8400  }
0x27: {  	_ =	swait.ge [sflag:s19], $0x7C00  }
0x28: {  	s1 =	simm.s32 $0x3E00;
	s0 =	simm.s32 $0x1F00;
	[sflag:s19] =	ssyncset.done $0x0  }
.LBB2_2:
0x29: {  	s7 =	sadd.s32 s0, s13  }
0x2a: {  	[sflag:s19] =	ssyncadd.s32 $0xFFFF8400;
	s25 =	smov.u32 s1;
	s26 =	sadd.s32 $0x1F00, s1  }
0x2b: {  	[tilespmem:s14], [sflag:$0x1] =	stream.linear.gather [hbm4b:s7+s3], $0x7C00, $0x38;
	[tilespmem:$0x1C270] =	vst v63  }
0x2c: {  	p1 =	sne.s32 s1, $0x3A200;
	s1 =	sadd.s32 $0xF80, s7  }
0x2d: {  	[tilespmem:s15], [sflag:$0x2] =	stream.linear.gather [hbm4b:s1+s3], $0x7C00, $0x38;
	[tilespmem:$0x1C270] =	vst v63  }
0x2e: {  	_ =	swait.ge [sflag:s16], $0x7C00  }
0x2f: {  	[sflag:s16] =	ssyncset.done $0x0  }
0x30: {  	s1 =	sadd.s32 s0, s12;
	s0 =	smov.u32 s25;
	[sflag:s16] =	ssyncadd.s32 $0xFFFF8400  }
0x31: {  	[hbm4b:s1+s3] =	stream.linear.scatter [tilespmem:s14], [sflag:$0x3], $0x7C00, $0x38;
	[tilespmem:$0x1C270] =	vst v63  }
0x32: {  	_ =	swait.ge [sflag:s17], $0x7C00  }
0x33: {  	[sflag:s17] =	ssyncset.done $0x0  }
0x34: {  	s1 =	sadd.s32 $0xF80, s1;
	[sflag:s17] =	ssyncadd.s32 $0xFFFF8400  }
0x35: {  	[hbm4b:s1+s3] =	stream.linear.scatter [tilespmem:s15], [sflag:$0x4], $0x7C00, $0x38;
	[tilespmem:$0x1C270] =	vst v63  }
.Ltmp2:
0x36: {  	_ =	swait.ge [sflag:s18], $0x7C00;
	(pc) =	sbr.rel @p1 .LBB2_2-.Ltmp2, $4  }
0x37: {  	[sflag:s18] =	ssyncset.done $0x0  }
0x38: {  	[sflag:s18] =	ssyncadd.s32 $0xFFFF8400  }
0x39: {  	_ =	swait.ge [sflag:s19], $0x7C00  }
0x3a: {  	s1 =	smov.u32 s26;
	[sflag:s19] =	ssyncset.done $0x0  }
0x3b: {  	s1 =	sadd.s32 s0, s13;
	[sflag:s19] =	ssyncadd.s32 $0xFFFF8400  }
0x3c: {  	[tilespmem:s14], [sflag:$0x1] =	stream.linear.gather [hbm4b:s1+s3], $0x7C00, $0x38;
	[tilespmem:$0x1C270] =	vst v63  }
0x3d: {  	s1 =	sadd.s32 $0xF80, s1  }
0x3e: {  	[tilespmem:s15], [sflag:$0x2] =	stream.linear.gather [hbm4b:s1+s3], $0x7C00, $0x38;
	[tilespmem:$0x1C270] =	vst v63  }
0x3f: {  	_ =	swait.ge [sflag:s16], $0x7C00  }
0x40: {  	[sflag:s16] =	ssyncset.done $0x0  }
0x41: {  	s28 =	sadd.s32 s0, s12;
	[sflag:s16] =	ssyncadd.s32 $0xFFFF8400  }
0x42: {  	[hbm4b:s28+s3] =	stream.linear.scatter [tilespmem:s14], [sflag:$0x3], $0x7C00, $0x38;
	[tilespmem:$0x1C270] =	vst v63  }
0x43: {  	_ =	swait.ge [sflag:s17], $0x7C00  }
0x44: {  	[sflag:s17] =	ssyncset.done $0x0  }
0x45: {  	s0 =	sadd.s32 $0xF80, s28;
	[sflag:s17] =	ssyncadd.s32 $0xFFFF8400  }
0x46: {  	[hbm4b:s0+s3] =	stream.linear.scatter [tilespmem:s15], [sflag:$0x4], $0x7C00, $0x38;
	[tilespmem:$0x1C270] =	vst v63  }
0x47: {  	_ =	swait.ge [sflag:s18], $0x7C00  }
0x48: {  	[sflag:s18] =	ssyncset.done $0x0  }
0x49: {  	[sflag:s18] =	ssyncadd.s32 $0xFFFF8400  }
0x4a: {  	_ =	swait.ge [sflag:s19], $0x7C00  }
0x4b: {  	[sflag:s19] =	ssyncset.done $0x0  }
0x4c: {  	s29 =	rddreg [dreg:$0x5];
	[sflag:s19] =	ssyncadd.s32 $0xFFFF8400  }
0x4d: {  	[tilespmem:s14], [sflag:$0x5] =	stream.linear.gather [hbm4b:s29+s3], $0x7C00, $0x38;
	[tilespmem:$0x1C270] =	vst v63  }
0x4e: {  	_ =	swait.ge [sflag:s20], $0x7C00  }
0x4f: {  	[sflag:s20] =	ssyncset.done $0x0  }
0x50: {  	s30 =	rddreg [dreg:$0x6];
	[sflag:s20] =	ssyncadd.s32 $0xFFFF8400  }
0x51: {  	[hbm4b:s30+s3] =	stream.linear.scatter [tilespmem:s14], [sflag:$0x5], $0x7C00, $0x38;
	[tilespmem:$0x1C270] =	vst v63  }
0x52: {  	_ =	swait.ge [sflag:s20], $0x7C00  }
0x53: {  	s7 =	simm.s32 @!p0 $0x5;
	s1 =	simm.s32 @!p0 $0x14670;
	[sflag:s20] =	ssyncset.done $0x0  }
0x54: {  	s0 =	simm.s32 @!p0 $0x0;
	s6 =	rddreg [dreg:$0x7];
	[sflag:s20] =	ssyncadd.s32 $0xFFFF8400  }
0x55: {  	[tilespmem:s1], [sflag:$0x5] =	stream.linear.gather @!p0 [hbm4b:s6+s0], $0x1000, $0x38;
	[tilespmem:$0x1C270] =	vst v63  }
0x56: {  	_ =	swait.ge @!p0 [sflag:s7], $0x1000  }
0x57: {  	[sflag:s7] =	ssyncset.done @!p0 $0x0  }
0x58: {  	s6 =	rddreg [dreg:$0x8];
	[sflag:s7] =	ssyncadd.s32 @!p0 $0xFFFFF000  }
0x59: {  	[hbm4b:s6+s0] =	stream.linear.scatter @!p0 [tilespmem:s1], [sflag:$0x5], $0x1000, $0x38;
	[tilespmem:$0x1C270] =	vst v63  }
0x5a: {  	_ =	swait.ge @!p0 [sflag:s7], $0x1000  }
0x5b: {  	[sflag:s7] =	ssyncset.done @!p0 $0x0  }
0x5c: {  	[sflag:s7] =	ssyncadd.s32 @!p0 $0xFFFFF000  }
0x5d: {  	s26 =	simm.s32 $0x0;
	s31 =	rddreg [dreg:$0x1]  }
0x5e: {  	[tilespmem:s26], [sflag:$0x5] =	stream.linear.gather [hbm4b:s31+s26], $0x4000, $0x38;
	[tilespmem:$0x1C270] =	vst v63  }
0x5f: {  	_ =	swait.ge [sflag:s20], $0x4000  }
0x60: {  	[sflag:s20] =	ssyncset.done $0x0  }
0x61: {  	[sflag:s20] =	ssyncadd.s32 $0xFFFFC000  }
0x62: {  	s25 =	simm.s32 $0x0;
	s1 =	simm.s32 $0x10;
	s0 =	simm.s32 $0x0;
	v5 =	vld [tilespmem:s26+$0x0]  }
.LBB2_4:
0x63: {  	p1 =	sne.s32 s1, $0x3FF0;
	_ =	sdelay $0x3  }
0x64: {  	vm0 =	vge.s32 v5, v0;
	vm1 =	vlt.s32 v5, v2  }
0x65: {  	v5 =	vsub.s32 v5, v0;
	vm0 =	vmand vm0, vm1  }
0x66: {  	v5 =	vnsel vm0, $0x0, v5;
	_ =	sdelay $0x1  }
.Ltmp3:
0x67: {  	(pc) =	sbr.rel @p1 .LBB2_4-.Ltmp3, $4  }
0x68: {  	_ = 	snop  }
0x69: {  	v6 =	vor.u32 s0, v1;
	s0 =	smov.u32 s1  }
0x6a: {  	s25 =	sadd.s32 $0x10, s25;
	[tilespmem:v5+s21+$0x0] =	vst.idx.msk vm0, v6  }
0x6b: {  	s1 =	sadd.s32 $0x10, s1;
	v5 =	vld [tilespmem:s25+$0x0]  }
0x6c: {  	_ =	sdelay $0x3  }
0x6d: {  	vm0 =	vge.s32 v5, v0;
	vm1 =	vlt.s32 v5, v2  }
0x6e: {  	v5 =	vsub.s32 v5, v0;
	vm0 =	vmand vm0, vm1  }
0x6f: {  	v5 =	vnsel vm0, $0x0, v5;
	_ =	sdelay $0x3  }
0x70: {  	v6 =	vor.u32 s0, v1  }
0x71: {  	[tilespmem:v5+s21+$0x0] =	vst.idx.msk vm0, v6  }
0x72: {  	v7 =	vld [tilespmem:s26+$0x0];
	_ =	sdelay $0x4  }
0x73: {  	vm0 =	vge.s32 v7, v0;
	vm1 =	vlt.s32 v7, v2  }
0x74: {  	v5 =	vsub.s32 v7, v0;
	vm0 =	vmand vm0, vm1  }
0x75: {  	v5 =	vnsel vm0, $0x0, v5;
	_ =	sdelay $0x4  }
0x76: {  	v5 =	vld.idx.msk [tilespmem:v5+s21+$0x0], vm0;
	_ =	sdelay $0x3  }
0x77: {  	v6 =	vor.u32 s26, v1  }
0x78: {  	vm1 =	veq.s32 v5, v6  }
0x79: {  	vm0 =	vmand vm0, vm1  }
0x7a: {  	v5 =	vor.u32 s26, v4;
	v8 =	vsel vm0, $0x1, v3  }
0x7b: {  	v5 =	vnsel vm0, $0x7FFFFFFF, v5;
	(xrf0) =	vadd.scan.msk.s32 $0xffff, v8  }
0x7c: {  	(xrf0) =	vmax.scan.msk.u32 $0xffff, v5;
	_ =	sdelay $0x1  }
0x7d: {  	v5 =	vmov s26  }
0x7e: {  	v5 =	vadd.s32 $0xFFFFFFFF, v5  }
0x7f: {  	v5 =	vbroadcast v5, $0x0  }
0x80: {  	v8, _, _ =	vpop (xrf0)  }
0x81: {  	(v2sf) =	vpush v8, $0xF;
	v9, _, _ =	vpop (xrf0);
	v5 =	vadd.s32 v8, v5  }
0x82: {  	(v2sf) =	vpush v9, $0xF;
	v5 =	vnsel vm0, $0x0, v5;
	_ =	sdelay $0x4  }
0x83: {  	[tilespmem:v5+s22+$0x0] =	vst.idx.msk vm0, v6  }
0x84: {  	s30 =	simm.s32 $0x10;
	[tilespmem:v5+s23+$0x0] =	vst.idx.msk vm0, v7  }
0x85: {  	v5 =	vld [tilespmem:s30+$0x0];
	_ =	sdelay $0x4  }
0x86: {  	vm1 =	vge.s32 v5, v0;
	vm2 =	vlt.s32 v5, v2  }
0x87: {  	s29 =	simm.s32 $0x20;
	v9 =	vsub.s32 v5, v0;
	vm1 =	vmand vm1, vm2  }
0x88: {  	s1 =	simm.s32 $0x30;
	s31 =	simm.s32 $0x10;
	s0 =	spop (v2sf);
	v9 =	vnsel vm1, $0x0, v9  }
0x89: {  	s28 =	rddreg [dreg:$0x4];
	v7 =	vxor.u32 $0x80000000, v7;
	v8 =	vxor.u32 $0x80000000, v5;
	s25 =	sadd.s32 $0x0, s0;
	s7 =	spop (v2sf)  }
.LBB2_6:
0x8a: {  	p1 =	sne.s32 s1, $0x3FF0;
	v10 =	vmov s25;
	s7 =	sxor.u32 $0x80000000, s7;
	p2 =	sgt.s32 s0, $0x0  }
0x8b: {  	v10 =	vadd.s32 $0xFFFFFFFF, v10;
	vm2 =	veq.s32 v6, s7;
	s26 =	smov.u32 @p2 s7  }
0x8c: {  	v10 =	vbroadcast v10, $0x0;
	vm0 =	vmand vm0, vm2  }
0x8d: {  	v9 =	vld.idx.msk [tilespmem:v9+s21+$0x0], vm1;
	v6 =	vnsel vm0, $0x7FFFFFFF, v7;
	v7 =	vmov v8  }
0x8e: {  	(xrf0) =	vmax.scan.msk.u32 $0xffff, v6;
	_ =	sdelay $0x3  }
0x8f: {  	v6 =	vor.u32 s30, v1  }
0x90: {  	vm0 =	veq.s32 v9, v6  }
0x91: {  	v8 =	vor.u32 s30, v4;
	s30 =	smov.u32 s29;
	s29 =	smov.u32 s1;
	vm0 =	vmand vm1, vm0;
	v9, _, _ =	vpop (xrf0)  }
0x92: {  	v11 =	vsel vm0, $0x1, v3;
	v8 =	vnsel vm0, $0x7FFFFFFF, v8;
	(v2sf) =	vpush v9, $0xF  }
0x93: {  	(xrf0) =	vadd.scan.msk.s32 $0xffff, v11  }
0x94: {  	(xrf0) =	vmax.scan.msk.u32 $0xffff, v8;
	_ =	sdelay $0x4  }
0x95: {  	v8, _, _ =	vpop (xrf0)  }
0x96: {  	v9 =	vadd.s32 v8, v10;
	(v2sf) =	vpush v8, $0xF;
	v8, _, _ =	vpop (xrf0)  }
0x97: {  	v9 =	vnsel vm0, $0x0, v9;
	(v2sf) =	vpush v8, $0xF;
	_ =	sdelay $0x4  }
0x98: {  	[tilespmem:v9+s22+$0x0] =	vst.idx.msk vm0, v6  }
0x99: {  	s31 =	sadd.s32 $0x10, s31;
	[tilespmem:v9+s23+$0x0] =	vst.idx.msk vm0, v5;
	s0 =	spop (v2sf)  }
0x9a: {  	v5 =	vld [tilespmem:s31+$0x0];
	s0 =	sxor.u32 $0x80000000, s0  }
0x9b: {  	s28 =	smov.u32 @p2 s0;
	_ =	sdelay $0x2  }
.Ltmp4:
0x9c: {  	(pc) =	sbr.rel @p1 .LBB2_6-.Ltmp4, $4  }
0x9d: {  	vm1 =	vge.s32 v5, v0;
	vm2 =	vlt.s32 v5, v2;
	v8 =	vxor.u32 $0x80000000, v5  }
0x9e: {  	v9 =	vsub.s32 v5, v0;
	vm1 =	vmand vm1, vm2  }
0x9f: {  	v9 =	vnsel vm1, $0x0, v9;
	s0 =	spop (v2sf)  }
0xa0: {  	s1 =	sadd.s32 $0x10, s1;
	s25 =	sadd.s32 s25, s0;
	s7 =	spop (v2sf)  }
0xa1: {  	_ =	sdelay $0x4  }
0xa2: {  	v9 =	vld.idx.msk [tilespmem:v9+s21+$0x0], vm1;
	_ =	sdelay $0x2  }
0xa3: {  	s1 =	sxor.u32 $0x80000000, s7  }
0xa4: {  	vm2 =	veq.s32 v6, s1;
	v6 =	vor.u32 s30, v1  }
0xa5: {  	vm0 =	vmand vm0, vm2;
	vm8 =	veq.s32 v9, v6  }
0xa6: {  	v7 =	vnsel vm0, $0x7FFFFFFF, v7;
	vm9 =	vmand vm1, vm8  }
0xa7: {  	(xrf0) =	vmax.scan.msk.u32 $0xffff, v7;
	v7 =	vsel vm9, $0x1, v3  }
0xa8: {  	(xrf0) =	vadd.scan.msk.s32 $0xffff, v7;
	_ =	sdelay $0x2  }
0xa9: {  	v7 =	vmov s25  }
0xaa: {  	v7 =	vadd.s32 $0xFFFFFFFF, v7  }
0xab: {  	v59 =	vor.u32 s30, v4;
	v7 =	vbroadcast v7, $0x0;
	v10, _, _ =	vpop (xrf0)  }
0xac: {  	v9 =	vnsel vm9, $0x7FFFFFFF, v59;
	v11, _, _ =	vpop (xrf0)  }
0xad: {  	(xrf0) =	vmax.scan.msk.u32 $0xffff, v9;
	v7 =	vadd.s32 v11, v7  }
0xae: {  	v7 =	vnsel vm9, $0x0, v7;
	_ =	sdelay $0x3  }
0xaf: {  	(v2sf) =	vpush v10, $0xF  }
0xb0: {  	(v2sf) =	vpush v11, $0xF;
	v9, _, _ =	vpop (xrf0);
	[tilespmem:v7+s22+$0x0] =	vst.idx.msk vm9, v6  }
0xb1: {  	s11 =	sadd.s32 $0x10, s31;
	(v2sf) =	vpush v9, $0xF;
	[tilespmem:v7+s23+$0x0] =	vst.idx.msk vm9, v5  }
0xb2: {  	v5 =	vld [tilespmem:s11+$0x0];
	_ =	sdelay $0x4  }
0xb3: {  	vm10 =	vge.s32 v5, v0;
	vm11 =	vlt.s32 v5, v2  }
0xb4: {  	v7 =	vsub.s32 v5, v0;
	vm1 =	vmand vm10, vm11  }
0xb5: {  	v7 =	vnsel vm1, $0x0, v7;
	_ =	sdelay $0x4  }
0xb6: {  	s7 =	spop (v2sf);
	v7 =	vld.idx.msk [tilespmem:v7+s21+$0x0], vm1  }
0xb7: {  	s8 =	spop (v2sf)  }
0xb8: {  	s30 =	spop (v2sf)  }
0xb9: {  	s9 =	sxor.u32 $0x80000000, s30  }
0xba: {  	vm12 =	veq.s32 v6, s9;
	v6 =	vor.u32 s29, v1  }
0xbb: {  	vm0 =	vmand vm9, vm12;
	vm13 =	veq.s32 v7, v6  }
0xbc: {  	v7 =	vnsel vm0, $0x7FFFFFFF, v8;
	vm14 =	vmand vm1, vm13  }
0xbd: {  	(xrf0) =	vmax.scan.msk.u32 $0xffff, v7;
	v7 =	vor.u32 s29, v4;
	v60 =	vsel vm14, $0x1, v3  }
0xbe: {  	v7 =	vnsel vm14, $0x7FFFFFFF, v7;
	(xrf0) =	vadd.scan.msk.s32 $0xffff, v60  }
0xbf: {  	(xrf0) =	vmax.scan.msk.u32 $0xffff, v7;
	_ =	sdelay $0x3  }
0xc0: {  	v7, _, _ =	vpop (xrf0)  }
0xc1: {  	(v2sf) =	vpush v7, $0xF;
	v7, _, _ =	vpop (xrf0)  }
0xc2: {  	(v2sf) =	vpush v7, $0xF;
	v61, _, _ =	vpop (xrf0)  }
0xc3: {  	(v2sf) =	vpush v61, $0xF;
	_ =	sdelay $0xc  }
0xc4: {  	s10 =	spop (v2sf)  }
0xc5: {  	s29 =	spop (v2sf)  }
0xc6: {  	s30 =	spop (v2sf)  }
0xc7: {  	s11 =	sxor.u32 $0x80000000, s30  }
0xc8: {  	vm15 =	veq.s32 v6, s11  }
0xc9: {  	v62 =	vxor.u32 $0x80000000, v5;
	vm1 =	vmand vm14, vm15  }
0xca: {  	v8 =	vnsel vm1, $0x7FFFFFFF, v62  }
0xcb: {  	(xrf0) =	vmax.scan.msk.u32 $0xffff, v8  }
0xcc: {  	s25 =	sadd.s32 s25, s8  }
0xcd: {  	s30 =	sadd.s32 s25, s29  }
0xce: {  	s31 =	sadd.s32 $0x3F, s30  }
0xcf: {  	s6 =	sand.u32 $0x3F, s31  }
0xd0: {  	p2 =	slt.s32 s31, $0x1;
	p1 =	sne.s32 s6, $0x0;
	s6 =	sshra.s32 s31, $0x1F  }
0xd1: {  	s6 =	sshrl.u32 s6, $0x1A;
	p1 =	por !p2, !p1;
	v8, _, _ =	vpop (xrf0)  }
0xd2: {  	s6 =	sadd.s32 s6, s31;
	p1 =	por !p1, !p1;
	s31 =	simm.s32 $0x1;
	(v2sf) =	vpush v8, $0xF  }
0xd3: {  	s6 =	sshra.s32 s6, $0x6;
	s31 =	simm.s32 @!p1 $0x0  }
0xd4: {  	v63 =	vmov s25;
	s25 =	ssub.s32 s6, s31  }
0xd5: {  	s31 =	sshll.u32 s25, $0x6  }
0xd6: {  	p1 =	sgt.s32 s0, $0x0;
	s6 =	ssub.s32 s31, s30  }
0xd7: {  	s26 =	smov.u32 @p1 s1;
	s1 =	sxor.u32 $0x80000000, s7;
	s0 =	sadd.s32 $0xF, s6  }
0xd8: {  	s28 =	smov.u32 @p1 s1;
	p1 =	sgt.s32 s8, $0x0;
	s7 =	sand.u32 $0xF, s0  }
0xd9: {  	v8 =	vadd.s32 $0xFFFFFFFF, v63;
	s8 =	sshra.s32 s0, $0x1F;
	p3 =	slt.s32 s0, $0x1;
	p6 =	sne.s32 s7, $0x0  }
0xda: {  	v8 =	vbroadcast v8, $0x0;
	s1 =	sshrl.u32 s8, $0x1C;
	p2 =	por !p3, !p6  }
0xdb: {  	s0 =	sadd.s32 s1, s0;
	s1 =	simm.s32 $0x1;
	p2 =	por !p2, !p2  }
0xdc: {  	v7 =	vadd.s32 v7, v8;
	s0 =	sshra.s32 s0, $0x4;
	s1 =	simm.s32 @!p2 $0x0  }
0xdd: {  	v7 =	vnsel vm14, $0x0, v7;
	s0 =	ssub.s32 s0, s1  }
0xde: {  	p2 =	slt.s32 s0, $0x1  }
.Ltmp5:
0xdf: {  	_ = 	snop;
	(pc) =	sbr.rel @p2 .LBB2_11-.Ltmp5, $4  }
0xe0: {  	_ = 	snop  }
0xe1: {  	s26 =	smov.u32 @p1 s9;
	s6 =	sxor.u32 $0x80000000, s10;
	s10 =	spop (v2sf)  }
0xe2: {  	s28 =	smov.u32 @p1 s6;
	p1 =	sgt.s32 s29, $0x0;
	[tilespmem:v7+s22+$0x0] =	vst.idx.msk vm14, v6;
	s1 =	sxor.u32 $0x80000000, s10  }
0xe3: {  	s26 =	smov.u32 @p1 s11;
	[tilespmem:v7+s23+$0x0] =	vst.idx.msk vm14, v5;
	s28 =	smov.u32 @p1 s1  }
0xe4: {  	s1 =	sadd.s32 s30, s29  }
0xe5: {  	v5 =	vmov s31;
	p1 =	sne.s32 s0, $0x1;
	v8 =	vadd.s32 s1, v1  }
.Ltmp6:
0xe6: {  	vm0 =	vlt.s32 v8, v5;
	(pc) =	sbr.rel @!p1 .LBB2_10-.Ltmp6, $2  }
0xe7: {  	v8 =	vnsel vm0, $0x0, v8;
	vm1 =	vmmov vm0;
	_ =	sdelay $0x2  }
0xe8: {  	v6 =	vmov s26;
	v7 =	vmov s28;
	s0 =	sadd.s32 $0xFFFFFFFF, s0;
	s1 =	sadd.s32 $0x10, s1  }
.LBB2_9:
0xe9: {  	v9 =	vadd.s32 s1, v1;
	p1 =	sne.s32 s0, $0x1  }
.Ltmp7:
0xea: {  	s0 =	sadd.s32 $0xFFFFFFFF, s0;
	[tilespmem:v8+s22+$0x0] =	vst.idx.msk vm0, v6;
	vm0 =	vlt.s32 v9, v5;
	(pc) =	sbr.rel @p1 .LBB2_9-.Ltmp7, $2  }
0xeb: {  	[tilespmem:v8+s23+$0x0] =	vst.idx.msk vm1, v7;
	v8 =	vnsel vm0, $0x0, v9;
	vm1 =	vmmov vm0;
	_ =	sdelay $0x2  }
0xec: {  	s1 =	sadd.s32 $0x10, s1  }
.LBB2_10:
0xed: {  	_ =	sdelay $0x4  }
0xee: {  	[tilespmem:v8+s22+$0x0] =	vst.idx.msk vm0, v6  }
0xef: {  	[tilespmem:v8+s23+$0x0] =	vst.idx.msk vm1, v7  }
.LBB2_11:
.Ltmp8:
0xf0: {  	(pc) =	sbr.rel .LBB2_12-.Ltmp8, $2  }
0xf1: {  	_ =	sdelay $0x2  }
0xf2: {  	s26 =	simm.s32 $0x0;
	s28 =	simm.s32 $0xBA70;
	s29 =	simm.s32 $0xC280  }
.LBB2_14:
0xf3: {  	s26 =	sadd.s32 $0x1, s26  }
0xf4: {  	p1 =	sne.s32 s26, $0x20  }
.Ltmp9:
0xf5: {  	_ = 	snop;
	(pc) =	sbr.rel @!p1 .LBB2_15-.Ltmp9, $2  }
0xf6: {  	_ =	sdelay $0x2  }
0xf7: {  	s28 =	sadd.s32 $0x40, s28;
	s29 =	sadd.s32 $0x40, s29  }
.LBB2_12:
0xf8: {  	p1 =	sge.s32 s26, s25  }
.Ltmp10:
0xf9: {  	_ = 	snop;
	(pc) =	sbr.rel @p1 .LBB2_14-.Ltmp10, $1  }
0xfa: {  	_ =	sdelay $0x3  }
0xfb: {  	v5 =	vld [tilespmem:s29+$0xFFFFFFE0]  }
0xfc: {  	v6 =	vld [tilespmem:s28+$0xFFFFFFE0];
	_ =	sdelay $0x3  }
0xfd: {  	v5 =	vshll.u32 v5, $0x3  }
0xfe: {  	v6 =	vshll.u32 v6, $0x3;
	(v2sf) =	vpush v5, $0x0  }
0xff: {  	(v2sf) =	vpush v6, $0x0;
	_ =	sdelay $0xd  }
0x100: {  	s0 =	spop (v2sf)  }
0x101: {  	s1 =	spop (v2sf)  }
0x102: {  	s6 =	sshll.u32 s2, $0x6;
	s0 =	sand.u32 $0x1FFFFFF8, s0;
	s1 =	sand.u32 $0x1FFFFFF8, s1  }
0x103: {  	s30 =	sor.u32 $0x1C01, s6;
	s0 =	sadd.s32 s5, s0;
	s1 =	sadd.s32 s4, s1  }
0x104: {  	[hbm:s0], [sflag:s30] =	dma.local [hbm:s1], $0x8  }
0x105: {  	(v2sf) =	vpush v5, $0x1  }
0x106: {  	(v2sf) =	vpush v6, $0x1;
	_ =	sdelay $0xd  }
0x107: {  	s0 =	spop (v2sf)  }
0x108: {  	s1 =	spop (v2sf)  }
0x109: {  	s0 =	sand.u32 $0x1FFFFFF8, s0;
	s1 =	sand.u32 $0x1FFFFFF8, s1  }
0x10a: {  	s0 =	sadd.s32 s5, s0;
	s1 =	sadd.s32 s4, s1  }
0x10b: {  	[hbm:s0], [sflag:s30] =	dma.local [hbm:s1], $0x8  }
0x10c: {  	(v2sf) =	vpush v5, $0x2  }
0x10d: {  	(v2sf) =	vpush v6, $0x2;
	_ =	sdelay $0xd  }
0x10e: {  	s0 =	spop (v2sf)  }
0x10f: {  	s1 =	spop (v2sf)  }
0x110: {  	s0 =	sand.u32 $0x1FFFFFF8, s0;
	s1 =	sand.u32 $0x1FFFFFF8, s1  }
0x111: {  	s0 =	sadd.s32 s5, s0;
	s1 =	sadd.s32 s4, s1  }
0x112: {  	[hbm:s0], [sflag:s30] =	dma.local [hbm:s1], $0x8  }
0x113: {  	(v2sf) =	vpush v5, $0x3  }
0x114: {  	(v2sf) =	vpush v6, $0x3;
	_ =	sdelay $0xd  }
0x115: {  	s0 =	spop (v2sf)  }
0x116: {  	s1 =	spop (v2sf)  }
0x117: {  	s0 =	sand.u32 $0x1FFFFFF8, s0;
	s1 =	sand.u32 $0x1FFFFFF8, s1  }
0x118: {  	s0 =	sadd.s32 s5, s0;
	s1 =	sadd.s32 s4, s1  }
0x119: {  	[hbm:s0], [sflag:s30] =	dma.local [hbm:s1], $0x8  }
0x11a: {  	(v2sf) =	vpush v5, $0x4  }
0x11b: {  	(v2sf) =	vpush v6, $0x4;
	_ =	sdelay $0xd  }
0x11c: {  	s0 =	spop (v2sf)  }
0x11d: {  	s1 =	spop (v2sf)  }
0x11e: {  	s0 =	sand.u32 $0x1FFFFFF8, s0;
	s1 =	sand.u32 $0x1FFFFFF8, s1  }
0x11f: {  	s0 =	sadd.s32 s5, s0;
	s1 =	sadd.s32 s4, s1  }
0x120: {  	[hbm:s0], [sflag:s30] =	dma.local [hbm:s1], $0x8  }
0x121: {  	(v2sf) =	vpush v5, $0x5  }
0x122: {  	(v2sf) =	vpush v6, $0x5;
	_ =	sdelay $0xd  }
0x123: {  	s0 =	spop (v2sf)  }
0x124: {  	s1 =	spop (v2sf)  }
0x125: {  	s0 =	sand.u32 $0x1FFFFFF8, s0;
	s1 =	sand.u32 $0x1FFFFFF8, s1  }
0x126: {  	s0 =	sadd.s32 s5, s0;
	s1 =	sadd.s32 s4, s1  }
0x127: {  	[hbm:s0], [sflag:s30] =	dma.local [hbm:s1], $0x8  }
0x128: {  	(v2sf) =	vpush v5, $0x6  }
0x129: {  	(v2sf) =	vpush v6, $0x6;
	_ =	sdelay $0xd  }
0x12a: {  	s0 =	spop (v2sf)  }
0x12b: {  	s1 =	spop (v2sf)  }
0x12c: {  	s0 =	sand.u32 $0x1FFFFFF8, s0;
	s1 =	sand.u32 $0x1FFFFFF8, s1  }
0x12d: {  	s0 =	sadd.s32 s5, s0;
	s1 =	sadd.s32 s4, s1  }
0x12e: {  	[hbm:s0], [sflag:s30] =	dma.local [hbm:s1], $0x8  }
0x12f: {  	(v2sf) =	vpush v5, $0x7  }
0x130: {  	(v2sf) =	vpush v6, $0x7;
	_ =	sdelay $0xd  }
0x131: {  	s0 =	spop (v2sf)  }
0x132: {  	s1 =	spop (v2sf)  }
0x133: {  	s0 =	sand.u32 $0x1FFFFFF8, s0;
	s1 =	sand.u32 $0x1FFFFFF8, s1  }
0x134: {  	s0 =	sadd.s32 s5, s0;
	s1 =	sadd.s32 s4, s1  }
0x135: {  	[hbm:s0], [sflag:s30] =	dma.local [hbm:s1], $0x8  }
0x136: {  	(v2sf) =	vpush v5, $0x8  }
0x137: {  	(v2sf) =	vpush v6, $0x8;
	_ =	sdelay $0xd  }
0x138: {  	s0 =	spop (v2sf)  }
0x139: {  	s1 =	spop (v2sf)  }
0x13a: {  	s0 =	sand.u32 $0x1FFFFFF8, s0;
	s1 =	sand.u32 $0x1FFFFFF8, s1  }
0x13b: {  	s0 =	sadd.s32 s5, s0;
	s1 =	sadd.s32 s4, s1  }
0x13c: {  	[hbm:s0], [sflag:s30] =	dma.local [hbm:s1], $0x8  }
0x13d: {  	(v2sf) =	vpush v5, $0x9  }
0x13e: {  	(v2sf) =	vpush v6, $0x9;
	_ =	sdelay $0xd  }
0x13f: {  	s0 =	spop (v2sf)  }
0x140: {  	s1 =	spop (v2sf)  }
0x141: {  	s0 =	sand.u32 $0x1FFFFFF8, s0;
	s1 =	sand.u32 $0x1FFFFFF8, s1  }
0x142: {  	s0 =	sadd.s32 s5, s0;
	s1 =	sadd.s32 s4, s1  }
0x143: {  	[hbm:s0], [sflag:s30] =	dma.local [hbm:s1], $0x8  }
0x144: {  	(v2sf) =	vpush v5, $0xA  }
0x145: {  	(v2sf) =	vpush v6, $0xA;
	_ =	sdelay $0xd  }
0x146: {  	s0 =	spop (v2sf)  }
0x147: {  	s1 =	spop (v2sf)  }
0x148: {  	s0 =	sand.u32 $0x1FFFFFF8, s0;
	s1 =	sand.u32 $0x1FFFFFF8, s1  }
0x149: {  	s0 =	sadd.s32 s5, s0;
	s1 =	sadd.s32 s4, s1  }
0x14a: {  	[hbm:s0], [sflag:s30] =	dma.local [hbm:s1], $0x8  }
0x14b: {  	(v2sf) =	vpush v5, $0xB  }
0x14c: {  	(v2sf) =	vpush v6, $0xB;
	_ =	sdelay $0xd  }
0x14d: {  	s0 =	spop (v2sf)  }
0x14e: {  	s1 =	spop (v2sf)  }
0x14f: {  	s0 =	sand.u32 $0x1FFFFFF8, s0;
	s1 =	sand.u32 $0x1FFFFFF8, s1  }
0x150: {  	s0 =	sadd.s32 s5, s0;
	s1 =	sadd.s32 s4, s1  }
0x151: {  	[hbm:s0], [sflag:s30] =	dma.local [hbm:s1], $0x8  }
0x152: {  	(v2sf) =	vpush v5, $0xC  }
0x153: {  	(v2sf) =	vpush v6, $0xC;
	_ =	sdelay $0xd  }
0x154: {  	s0 =	spop (v2sf)  }
0x155: {  	s1 =	spop (v2sf)  }
0x156: {  	s0 =	sand.u32 $0x1FFFFFF8, s0;
	s1 =	sand.u32 $0x1FFFFFF8, s1  }
0x157: {  	s0 =	sadd.s32 s5, s0;
	s1 =	sadd.s32 s4, s1  }
0x158: {  	[hbm:s0], [sflag:s30] =	dma.local [hbm:s1], $0x8  }
0x159: {  	(v2sf) =	vpush v5, $0xD  }
0x15a: {  	(v2sf) =	vpush v6, $0xD;
	_ =	sdelay $0xd  }
0x15b: {  	s0 =	spop (v2sf)  }
0x15c: {  	s1 =	spop (v2sf)  }
0x15d: {  	s0 =	sand.u32 $0x1FFFFFF8, s0;
	s1 =	sand.u32 $0x1FFFFFF8, s1  }
0x15e: {  	s0 =	sadd.s32 s5, s0;
	s1 =	sadd.s32 s4, s1  }
0x15f: {  	[hbm:s0], [sflag:s30] =	dma.local [hbm:s1], $0x8  }
0x160: {  	(v2sf) =	vpush v5, $0xE  }
0x161: {  	(v2sf) =	vpush v6, $0xE;
	_ =	sdelay $0xd  }
0x162: {  	s0 =	spop (v2sf)  }
0x163: {  	s1 =	spop (v2sf)  }
0x164: {  	s0 =	sand.u32 $0x1FFFFFF8, s0;
	s1 =	sand.u32 $0x1FFFFFF8, s1  }
0x165: {  	s0 =	sadd.s32 s5, s0;
	s1 =	sadd.s32 s4, s1  }
0x166: {  	[hbm:s0], [sflag:s30] =	dma.local [hbm:s1], $0x8  }
0x167: {  	(v2sf) =	vpush v5, $0xF  }
0x168: {  	(v2sf) =	vpush v6, $0xF;
	_ =	sdelay $0xd  }
0x169: {  	s0 =	spop (v2sf)  }
0x16a: {  	s1 =	spop (v2sf)  }
0x16b: {  	s0 =	sand.u32 $0x1FFFFFF8, s0;
	s1 =	sand.u32 $0x1FFFFFF8, s1  }
0x16c: {  	s0 =	sadd.s32 s5, s0;
	s1 =	sadd.s32 s4, s1  }
0x16d: {  	[hbm:s0], [sflag:s30] =	dma.local [hbm:s1], $0x8  }
0x16e: {  	v5 =	vld [tilespmem:s29+$0xFFFFFFF0]  }
0x16f: {  	v6 =	vld [tilespmem:s28+$0xFFFFFFF0];
	_ =	sdelay $0x3  }
0x170: {  	v5 =	vshll.u32 v5, $0x3  }
0x171: {  	v6 =	vshll.u32 v6, $0x3;
	(v2sf) =	vpush v5, $0x0  }
0x172: {  	(v2sf) =	vpush v6, $0x0;
	_ =	sdelay $0xd  }
0x173: {  	s0 =	spop (v2sf)  }
0x174: {  	s1 =	spop (v2sf)  }
0x175: {  	s0 =	sand.u32 $0x1FFFFFF8, s0;
	s1 =	sand.u32 $0x1FFFFFF8, s1  }
0x176: {  	s0 =	sadd.s32 s5, s0;
	s1 =	sadd.s32 s4, s1  }
0x177: {  	[hbm:s0], [sflag:s30] =	dma.local [hbm:s1], $0x8  }
0x178: {  	(v2sf) =	vpush v5, $0x1  }
0x179: {  	(v2sf) =	vpush v6, $0x1;
	_ =	sdelay $0xd  }
0x17a: {  	s0 =	spop (v2sf)  }
0x17b: {  	s1 =	spop (v2sf)  }
0x17c: {  	s0 =	sand.u32 $0x1FFFFFF8, s0;
	s1 =	sand.u32 $0x1FFFFFF8, s1  }
0x17d: {  	s0 =	sadd.s32 s5, s0;
	s1 =	sadd.s32 s4, s1  }
0x17e: {  	[hbm:s0], [sflag:s30] =	dma.local [hbm:s1], $0x8  }
0x17f: {  	(v2sf) =	vpush v5, $0x2  }
0x180: {  	(v2sf) =	vpush v6, $0x2;
	_ =	sdelay $0xd  }
0x181: {  	s0 =	spop (v2sf)  }
0x182: {  	s1 =	spop (v2sf)  }
0x183: {  	s0 =	sand.u32 $0x1FFFFFF8, s0;
	s1 =	sand.u32 $0x1FFFFFF8, s1  }
0x184: {  	s0 =	sadd.s32 s5, s0;
	s1 =	sadd.s32 s4, s1  }
0x185: {  	[hbm:s0], [sflag:s30] =	dma.local [hbm:s1], $0x8  }
0x186: {  	(v2sf) =	vpush v5, $0x3  }
0x187: {  	(v2sf) =	vpush v6, $0x3;
	_ =	sdelay $0xd  }
0x188: {  	s0 =	spop (v2sf)  }
0x189: {  	s1 =	spop (v2sf)  }
0x18a: {  	s0 =	sand.u32 $0x1FFFFFF8, s0;
	s1 =	sand.u32 $0x1FFFFFF8, s1  }
0x18b: {  	s0 =	sadd.s32 s5, s0;
	s1 =	sadd.s32 s4, s1  }
0x18c: {  	[hbm:s0], [sflag:s30] =	dma.local [hbm:s1], $0x8  }
0x18d: {  	(v2sf) =	vpush v5, $0x4  }
0x18e: {  	(v2sf) =	vpush v6, $0x4;
	_ =	sdelay $0xd  }
0x18f: {  	s0 =	spop (v2sf)  }
0x190: {  	s1 =	spop (v2sf)  }
0x191: {  	s0 =	sand.u32 $0x1FFFFFF8, s0;
	s1 =	sand.u32 $0x1FFFFFF8, s1  }
0x192: {  	s0 =	sadd.s32 s5, s0;
	s1 =	sadd.s32 s4, s1  }
0x193: {  	[hbm:s0], [sflag:s30] =	dma.local [hbm:s1], $0x8  }
0x194: {  	(v2sf) =	vpush v5, $0x5  }
0x195: {  	(v2sf) =	vpush v6, $0x5;
	_ =	sdelay $0xd  }
0x196: {  	s0 =	spop (v2sf)  }
0x197: {  	s1 =	spop (v2sf)  }
0x198: {  	s0 =	sand.u32 $0x1FFFFFF8, s0;
	s1 =	sand.u32 $0x1FFFFFF8, s1  }
0x199: {  	s0 =	sadd.s32 s5, s0;
	s1 =	sadd.s32 s4, s1  }
0x19a: {  	[hbm:s0], [sflag:s30] =	dma.local [hbm:s1], $0x8  }
0x19b: {  	(v2sf) =	vpush v5, $0x6  }
0x19c: {  	(v2sf) =	vpush v6, $0x6;
	_ =	sdelay $0xd  }
0x19d: {  	s0 =	spop (v2sf)  }
0x19e: {  	s1 =	spop (v2sf)  }
0x19f: {  	s0 =	sand.u32 $0x1FFFFFF8, s0;
	s1 =	sand.u32 $0x1FFFFFF8, s1  }
0x1a0: {  	s0 =	sadd.s32 s5, s0;
	s1 =	sadd.s32 s4, s1  }
0x1a1: {  	[hbm:s0], [sflag:s30] =	dma.local [hbm:s1], $0x8  }
0x1a2: {  	(v2sf) =	vpush v5, $0x7  }
0x1a3: {  	(v2sf) =	vpush v6, $0x7;
	_ =	sdelay $0xd  }
0x1a4: {  	s0 =	spop (v2sf)  }
0x1a5: {  	s1 =	spop (v2sf)  }
0x1a6: {  	s0 =	sand.u32 $0x1FFFFFF8, s0;
	s1 =	sand.u32 $0x1FFFFFF8, s1  }
0x1a7: {  	s0 =	sadd.s32 s5, s0;
	s1 =	sadd.s32 s4, s1  }
0x1a8: {  	[hbm:s0], [sflag:s30] =	dma.local [hbm:s1], $0x8  }
0x1a9: {  	(v2sf) =	vpush v5, $0x8  }
0x1aa: {  	(v2sf) =	vpush v6, $0x8;
	_ =	sdelay $0xd  }
0x1ab: {  	s0 =	spop (v2sf)  }
0x1ac: {  	s1 =	spop (v2sf)  }
0x1ad: {  	s0 =	sand.u32 $0x1FFFFFF8, s0;
	s1 =	sand.u32 $0x1FFFFFF8, s1  }
0x1ae: {  	s0 =	sadd.s32 s5, s0;
	s1 =	sadd.s32 s4, s1  }
0x1af: {  	[hbm:s0], [sflag:s30] =	dma.local [hbm:s1], $0x8  }
0x1b0: {  	(v2sf) =	vpush v5, $0x9  }
0x1b1: {  	(v2sf) =	vpush v6, $0x9;
	_ =	sdelay $0xd  }
0x1b2: {  	s0 =	spop (v2sf)  }
0x1b3: {  	s1 =	spop (v2sf)  }
0x1b4: {  	s0 =	sand.u32 $0x1FFFFFF8, s0;
	s1 =	sand.u32 $0x1FFFFFF8, s1  }
0x1b5: {  	s0 =	sadd.s32 s5, s0;
	s1 =	sadd.s32 s4, s1  }
0x1b6: {  	[hbm:s0], [sflag:s30] =	dma.local [hbm:s1], $0x8  }
0x1b7: {  	(v2sf) =	vpush v5, $0xA  }
0x1b8: {  	(v2sf) =	vpush v6, $0xA;
	_ =	sdelay $0xd  }
0x1b9: {  	s0 =	spop (v2sf)  }
0x1ba: {  	s1 =	spop (v2sf)  }
0x1bb: {  	s0 =	sand.u32 $0x1FFFFFF8, s0;
	s1 =	sand.u32 $0x1FFFFFF8, s1  }
0x1bc: {  	s0 =	sadd.s32 s5, s0;
	s1 =	sadd.s32 s4, s1  }
0x1bd: {  	[hbm:s0], [sflag:s30] =	dma.local [hbm:s1], $0x8  }
0x1be: {  	(v2sf) =	vpush v5, $0xB  }
0x1bf: {  	(v2sf) =	vpush v6, $0xB;
	_ =	sdelay $0xd  }
0x1c0: {  	s0 =	spop (v2sf)  }
0x1c1: {  	s1 =	spop (v2sf)  }
0x1c2: {  	s0 =	sand.u32 $0x1FFFFFF8, s0;
	s1 =	sand.u32 $0x1FFFFFF8, s1  }
0x1c3: {  	s0 =	sadd.s32 s5, s0;
	s1 =	sadd.s32 s4, s1  }
0x1c4: {  	[hbm:s0], [sflag:s30] =	dma.local [hbm:s1], $0x8  }
0x1c5: {  	(v2sf) =	vpush v5, $0xC  }
0x1c6: {  	(v2sf) =	vpush v6, $0xC;
	_ =	sdelay $0xd  }
0x1c7: {  	s0 =	spop (v2sf)  }
0x1c8: {  	s1 =	spop (v2sf)  }
0x1c9: {  	s0 =	sand.u32 $0x1FFFFFF8, s0;
	s1 =	sand.u32 $0x1FFFFFF8, s1  }
0x1ca: {  	s0 =	sadd.s32 s5, s0;
	s1 =	sadd.s32 s4, s1  }
0x1cb: {  	[hbm:s0], [sflag:s30] =	dma.local [hbm:s1], $0x8  }
0x1cc: {  	(v2sf) =	vpush v5, $0xD  }
0x1cd: {  	(v2sf) =	vpush v6, $0xD;
	_ =	sdelay $0xd  }
0x1ce: {  	s0 =	spop (v2sf)  }
0x1cf: {  	s1 =	spop (v2sf)  }
0x1d0: {  	s0 =	sand.u32 $0x1FFFFFF8, s0;
	s1 =	sand.u32 $0x1FFFFFF8, s1  }
0x1d1: {  	s0 =	sadd.s32 s5, s0;
	s1 =	sadd.s32 s4, s1  }
0x1d2: {  	[hbm:s0], [sflag:s30] =	dma.local [hbm:s1], $0x8  }
0x1d3: {  	(v2sf) =	vpush v5, $0xE  }
0x1d4: {  	(v2sf) =	vpush v6, $0xE;
	_ =	sdelay $0xd  }
0x1d5: {  	s0 =	spop (v2sf)  }
0x1d6: {  	s1 =	spop (v2sf)  }
0x1d7: {  	s0 =	sand.u32 $0x1FFFFFF8, s0;
	s1 =	sand.u32 $0x1FFFFFF8, s1  }
0x1d8: {  	s0 =	sadd.s32 s5, s0;
	s1 =	sadd.s32 s4, s1  }
0x1d9: {  	[hbm:s0], [sflag:s30] =	dma.local [hbm:s1], $0x8  }
0x1da: {  	(v2sf) =	vpush v5, $0xF  }
0x1db: {  	(v2sf) =	vpush v6, $0xF;
	_ =	sdelay $0xd  }
0x1dc: {  	s0 =	spop (v2sf)  }
0x1dd: {  	s1 =	spop (v2sf)  }
0x1de: {  	s0 =	sand.u32 $0x1FFFFFF8, s0;
	s1 =	sand.u32 $0x1FFFFFF8, s1  }
0x1df: {  	s0 =	sadd.s32 s5, s0;
	s1 =	sadd.s32 s4, s1  }
0x1e0: {  	[hbm:s0], [sflag:s30] =	dma.local [hbm:s1], $0x8  }
0x1e1: {  	v5 =	vld [tilespmem:s29+$0x0]  }
0x1e2: {  	v6 =	vld [tilespmem:s28+$0x0];
	_ =	sdelay $0x3  }
0x1e3: {  	v5 =	vshll.u32 v5, $0x3  }
0x1e4: {  	v6 =	vshll.u32 v6, $0x3;
	(v2sf) =	vpush v5, $0x0  }
0x1e5: {  	(v2sf) =	vpush v6, $0x0;
	_ =	sdelay $0xd  }
0x1e6: {  	s0 =	spop (v2sf)  }
0x1e7: {  	s1 =	spop (v2sf)  }
0x1e8: {  	s0 =	sand.u32 $0x1FFFFFF8, s0;
	s1 =	sand.u32 $0x1FFFFFF8, s1  }
0x1e9: {  	s0 =	sadd.s32 s5, s0;
	s1 =	sadd.s32 s4, s1  }
0x1ea: {  	[hbm:s0], [sflag:s30] =	dma.local [hbm:s1], $0x8  }
0x1eb: {  	(v2sf) =	vpush v5, $0x1  }
0x1ec: {  	(v2sf) =	vpush v6, $0x1;
	_ =	sdelay $0xd  }
0x1ed: {  	s0 =	spop (v2sf)  }
0x1ee: {  	s1 =	spop (v2sf)  }
0x1ef: {  	s0 =	sand.u32 $0x1FFFFFF8, s0;
	s1 =	sand.u32 $0x1FFFFFF8, s1  }
0x1f0: {  	s0 =	sadd.s32 s5, s0;
	s1 =	sadd.s32 s4, s1  }
0x1f1: {  	[hbm:s0], [sflag:s30] =	dma.local [hbm:s1], $0x8  }
0x1f2: {  	(v2sf) =	vpush v5, $0x2  }
0x1f3: {  	(v2sf) =	vpush v6, $0x2;
	_ =	sdelay $0xd  }
0x1f4: {  	s0 =	spop (v2sf)  }
0x1f5: {  	s1 =	spop (v2sf)  }
0x1f6: {  	s0 =	sand.u32 $0x1FFFFFF8, s0;
	s1 =	sand.u32 $0x1FFFFFF8, s1  }
0x1f7: {  	s0 =	sadd.s32 s5, s0;
	s1 =	sadd.s32 s4, s1  }
0x1f8: {  	[hbm:s0], [sflag:s30] =	dma.local [hbm:s1], $0x8  }
0x1f9: {  	(v2sf) =	vpush v5, $0x3  }
0x1fa: {  	(v2sf) =	vpush v6, $0x3;
	_ =	sdelay $0xd  }
0x1fb: {  	s0 =	spop (v2sf)  }
0x1fc: {  	s1 =	spop (v2sf)  }
0x1fd: {  	s0 =	sand.u32 $0x1FFFFFF8, s0;
	s1 =	sand.u32 $0x1FFFFFF8, s1  }
0x1fe: {  	s0 =	sadd.s32 s5, s0;
	s1 =	sadd.s32 s4, s1  }
0x1ff: {  	[hbm:s0], [sflag:s30] =	dma.local [hbm:s1], $0x8  }
0x200: {  	(v2sf) =	vpush v5, $0x4  }
0x201: {  	(v2sf) =	vpush v6, $0x4;
	_ =	sdelay $0xd  }
0x202: {  	s0 =	spop (v2sf)  }
0x203: {  	s1 =	spop (v2sf)  }
0x204: {  	s0 =	sand.u32 $0x1FFFFFF8, s0;
	s1 =	sand.u32 $0x1FFFFFF8, s1  }
0x205: {  	s0 =	sadd.s32 s5, s0;
	s1 =	sadd.s32 s4, s1  }
0x206: {  	[hbm:s0], [sflag:s30] =	dma.local [hbm:s1], $0x8  }
0x207: {  	(v2sf) =	vpush v5, $0x5  }
0x208: {  	(v2sf) =	vpush v6, $0x5;
	_ =	sdelay $0xd  }
0x209: {  	s0 =	spop (v2sf)  }
0x20a: {  	s1 =	spop (v2sf)  }
0x20b: {  	s0 =	sand.u32 $0x1FFFFFF8, s0;
	s1 =	sand.u32 $0x1FFFFFF8, s1  }
0x20c: {  	s0 =	sadd.s32 s5, s0;
	s1 =	sadd.s32 s4, s1  }
0x20d: {  	[hbm:s0], [sflag:s30] =	dma.local [hbm:s1], $0x8  }
0x20e: {  	(v2sf) =	vpush v5, $0x6  }
0x20f: {  	(v2sf) =	vpush v6, $0x6;
	_ =	sdelay $0xd  }
0x210: {  	s0 =	spop (v2sf)  }
0x211: {  	s1 =	spop (v2sf)  }
0x212: {  	s0 =	sand.u32 $0x1FFFFFF8, s0;
	s1 =	sand.u32 $0x1FFFFFF8, s1  }
0x213: {  	s0 =	sadd.s32 s5, s0;
	s1 =	sadd.s32 s4, s1  }
0x214: {  	[hbm:s0], [sflag:s30] =	dma.local [hbm:s1], $0x8  }
0x215: {  	(v2sf) =	vpush v5, $0x7  }
0x216: {  	(v2sf) =	vpush v6, $0x7;
	_ =	sdelay $0xd  }
0x217: {  	s0 =	spop (v2sf)  }
0x218: {  	s1 =	spop (v2sf)  }
0x219: {  	s0 =	sand.u32 $0x1FFFFFF8, s0;
	s1 =	sand.u32 $0x1FFFFFF8, s1  }
0x21a: {  	s0 =	sadd.s32 s5, s0;
	s1 =	sadd.s32 s4, s1  }
0x21b: {  	[hbm:s0], [sflag:s30] =	dma.local [hbm:s1], $0x8  }
0x21c: {  	(v2sf) =	vpush v5, $0x8  }
0x21d: {  	(v2sf) =	vpush v6, $0x8;
	_ =	sdelay $0xd  }
0x21e: {  	s0 =	spop (v2sf)  }
0x21f: {  	s1 =	spop (v2sf)  }
0x220: {  	s0 =	sand.u32 $0x1FFFFFF8, s0;
	s1 =	sand.u32 $0x1FFFFFF8, s1  }
0x221: {  	s0 =	sadd.s32 s5, s0;
	s1 =	sadd.s32 s4, s1  }
0x222: {  	[hbm:s0], [sflag:s30] =	dma.local [hbm:s1], $0x8  }
0x223: {  	(v2sf) =	vpush v5, $0x9  }
0x224: {  	(v2sf) =	vpush v6, $0x9;
	_ =	sdelay $0xd  }
0x225: {  	s0 =	spop (v2sf)  }
0x226: {  	s1 =	spop (v2sf)  }
0x227: {  	s0 =	sand.u32 $0x1FFFFFF8, s0;
	s1 =	sand.u32 $0x1FFFFFF8, s1  }
0x228: {  	s0 =	sadd.s32 s5, s0;
	s1 =	sadd.s32 s4, s1  }
0x229: {  	[hbm:s0], [sflag:s30] =	dma.local [hbm:s1], $0x8  }
0x22a: {  	(v2sf) =	vpush v5, $0xA  }
0x22b: {  	(v2sf) =	vpush v6, $0xA;
	_ =	sdelay $0xd  }
0x22c: {  	s0 =	spop (v2sf)  }
0x22d: {  	s1 =	spop (v2sf)  }
0x22e: {  	s0 =	sand.u32 $0x1FFFFFF8, s0;
	s1 =	sand.u32 $0x1FFFFFF8, s1  }
0x22f: {  	s0 =	sadd.s32 s5, s0;
	s1 =	sadd.s32 s4, s1  }
0x230: {  	[hbm:s0], [sflag:s30] =	dma.local [hbm:s1], $0x8  }
0x231: {  	(v2sf) =	vpush v5, $0xB  }
0x232: {  	(v2sf) =	vpush v6, $0xB;
	_ =	sdelay $0xd  }
0x233: {  	s0 =	spop (v2sf)  }
0x234: {  	s1 =	spop (v2sf)  }
0x235: {  	s0 =	sand.u32 $0x1FFFFFF8, s0;
	s1 =	sand.u32 $0x1FFFFFF8, s1  }
0x236: {  	s0 =	sadd.s32 s5, s0;
	s1 =	sadd.s32 s4, s1  }
0x237: {  	[hbm:s0], [sflag:s30] =	dma.local [hbm:s1], $0x8  }
0x238: {  	(v2sf) =	vpush v5, $0xC  }
0x239: {  	(v2sf) =	vpush v6, $0xC;
	_ =	sdelay $0xd  }
0x23a: {  	s0 =	spop (v2sf)  }
0x23b: {  	s1 =	spop (v2sf)  }
0x23c: {  	s0 =	sand.u32 $0x1FFFFFF8, s0;
	s1 =	sand.u32 $0x1FFFFFF8, s1  }
0x23d: {  	s0 =	sadd.s32 s5, s0;
	s1 =	sadd.s32 s4, s1  }
0x23e: {  	[hbm:s0], [sflag:s30] =	dma.local [hbm:s1], $0x8  }
0x23f: {  	(v2sf) =	vpush v5, $0xD  }
0x240: {  	(v2sf) =	vpush v6, $0xD;
	_ =	sdelay $0xd  }
0x241: {  	s0 =	spop (v2sf)  }
0x242: {  	s1 =	spop (v2sf)  }
0x243: {  	s0 =	sand.u32 $0x1FFFFFF8, s0;
	s1 =	sand.u32 $0x1FFFFFF8, s1  }
0x244: {  	s0 =	sadd.s32 s5, s0;
	s1 =	sadd.s32 s4, s1  }
0x245: {  	[hbm:s0], [sflag:s30] =	dma.local [hbm:s1], $0x8  }
0x246: {  	(v2sf) =	vpush v5, $0xE  }
0x247: {  	(v2sf) =	vpush v6, $0xE;
	_ =	sdelay $0xd  }
0x248: {  	s0 =	spop (v2sf)  }
0x249: {  	s1 =	spop (v2sf)  }
0x24a: {  	s0 =	sand.u32 $0x1FFFFFF8, s0;
	s1 =	sand.u32 $0x1FFFFFF8, s1  }
0x24b: {  	s0 =	sadd.s32 s5, s0;
	s1 =	sadd.s32 s4, s1  }
0x24c: {  	[hbm:s0], [sflag:s30] =	dma.local [hbm:s1], $0x8  }
0x24d: {  	(v2sf) =	vpush v5, $0xF  }
0x24e: {  	(v2sf) =	vpush v6, $0xF;
	_ =	sdelay $0xd  }
0x24f: {  	s0 =	spop (v2sf)  }
0x250: {  	s1 =	spop (v2sf)  }
0x251: {  	s0 =	sand.u32 $0x1FFFFFF8, s0;
	s1 =	sand.u32 $0x1FFFFFF8, s1  }
0x252: {  	s0 =	sadd.s32 s5, s0;
	s1 =	sadd.s32 s4, s1  }
0x253: {  	[hbm:s0], [sflag:s30] =	dma.local [hbm:s1], $0x8  }
0x254: {  	v5 =	vld [tilespmem:s29+$0x10]  }
0x255: {  	v6 =	vld [tilespmem:s28+$0x10];
	_ =	sdelay $0x3  }
0x256: {  	v5 =	vshll.u32 v5, $0x3  }
0x257: {  	v6 =	vshll.u32 v6, $0x3;
	(v2sf) =	vpush v5, $0x0  }
0x258: {  	(v2sf) =	vpush v6, $0x0;
	_ =	sdelay $0xd  }
0x259: {  	s0 =	spop (v2sf)  }
0x25a: {  	s1 =	spop (v2sf)  }
0x25b: {  	s0 =	sand.u32 $0x1FFFFFF8, s0;
	s1 =	sand.u32 $0x1FFFFFF8, s1  }
0x25c: {  	s0 =	sadd.s32 s5, s0;
	s1 =	sadd.s32 s4, s1  }
0x25d: {  	[hbm:s0], [sflag:s30] =	dma.local [hbm:s1], $0x8  }
0x25e: {  	(v2sf) =	vpush v5, $0x1  }
0x25f: {  	(v2sf) =	vpush v6, $0x1;
	_ =	sdelay $0xd  }
0x260: {  	s0 =	spop (v2sf)  }
0x261: {  	s1 =	spop (v2sf)  }
0x262: {  	s0 =	sand.u32 $0x1FFFFFF8, s0;
	s1 =	sand.u32 $0x1FFFFFF8, s1  }
0x263: {  	s0 =	sadd.s32 s5, s0;
	s1 =	sadd.s32 s4, s1  }
0x264: {  	[hbm:s0], [sflag:s30] =	dma.local [hbm:s1], $0x8  }
0x265: {  	(v2sf) =	vpush v5, $0x2  }
0x266: {  	(v2sf) =	vpush v6, $0x2;
	_ =	sdelay $0xd  }
0x267: {  	s0 =	spop (v2sf)  }
0x268: {  	s1 =	spop (v2sf)  }
0x269: {  	s0 =	sand.u32 $0x1FFFFFF8, s0;
	s1 =	sand.u32 $0x1FFFFFF8, s1  }
0x26a: {  	s0 =	sadd.s32 s5, s0;
	s1 =	sadd.s32 s4, s1  }
0x26b: {  	[hbm:s0], [sflag:s30] =	dma.local [hbm:s1], $0x8  }
0x26c: {  	(v2sf) =	vpush v5, $0x3  }
0x26d: {  	(v2sf) =	vpush v6, $0x3;
	_ =	sdelay $0xd  }
0x26e: {  	s0 =	spop (v2sf)  }
0x26f: {  	s1 =	spop (v2sf)  }
0x270: {  	s0 =	sand.u32 $0x1FFFFFF8, s0;
	s1 =	sand.u32 $0x1FFFFFF8, s1  }
0x271: {  	s0 =	sadd.s32 s5, s0;
	s1 =	sadd.s32 s4, s1  }
0x272: {  	[hbm:s0], [sflag:s30] =	dma.local [hbm:s1], $0x8  }
0x273: {  	(v2sf) =	vpush v5, $0x4  }
0x274: {  	(v2sf) =	vpush v6, $0x4;
	_ =	sdelay $0xd  }
0x275: {  	s0 =	spop (v2sf)  }
0x276: {  	s1 =	spop (v2sf)  }
0x277: {  	s0 =	sand.u32 $0x1FFFFFF8, s0;
	s1 =	sand.u32 $0x1FFFFFF8, s1  }
0x278: {  	s0 =	sadd.s32 s5, s0;
	s1 =	sadd.s32 s4, s1  }
0x279: {  	[hbm:s0], [sflag:s30] =	dma.local [hbm:s1], $0x8  }
0x27a: {  	(v2sf) =	vpush v5, $0x5  }
0x27b: {  	(v2sf) =	vpush v6, $0x5;
	_ =	sdelay $0xd  }
0x27c: {  	s0 =	spop (v2sf)  }
0x27d: {  	s1 =	spop (v2sf)  }
0x27e: {  	s0 =	sand.u32 $0x1FFFFFF8, s0;
	s1 =	sand.u32 $0x1FFFFFF8, s1  }
0x27f: {  	s0 =	sadd.s32 s5, s0;
	s1 =	sadd.s32 s4, s1  }
0x280: {  	[hbm:s0], [sflag:s30] =	dma.local [hbm:s1], $0x8  }
0x281: {  	(v2sf) =	vpush v5, $0x6  }
0x282: {  	(v2sf) =	vpush v6, $0x6;
	_ =	sdelay $0xd  }
0x283: {  	s0 =	spop (v2sf)  }
0x284: {  	s1 =	spop (v2sf)  }
0x285: {  	s0 =	sand.u32 $0x1FFFFFF8, s0;
	s1 =	sand.u32 $0x1FFFFFF8, s1  }
0x286: {  	s0 =	sadd.s32 s5, s0;
	s1 =	sadd.s32 s4, s1  }
0x287: {  	[hbm:s0], [sflag:s30] =	dma.local [hbm:s1], $0x8  }
0x288: {  	(v2sf) =	vpush v5, $0x7  }
0x289: {  	(v2sf) =	vpush v6, $0x7;
	_ =	sdelay $0xd  }
0x28a: {  	s0 =	spop (v2sf)  }
0x28b: {  	s1 =	spop (v2sf)  }
0x28c: {  	s0 =	sand.u32 $0x1FFFFFF8, s0;
	s1 =	sand.u32 $0x1FFFFFF8, s1  }
0x28d: {  	s0 =	sadd.s32 s5, s0;
	s1 =	sadd.s32 s4, s1  }
0x28e: {  	[hbm:s0], [sflag:s30] =	dma.local [hbm:s1], $0x8  }
0x28f: {  	(v2sf) =	vpush v5, $0x8  }
0x290: {  	(v2sf) =	vpush v6, $0x8;
	_ =	sdelay $0xd  }
0x291: {  	s0 =	spop (v2sf)  }
0x292: {  	s1 =	spop (v2sf)  }
0x293: {  	s0 =	sand.u32 $0x1FFFFFF8, s0;
	s1 =	sand.u32 $0x1FFFFFF8, s1  }
0x294: {  	s0 =	sadd.s32 s5, s0;
	s1 =	sadd.s32 s4, s1  }
0x295: {  	[hbm:s0], [sflag:s30] =	dma.local [hbm:s1], $0x8  }
0x296: {  	(v2sf) =	vpush v5, $0x9  }
0x297: {  	(v2sf) =	vpush v6, $0x9;
	_ =	sdelay $0xd  }
0x298: {  	s0 =	spop (v2sf)  }
0x299: {  	s1 =	spop (v2sf)  }
0x29a: {  	s0 =	sand.u32 $0x1FFFFFF8, s0;
	s1 =	sand.u32 $0x1FFFFFF8, s1  }
0x29b: {  	s0 =	sadd.s32 s5, s0;
	s1 =	sadd.s32 s4, s1  }
0x29c: {  	[hbm:s0], [sflag:s30] =	dma.local [hbm:s1], $0x8  }
0x29d: {  	(v2sf) =	vpush v5, $0xA  }
0x29e: {  	(v2sf) =	vpush v6, $0xA;
	_ =	sdelay $0xd  }
0x29f: {  	s0 =	spop (v2sf)  }
0x2a0: {  	s1 =	spop (v2sf)  }
0x2a1: {  	s0 =	sand.u32 $0x1FFFFFF8, s0;
	s1 =	sand.u32 $0x1FFFFFF8, s1  }
0x2a2: {  	s0 =	sadd.s32 s5, s0;
	s1 =	sadd.s32 s4, s1  }
0x2a3: {  	[hbm:s0], [sflag:s30] =	dma.local [hbm:s1], $0x8  }
0x2a4: {  	(v2sf) =	vpush v5, $0xB  }
0x2a5: {  	(v2sf) =	vpush v6, $0xB;
	_ =	sdelay $0xd  }
0x2a6: {  	s0 =	spop (v2sf)  }
0x2a7: {  	s1 =	spop (v2sf)  }
0x2a8: {  	s0 =	sand.u32 $0x1FFFFFF8, s0;
	s1 =	sand.u32 $0x1FFFFFF8, s1  }
0x2a9: {  	s0 =	sadd.s32 s5, s0;
	s1 =	sadd.s32 s4, s1  }
0x2aa: {  	[hbm:s0], [sflag:s30] =	dma.local [hbm:s1], $0x8  }
0x2ab: {  	(v2sf) =	vpush v5, $0xC  }
0x2ac: {  	(v2sf) =	vpush v6, $0xC;
	_ =	sdelay $0xd  }
0x2ad: {  	s0 =	spop (v2sf)  }
0x2ae: {  	s1 =	spop (v2sf)  }
0x2af: {  	s0 =	sand.u32 $0x1FFFFFF8, s0;
	s1 =	sand.u32 $0x1FFFFFF8, s1  }
0x2b0: {  	s0 =	sadd.s32 s5, s0;
	s1 =	sadd.s32 s4, s1  }
0x2b1: {  	[hbm:s0], [sflag:s30] =	dma.local [hbm:s1], $0x8  }
0x2b2: {  	(v2sf) =	vpush v5, $0xD  }
0x2b3: {  	(v2sf) =	vpush v6, $0xD;
	_ =	sdelay $0xd  }
0x2b4: {  	s0 =	spop (v2sf)  }
0x2b5: {  	s1 =	spop (v2sf)  }
0x2b6: {  	s0 =	sand.u32 $0x1FFFFFF8, s0;
	s1 =	sand.u32 $0x1FFFFFF8, s1  }
0x2b7: {  	s0 =	sadd.s32 s5, s0;
	s1 =	sadd.s32 s4, s1  }
0x2b8: {  	[hbm:s0], [sflag:s30] =	dma.local [hbm:s1], $0x8  }
0x2b9: {  	(v2sf) =	vpush v5, $0xE  }
0x2ba: {  	(v2sf) =	vpush v6, $0xE;
	_ =	sdelay $0xd  }
0x2bb: {  	s0 =	spop (v2sf)  }
0x2bc: {  	s1 =	spop (v2sf)  }
0x2bd: {  	s0 =	sand.u32 $0x1FFFFFF8, s0;
	s1 =	sand.u32 $0x1FFFFFF8, s1  }
0x2be: {  	s0 =	sadd.s32 s5, s0;
	s1 =	sadd.s32 s4, s1  }
0x2bf: {  	[hbm:s0], [sflag:s30] =	dma.local [hbm:s1], $0x8  }
0x2c0: {  	(v2sf) =	vpush v5, $0xF  }
0x2c1: {  	(v2sf) =	vpush v6, $0xF;
	_ =	sdelay $0xd  }
0x2c2: {  	s0 =	spop (v2sf)  }
0x2c3: {  	s1 =	spop (v2sf)  }
0x2c4: {  	s0 =	sand.u32 $0x1FFFFFF8, s0;
	s1 =	sand.u32 $0x1FFFFFF8, s1  }
0x2c5: {  	s0 =	sadd.s32 s5, s0;
	s1 =	sadd.s32 s4, s1  }
0x2c6: {  	[hbm:s0], [sflag:s30] =	dma.local [hbm:s1], $0x8  }
0x2c7: {  	_ =	swait.ge [sflag:s16], $0x8  }
0x2c8: {  	[sflag:s16] =	ssyncset.done $0x0  }
0x2c9: {  	[sflag:s16] =	ssyncadd.s32 $0xFFFFFFF8  }
0x2ca: {  	_ =	swait.ge [sflag:s16], $0x8  }
0x2cb: {  	[sflag:s16] =	ssyncset.done $0x0  }
0x2cc: {  	[sflag:s16] =	ssyncadd.s32 $0xFFFFFFF8  }
0x2cd: {  	_ =	swait.ge [sflag:s16], $0x8  }
0x2ce: {  	[sflag:s16] =	ssyncset.done $0x0  }
0x2cf: {  	[sflag:s16] =	ssyncadd.s32 $0xFFFFFFF8  }
0x2d0: {  	_ =	swait.ge [sflag:s16], $0x8  }
0x2d1: {  	[sflag:s16] =	ssyncset.done $0x0  }
0x2d2: {  	[sflag:s16] =	ssyncadd.s32 $0xFFFFFFF8  }
0x2d3: {  	_ =	swait.ge [sflag:s16], $0x8  }
0x2d4: {  	[sflag:s16] =	ssyncset.done $0x0  }
0x2d5: {  	[sflag:s16] =	ssyncadd.s32 $0xFFFFFFF8  }
0x2d6: {  	_ =	swait.ge [sflag:s16], $0x8  }
0x2d7: {  	[sflag:s16] =	ssyncset.done $0x0  }
0x2d8: {  	[sflag:s16] =	ssyncadd.s32 $0xFFFFFFF8  }
0x2d9: {  	_ =	swait.ge [sflag:s16], $0x8  }
0x2da: {  	[sflag:s16] =	ssyncset.done $0x0  }
0x2db: {  	[sflag:s16] =	ssyncadd.s32 $0xFFFFFFF8  }
0x2dc: {  	_ =	swait.ge [sflag:s16], $0x8  }
0x2dd: {  	[sflag:s16] =	ssyncset.done $0x0  }
0x2de: {  	[sflag:s16] =	ssyncadd.s32 $0xFFFFFFF8  }
0x2df: {  	_ =	swait.ge [sflag:s16], $0x8  }
0x2e0: {  	[sflag:s16] =	ssyncset.done $0x0  }
0x2e1: {  	[sflag:s16] =	ssyncadd.s32 $0xFFFFFFF8  }
0x2e2: {  	_ =	swait.ge [sflag:s16], $0x8  }
0x2e3: {  	[sflag:s16] =	ssyncset.done $0x0  }
0x2e4: {  	[sflag:s16] =	ssyncadd.s32 $0xFFFFFFF8  }
0x2e5: {  	_ =	swait.ge [sflag:s16], $0x8  }
0x2e6: {  	[sflag:s16] =	ssyncset.done $0x0  }
0x2e7: {  	[sflag:s16] =	ssyncadd.s32 $0xFFFFFFF8  }
0x2e8: {  	_ =	swait.ge [sflag:s16], $0x8  }
0x2e9: {  	[sflag:s16] =	ssyncset.done $0x0  }
0x2ea: {  	[sflag:s16] =	ssyncadd.s32 $0xFFFFFFF8  }
0x2eb: {  	_ =	swait.ge [sflag:s16], $0x8  }
0x2ec: {  	[sflag:s16] =	ssyncset.done $0x0  }
0x2ed: {  	[sflag:s16] =	ssyncadd.s32 $0xFFFFFFF8  }
0x2ee: {  	_ =	swait.ge [sflag:s16], $0x8  }
0x2ef: {  	[sflag:s16] =	ssyncset.done $0x0  }
0x2f0: {  	[sflag:s16] =	ssyncadd.s32 $0xFFFFFFF8  }
0x2f1: {  	_ =	swait.ge [sflag:s16], $0x8  }
0x2f2: {  	[sflag:s16] =	ssyncset.done $0x0  }
0x2f3: {  	[sflag:s16] =	ssyncadd.s32 $0xFFFFFFF8  }
0x2f4: {  	_ =	swait.ge [sflag:s16], $0x8  }
0x2f5: {  	[sflag:s16] =	ssyncset.done $0x0  }
0x2f6: {  	[sflag:s16] =	ssyncadd.s32 $0xFFFFFFF8  }
0x2f7: {  	_ =	swait.ge [sflag:s16], $0x8  }
0x2f8: {  	[sflag:s16] =	ssyncset.done $0x0  }
0x2f9: {  	[sflag:s16] =	ssyncadd.s32 $0xFFFFFFF8  }
0x2fa: {  	_ =	swait.ge [sflag:s16], $0x8  }
0x2fb: {  	[sflag:s16] =	ssyncset.done $0x0  }
0x2fc: {  	[sflag:s16] =	ssyncadd.s32 $0xFFFFFFF8  }
0x2fd: {  	_ =	swait.ge [sflag:s16], $0x8  }
0x2fe: {  	[sflag:s16] =	ssyncset.done $0x0  }
0x2ff: {  	[sflag:s16] =	ssyncadd.s32 $0xFFFFFFF8  }
0x300: {  	_ =	swait.ge [sflag:s16], $0x8  }
0x301: {  	[sflag:s16] =	ssyncset.done $0x0  }
0x302: {  	[sflag:s16] =	ssyncadd.s32 $0xFFFFFFF8  }
0x303: {  	_ =	swait.ge [sflag:s16], $0x8  }
0x304: {  	[sflag:s16] =	ssyncset.done $0x0  }
0x305: {  	[sflag:s16] =	ssyncadd.s32 $0xFFFFFFF8  }
0x306: {  	_ =	swait.ge [sflag:s16], $0x8  }
0x307: {  	[sflag:s16] =	ssyncset.done $0x0  }
0x308: {  	[sflag:s16] =	ssyncadd.s32 $0xFFFFFFF8  }
0x309: {  	_ =	swait.ge [sflag:s16], $0x8  }
0x30a: {  	[sflag:s16] =	ssyncset.done $0x0  }
0x30b: {  	[sflag:s16] =	ssyncadd.s32 $0xFFFFFFF8  }
0x30c: {  	_ =	swait.ge [sflag:s16], $0x8  }
0x30d: {  	[sflag:s16] =	ssyncset.done $0x0  }
0x30e: {  	[sflag:s16] =	ssyncadd.s32 $0xFFFFFFF8  }
0x30f: {  	_ =	swait.ge [sflag:s16], $0x8  }
0x310: {  	[sflag:s16] =	ssyncset.done $0x0  }
0x311: {  	[sflag:s16] =	ssyncadd.s32 $0xFFFFFFF8  }
0x312: {  	_ =	swait.ge [sflag:s16], $0x8  }
0x313: {  	[sflag:s16] =	ssyncset.done $0x0  }
0x314: {  	[sflag:s16] =	ssyncadd.s32 $0xFFFFFFF8  }
0x315: {  	_ =	swait.ge [sflag:s16], $0x8  }
0x316: {  	[sflag:s16] =	ssyncset.done $0x0  }
0x317: {  	[sflag:s16] =	ssyncadd.s32 $0xFFFFFFF8  }
0x318: {  	_ =	swait.ge [sflag:s16], $0x8  }
0x319: {  	[sflag:s16] =	ssyncset.done $0x0  }
0x31a: {  	[sflag:s16] =	ssyncadd.s32 $0xFFFFFFF8  }
0x31b: {  	_ =	swait.ge [sflag:s16], $0x8  }
0x31c: {  	[sflag:s16] =	ssyncset.done $0x0  }
0x31d: {  	[sflag:s16] =	ssyncadd.s32 $0xFFFFFFF8  }
0x31e: {  	_ =	swait.ge [sflag:s16], $0x8  }
0x31f: {  	[sflag:s16] =	ssyncset.done $0x0  }
0x320: {  	[sflag:s16] =	ssyncadd.s32 $0xFFFFFFF8  }
0x321: {  	_ =	swait.ge [sflag:s16], $0x8  }
0x322: {  	[sflag:s16] =	ssyncset.done $0x0  }
0x323: {  	[sflag:s16] =	ssyncadd.s32 $0xFFFFFFF8  }
0x324: {  	_ =	swait.ge [sflag:s16], $0x8  }
0x325: {  	[sflag:s16] =	ssyncset.done $0x0  }
0x326: {  	[sflag:s16] =	ssyncadd.s32 $0xFFFFFFF8  }
0x327: {  	_ =	swait.ge [sflag:s16], $0x8  }
0x328: {  	[sflag:s16] =	ssyncset.done $0x0  }
0x329: {  	[sflag:s16] =	ssyncadd.s32 $0xFFFFFFF8  }
0x32a: {  	_ =	swait.ge [sflag:s16], $0x8  }
0x32b: {  	[sflag:s16] =	ssyncset.done $0x0  }
0x32c: {  	[sflag:s16] =	ssyncadd.s32 $0xFFFFFFF8  }
0x32d: {  	_ =	swait.ge [sflag:s16], $0x8  }
0x32e: {  	[sflag:s16] =	ssyncset.done $0x0  }
0x32f: {  	[sflag:s16] =	ssyncadd.s32 $0xFFFFFFF8  }
0x330: {  	_ =	swait.ge [sflag:s16], $0x8  }
0x331: {  	[sflag:s16] =	ssyncset.done $0x0  }
0x332: {  	[sflag:s16] =	ssyncadd.s32 $0xFFFFFFF8  }
0x333: {  	_ =	swait.ge [sflag:s16], $0x8  }
0x334: {  	[sflag:s16] =	ssyncset.done $0x0  }
0x335: {  	[sflag:s16] =	ssyncadd.s32 $0xFFFFFFF8  }
0x336: {  	_ =	swait.ge [sflag:s16], $0x8  }
0x337: {  	[sflag:s16] =	ssyncset.done $0x0  }
0x338: {  	[sflag:s16] =	ssyncadd.s32 $0xFFFFFFF8  }
0x339: {  	_ =	swait.ge [sflag:s16], $0x8  }
0x33a: {  	[sflag:s16] =	ssyncset.done $0x0  }
0x33b: {  	[sflag:s16] =	ssyncadd.s32 $0xFFFFFFF8  }
0x33c: {  	_ =	swait.ge [sflag:s16], $0x8  }
0x33d: {  	[sflag:s16] =	ssyncset.done $0x0  }
0x33e: {  	[sflag:s16] =	ssyncadd.s32 $0xFFFFFFF8  }
0x33f: {  	_ =	swait.ge [sflag:s16], $0x8  }
0x340: {  	[sflag:s16] =	ssyncset.done $0x0  }
0x341: {  	[sflag:s16] =	ssyncadd.s32 $0xFFFFFFF8  }
0x342: {  	_ =	swait.ge [sflag:s16], $0x8  }
0x343: {  	[sflag:s16] =	ssyncset.done $0x0  }
0x344: {  	[sflag:s16] =	ssyncadd.s32 $0xFFFFFFF8  }
0x345: {  	_ =	swait.ge [sflag:s16], $0x8  }
0x346: {  	[sflag:s16] =	ssyncset.done $0x0  }
0x347: {  	[sflag:s16] =	ssyncadd.s32 $0xFFFFFFF8  }
0x348: {  	_ =	swait.ge [sflag:s16], $0x8  }
0x349: {  	[sflag:s16] =	ssyncset.done $0x0  }
0x34a: {  	[sflag:s16] =	ssyncadd.s32 $0xFFFFFFF8  }
0x34b: {  	_ =	swait.ge [sflag:s16], $0x8  }
0x34c: {  	[sflag:s16] =	ssyncset.done $0x0  }
0x34d: {  	[sflag:s16] =	ssyncadd.s32 $0xFFFFFFF8  }
0x34e: {  	_ =	swait.ge [sflag:s16], $0x8  }
0x34f: {  	[sflag:s16] =	ssyncset.done $0x0  }
0x350: {  	[sflag:s16] =	ssyncadd.s32 $0xFFFFFFF8  }
0x351: {  	_ =	swait.ge [sflag:s16], $0x8  }
0x352: {  	[sflag:s16] =	ssyncset.done $0x0  }
0x353: {  	[sflag:s16] =	ssyncadd.s32 $0xFFFFFFF8  }
0x354: {  	_ =	swait.ge [sflag:s16], $0x8  }
0x355: {  	[sflag:s16] =	ssyncset.done $0x0  }
0x356: {  	[sflag:s16] =	ssyncadd.s32 $0xFFFFFFF8  }
0x357: {  	_ =	swait.ge [sflag:s16], $0x8  }
0x358: {  	[sflag:s16] =	ssyncset.done $0x0  }
0x359: {  	[sflag:s16] =	ssyncadd.s32 $0xFFFFFFF8  }
0x35a: {  	_ =	swait.ge [sflag:s16], $0x8  }
0x35b: {  	[sflag:s16] =	ssyncset.done $0x0  }
0x35c: {  	[sflag:s16] =	ssyncadd.s32 $0xFFFFFFF8  }
0x35d: {  	_ =	swait.ge [sflag:s16], $0x8  }
0x35e: {  	[sflag:s16] =	ssyncset.done $0x0  }
0x35f: {  	[sflag:s16] =	ssyncadd.s32 $0xFFFFFFF8  }
0x360: {  	_ =	swait.ge [sflag:s16], $0x8  }
0x361: {  	[sflag:s16] =	ssyncset.done $0x0  }
0x362: {  	[sflag:s16] =	ssyncadd.s32 $0xFFFFFFF8  }
0x363: {  	_ =	swait.ge [sflag:s16], $0x8  }
0x364: {  	[sflag:s16] =	ssyncset.done $0x0  }
0x365: {  	[sflag:s16] =	ssyncadd.s32 $0xFFFFFFF8  }
0x366: {  	_ =	swait.ge [sflag:s16], $0x8  }
0x367: {  	[sflag:s16] =	ssyncset.done $0x0  }
0x368: {  	[sflag:s16] =	ssyncadd.s32 $0xFFFFFFF8  }
0x369: {  	_ =	swait.ge [sflag:s16], $0x8  }
0x36a: {  	[sflag:s16] =	ssyncset.done $0x0  }
0x36b: {  	[sflag:s16] =	ssyncadd.s32 $0xFFFFFFF8  }
0x36c: {  	_ =	swait.ge [sflag:s16], $0x8  }
0x36d: {  	[sflag:s16] =	ssyncset.done $0x0  }
0x36e: {  	[sflag:s16] =	ssyncadd.s32 $0xFFFFFFF8  }
0x36f: {  	_ =	swait.ge [sflag:s16], $0x8  }
0x370: {  	[sflag:s16] =	ssyncset.done $0x0  }
0x371: {  	[sflag:s16] =	ssyncadd.s32 $0xFFFFFFF8  }
0x372: {  	_ =	swait.ge [sflag:s16], $0x8  }
0x373: {  	[sflag:s16] =	ssyncset.done $0x0  }
0x374: {  	[sflag:s16] =	ssyncadd.s32 $0xFFFFFFF8  }
0x375: {  	_ =	swait.ge [sflag:s16], $0x8  }
0x376: {  	[sflag:s16] =	ssyncset.done $0x0  }
0x377: {  	[sflag:s16] =	ssyncadd.s32 $0xFFFFFFF8  }
0x378: {  	_ =	swait.ge [sflag:s16], $0x8  }
0x379: {  	[sflag:s16] =	ssyncset.done $0x0  }
0x37a: {  	[sflag:s16] =	ssyncadd.s32 $0xFFFFFFF8  }
0x37b: {  	_ =	swait.ge [sflag:s16], $0x8  }
0x37c: {  	[sflag:s16] =	ssyncset.done $0x0  }
0x37d: {  	[sflag:s16] =	ssyncadd.s32 $0xFFFFFFF8  }
0x37e: {  	_ =	swait.ge [sflag:s16], $0x8  }
0x37f: {  	[sflag:s16] =	ssyncset.done $0x0  }
0x380: {  	[sflag:s16] =	ssyncadd.s32 $0xFFFFFFF8  }
0x381: {  	_ =	swait.ge [sflag:s16], $0x8  }
.Ltmp11:
0x382: {  	[sflag:s16] =	ssyncset.done $0x0;
	(pc) =	sbr.rel .LBB2_14-.Ltmp11, $4  }
0x383: {  	[sflag:s16] =	ssyncadd.s32 $0xFFFFFFF8  }
0x384: {  	_ =	swait.ge [sflag:s16], $0x8  }
0x385: {  	[sflag:s16] =	ssyncset.done $0x0  }
0x386: {  	[sflag:s16] =	ssyncadd.s32 $0xFFFFFFF8  }
.LBB2_16:
0x387: {  	_ =	sfence.sel $0x180000  }
0x388: {  	[bflag:$0x0] =	sbarrier.arrive $0xFFFF  }
0x389: {  	_ =	strace $0x90000047  }
0x38a: {  	[bflag:$0x2] =	sbarrier.arrive $0xFFFF  }
0x38b: {  	p0 =	sne.s32 s2, $0x0;
	s0 =	rddreg [dreg:$0x3]  }
0x38c: {  	s0 =	sadd.s32 @!p0 $0x100000, s0  }
0x38d: {  	[sflag:s0] =	ssyncadd.tile.s32 @!p0 $0x1;
	_ =	shalt  }
.Lfunc_end2:
_tile_overlayer_lowered:
.L_overlay_start_2:
0x38e: {  	(tag) =	ssettag $0x2  }
0x38f: {  	s0 =	rddreg [dreg:$0x0];
	s2 =	stileid.u32  }
0x390: {  	s1 =	rddreg [dreg:$0x1];
	p0 =	sne.s32 s2, $0x0  }
0x391: {  	s3 =	rddreg [dreg:$0x2];
	[bflag:$0x3] =	sbarrier.arrive $0xFFFF;
	s2 =	simm.s32 @!p0 $0x1C05  }
0x392: {  	[timem:s3], [sflag:s2] =	dma.local @!p0 [hbm:s0], s1  }
0x393: {  	s0 =	simm.s32 @!p0 $0x5  }
0x394: {  	_ =	swait.ge @!p0 [sflag:s0], s1  }
0x395: {  	s1 =	ssub.s32 @!p0 $0x0, s1;
	[sflag:s0] =	ssyncset.done @!p0 $0x0  }
0x396: {  	[sflag:s0] =	ssyncadd.s32 @!p0 s1  }
0x397: {  	[bflag:$0x3] =	sbarrier.arrive $0xFFFF  }
0x398: {  	_ =	shalt  }

// kernel: sparse-core-data-format-call.cloned.1.call-start
scs
called_computation_lowered:
.L_overlay_start_0:
0x0: {  	s2 =	sld [smem:$0x3FD9]  }
0x1: {  	s3 =	sld [smem:$0x3FFE];
	_ =	sdelay $0x1  }
0x2: {  	s1 =	srdreg.scid  }
0x3: {  	s0 =	sand.u32 $0x1, s1  }
0x4: {  	s18 =	sshll.u32 s0, $0xA;
	s2 =	sadd.s32 s3, s2  }
0x5: {  	s2 =	sadd.s32 s2, s18  }
0x6: {  	[smem:$0x3FC5] =	sst s2  }
0x7: {  	_ = 	snop  }
0x8: {  	s2 =	sld [smem:$0x3FD0];
	(tm) =	ssettm $0x1  }
0x9: {  	s19 =	sld [smem:$0x3FFB];
	_ =	sdelay $0x3  }
0xa: {  	_ =	strace s19  }
0xb: {  	s3 =	sld [smem:$0x3FFC];
	_ =	sdelay $0x3  }
0xc: {  	_ =	strace s3  }
0xd: {  	s3 =	sld [smem:$0x3FFD];
	_ =	sdelay $0x3  }
0xe: {  	_ =	strace s3  }
0xf: {  	_ =	strace $0x8FFFFFFF  }
0x10: {  	s20 =	sld [smem:$0x3FDB];
	_ =	sdelay $0x1  }
0x11: {  	s4 =	simm.s32 $_scs_section_size  }
0x12: {  	s5 =	simm.s32 $_size__tile_overlayer_lowered;
	s6 =	simm.s32 $_tile_overlayer_lowered  }
0x13: {  	s23 =	simm.s32 $0x1BFF;
	s22 =	sshll.u32 s6, $0x1;
	s3 =	sadd.s32 s4, s20  }
0x14: {  	s7 =	simm.s32 $0x0;
	s21 =	sshll.u32 s5, $0x1;
	s5 =	sadd.s32 s22, s3  }
0x15: {  	[timem:s7], [sflag:s23] =	dma.local [hbm:s5], s21  }
0x16: {  	_ =	swait.ge [sflag:s23], s21  }
0x17: {  	s4 =	ssub.s32 $0x0, s21;
	[sflag:s23] =	ssyncset.done $0x0  }
0x18: {  	[sflag:s23] =	ssyncadd.s32 s4;
	_ =	sdelay $0x1  }
0x19: {  	s24 =	simm.s32 $0x1B8B  }
0x1a: {  	_ =	swait.ge [sflag:s24], $0x1  }
0x1b: {  	[sflag:s24] =	ssyncset.done $0x0  }
0x1c: {  	s26 =	simm.s32 $0x1B8E;
	s25 =	sld [smem:$0x3FFE];
	[sflag:s24] =	ssyncadd.s32 $0xFFFFFFFF  }
0x1d: {  	s27 =	simm.s32 $execute0_lowered;
	[smem:$0x3FD2] =	sst s26  }
0x1e: {  	s5 =	sshll.u32 s27, $0x1;
	_ =	strace $0x80000049;
	[dreg:$0x1] =	wrdreg $0xFFFFFFFF  }
0x1f: {  	s28 =	simm.s32 $_size_execute0_lowered;
	s3 =	sadd.s32 s3, s5;
	[dreg:$0x0] =	wrdreg $0x0  }
0x20: {  	s5 =	sshll.u32 s28, $0x1;
	[dreg:$0x2] =	wrdreg s3  }
0x21: {  	[dreg:$0x3] =	wrdreg s5  }
0x22: {  	[dreg:$0x4] =	wrdreg $0xC0  }
0x23: {  	_ =	task [dreg:s7], $0x5FFFF  }
0x24: {  	[dreg:$0x1] =	wrdreg $0xFFFFFFFF  }
0x25: {  	[dreg:$0x0] =	wrdreg $0x60  }
0x26: {  	[dreg:$0x2] =	wrdreg s25  }
0x27: {  	[dreg:$0x3] =	wrdreg s2  }
0x28: {  	[dreg:$0x4] =	wrdreg $0x9  }
0x29: {  	_ =	task.clear_ibuf [dreg:s7], $0x5FFFF;
	_ =	strace $0x90000049  }
0x2a: {  	s29 =	simm.s32 $0x9;
	_ =	strace $0x8000004B  }
0x2b: {  	_ =	swait.ge [sflag:s29], $0x1  }
0x2c: {  	[sflag:s29] =	ssyncadd.s32 $0xFFFFFFFF  }
0x2d: {  	_ =	strace $0x9000004B  }
0x2e: {  	_ =	sfence  }
0x2f: {  	s30 =	sld [smem:$0x0];
	_ =	sdelay $0x2  }
0x30: {  	s31 =	sshll.u32 s1, $0xD;
	s1 =	sshrl.u32 s1, $0x2  }
0x31: {  	s3 =	sand.u32 $0x4000, s31;
	s1 =	sadd.s32 s1, s30  }
0x32: {  	s0 =	sor.u32 s3, s0;
	s1 =	sshll.u32 s1, $0x11  }
0x33: {  	s0 =	sor.u32 s1, s0  }
0x34: {  	s0 =	sadd.s32 $0x8F2B, s0  }
0x35: {  	[sflag:s0] =	ssyncadd.remote.s32 $0x1  }
0x36: {  	_ =	sfence.sel $0xFFFF  }
0x37: {  	[dreg:$0x0] =	wrdreg $0xFFFFFFFF;
	(pc) =	sbr.abs _section_cstart, $3  }
0x38: {  	[dreg:$0x1] =	wrdreg $0xFFFFFFFF  }
0x39: {  	_ =	task.clear_ibuf [dreg:s7], $0x2FFFF;
	_ =	strace $0x9FFFFFFF  }
0x3a: {  	(tm) =	ssettm $0x7FFFFFFF  }
0x3b: {  	_ =	shalt  }
tec
execute0_lowered:
.L_overlay_start_1:
0x0: {  	(tag) =	ssettag $0x1  }
0x1: {  	s4 =	rddreg [dreg:$0x0]  }
0x2: {  	s0 =	srdreg.scid;
	s2 =	rddreg [dreg:$0x1]  }
0x3: {  	s1 =	stileid.u32;
	s5 =	simm.s32 $0x1;
	s0 =	sshll.u32 s0, $0x4  }
0x4: {  	s7 =	simm.s32 $0x2;
	s11 =	simm.s32 $0x0;
	s3 =	sand.u32 $0x10, s0  }
.Ltmp0:
0x5: {  	p0 =	por $0x0, $0x0;
	s3 =	sor.u32 s1, s3;
	(pc) =	sbr.rel .LBB1_1-.Ltmp0, $4  }
0x6: {  	s8 =	simm.s32 $0x7A1400;
	s10 =	simm.s32 $0x0;
	s3 =	sshll.u32 s3, $0x7  }
0x7: {  	s0 =	rddreg [dreg:$0x2];
	_ =	strace $0x8000004A;
	s6 =	ssub.s32 $0xF4200, s3  }
0x8: {  	s4 =	sadd.s32 $0x7C1C00, s4;
	[sflag:s5] =	ssyncpa.u1 $0x0;
	s6 =	sshrl.u32 s6, $0xC  }
0x9: {  	[sflag:s7] =	ssyncpa.u1 $0x0;
	s9 =	smov.u32 s3;
	s7 =	sadd.s32 $0x2, s6  }
.LBB1_5:
0xa: {  	s13 =	sadd.s32 $0x1000, s9  }
0xb: {  	p2 =	sgt.s32 s13, $0xF423F  }
0xc: {  	s13 =	smov.u32 @p2 s3;
	p2 =	sne.s32 s10, s7  }
.Ltmp1:
0xd: {  	p1 =	slt.u32 s10, $0x2;
	(pc) =	sbr.rel @!p2 .LBB1_6-.Ltmp1, $4  }
0xe: {  	s12 =	simm.s32 @!p1 $0x2  }
0xf: {  	s14 =	sadd.s32 $0x1, s10;
	_ =	swait.ge @!p1 [sflag:s12], $0x2000  }
0x10: {  	s11 =	smov.u32 s9;
	p0 =	por !p0, !p0;
	[sflag:s12] =	ssyncset.done @!p1 $0x0  }
0x11: {  	s10 =	smov.u32 s14;
	s9 =	smov.u32 s13;
	[sflag:s12] =	ssyncadd.s32 @!p1 $0xFFFFE000  }
.LBB1_1:
0x12: {  	p1 =	sgt.u32 s10, s6  }
0x13: {  	s13 =	smov.u32 s9;
	p2 =	sgt.s32 @!p1 s9, $0xF41C0  }
0x14: {  	s12 =	sand.u32 @!p1 $0x1FFFFFF, s9;
	s14 =	sshra.s32 @!p1 s9, $0x1F;
	p2 =	por !p2, p1  }
0x15: {  	s15 =	smulhi.u32 @!p1 $0x218DEF5, s12;
	s14 =	sand.u32 @!p1 s14, s9;
	s13 =	simm.s32 @p2 $0xF41C0  }
0x16: {  	s13 =	ssub.s32 @!p1 s13, s14  }
0x17: {  	s14 =	sshrl.u32 @!p1 s15, $0xD;
	s13 =	sadd.s32 @!p1 $0xFFF0BE40, s13  }
0x18: {  	s15 =	sxor.u32 @!p1 $0xFFFFFFFF, s10;
	s14 =	smul.u32 @!p1 $0xF4240, s14;
	s16 =	sshll.u32 @!p1 s13, $0x8  }
0x19: {  	s15 =	sshll.u32 @!p1 s15, $0xD;
	p2 =	sgt.s32 @!p1 s13, $0x7F;
	s13 =	ssub.s32 @!p1 $0x8000, s16  }
0x1a: {  	s12 =	ssub.s32 @!p1 s12, s14;
	p2 =	por !p2, p1;
	s14 =	sand.u32 @!p1 $0x2000, s15  }
0x1b: {  	s15 =	simm.s32 @!p1 $0x40;
	s13 =	sshrl.u32 @!p1 s13, $0x2;
	s12 =	sshll.u32 @!p1 s12, $0x4  }
0x1c: {  	s16 =	simm.s32 @!p1 $0x80;
	s13 =	simm.s32 @!p2 $0x0;
	s12 =	sadd.s32 @!p1 s4, s12  }
0x1d: {  	[tilespmem:s14], [sflag:$0x1] =	stream.strided.gather @!p1 [hbm4b:s12+s15], s13, s16, s15, $0x38;
	[tilespmem:$0x8080] =	vst v63  }
0x1e: {  	p1 =	seq.s32 s10, $0x0  }
0x1f: {  	p2 =	sge.u32 @!p1 s10, s7  }
0x20: {  	p1 =	por p1, p2  }
.Ltmp2:
0x21: {  	_ = 	snop;
	(pc) =	sbr.rel @p1 .LBB1_5-.Ltmp2, $1  }
0x22: {  	_ =	sdelay $0x3  }
0x23: {  	p1 =	sgt.s32 s11, $0xF41C0;
	s12 =	smov.u32 s11;
	s13 =	sshra.s32 s11, $0x1F  }
0x24: {  	s12 =	simm.s32 @!p1 $0xF41C0;
	s13 =	sand.u32 s13, s11  }
0x25: {  	s12 =	ssub.s32 s12, s13  }
0x26: {  	s12 =	sadd.s32 $0xFFF0BE40, s12  }
0x27: {  	s28 =	sshll.u32 s12, $0x8  }
0x28: {  	s13 =	ssub.s32 $0x8000, s28  }
0x29: {  	p1 =	sgt.s32 s12, $0x7F;
	s12 =	sshrl.u32 s13, $0x2  }
0x2a: {  	s13 =	simm.s32 $0x1;
	s12 =	simm.s32 @p1 $0x0  }
0x2b: {  	s13 =	simm.s32 @!p0 $0x0;
	_ =	swait.ge [sflag:s5], s12  }
0x2c: {  	s14 =	sshll.u32 s13, $0xD;
	s12 =	ssub.s32 $0x0, s12;
	[sflag:s5] =	ssyncset.done $0x0  }
0x2d: {  	s16 =	sor.u32 $0x20, s14;
	[sflag:s5] =	ssyncadd.s32 s12  }
0x2e: {  	s29 =	smul.u32 $0x8100, s13;
	v3 =	vld [tilespmem:s16+$0x10]  }
0x2f: {  	s30 =	sand.u32 $0x1, s10;
	v2 =	vld [tilespmem:s16+$0xFFFFFFF0]  }
0x30: {  	s13 =	smul.u32 $0x8100, s30;
	s12 =	sshrl.u32 s29, $0x2;
	v0 =	vld [tilespmem:s16+$0x0]  }
0x31: {  	s14 =	sor.u32 $0x4000, s12;
	v1 =	vld [tilespmem:s16+$0xFFFFFFE0]  }
0x32: {  	s31 =	sshrl.u32 s13, $0x2;
	s13 =	sadd.s32 $0x0, s14  }
0x33: {  	s15 =	simm.s32 $0x4;
	s12 =	sor.u32 $0x4000, s31;
	s16 =	sadd.s32 $0x40, s16;
	[tilespmem:s13+$0x1830 ss:$0x81] =	vst.msk $0xffff, v3  }
.LBB1_3:
0x34: {  	v3 =	vld [tilespmem:s16+$0x10];
	p1 =	sne.s32 s15, $0x1FC;
	[tilespmem:s13+$0x810 ss:$0x81] =	vst.msk $0xffff, v2;
	s17 =	smov.u32 s15;
	s15 =	sadd.s32 $0x4, s15  }
.Ltmp3:
0x35: {  	v2 =	vld [tilespmem:s16+$0xFFFFFFF0];
	[tilespmem:s13+$0x1020 ss:$0x81] =	vst.msk $0xffff, v0;
	(pc) =	sbr.rel @p1 .LBB1_3-.Ltmp3, $4  }
0x36: {  	v0 =	vld [tilespmem:s16+$0x0];
	[tilespmem:s13+$0x0 ss:$0x81] =	vst.msk $0xffff, v1  }
0x37: {  	s13 =	sshra.s32 s17, $0x2;
	v1 =	vld [tilespmem:s16+$0xFFFFFFE0]  }
0x38: {  	s13 =	sadd.s32 s13, s14  }
0x39: {  	s16 =	sadd.s32 $0x40, s16;
	[tilespmem:s13+$0x1830 ss:$0x81] =	vst.msk $0xffff, v3  }
0x3a: {  	s14 =	sshll.u32 s11, $0x3  }
0x3b: {  	s30 =	sand.u32 $0x7F, s11;
	s14 =	sand.u32 $0xFFFFFC00, s14  }
0x3c: {  	s11 =	sor.u32 s30, s14  }
0x3d: {  	s15 =	smulhi.u32 $0x218D6287, s11;
	_ =	sdelay $0x1  }
0x3e: {  	s14 =	smulhi.u32 $0x218D6287, s14;
	s15 =	sshrl.u32 s15, $0x11  }
0x3f: {  	s15 =	smul.u32 $0xF4280, s15  }
0x40: {  	s14 =	sshrl.u32 s14, $0x11  }
.Ltmp4:
0x41: {  	s14 =	sand.u32 $0x3F, s14;
	s11 =	ssub.s32 s11, s15;
	(pc) =	sbr.rel .LBB1_5-.Ltmp4, $4  }
0x42: {  	[tilespmem:s13+$0x810 ss:$0x81] =	vst.msk $0xffff, v2;
	s14 =	smul.u32 $0x1E850, s14;
	s15 =	sshrl.u32 s11, $0x3;
	s11 =	sand.u32 $0x7, s11  }
0x43: {  	[tilespmem:s13+$0x1020 ss:$0x81] =	vst.msk $0xffff, v0;
	s15 =	sadd.s32 s2, s15;
	s11 =	sshll.u32 s11, $0x12  }
0x44: {  	[tilespmem:s13+$0x0 ss:$0x81] =	vst.msk $0xffff, v1;
	s31 =	sadd.s32 s14, s15;
	s11 =	sor.u32 $0x400, s11  }
0x45: {  	[hbm4b:s31+s11] =	stream.strided.scatter [tilespmem:s12], [sflag:$0x2], $0x2000, s8, s11, $0x20;
	[tilespmem:$0x8080] =	vst v63  }
.LBB1_6:
0x46: {  	_ =	sfence.sel $0x180000  }
0x47: {  	s2 =	simm.s32 $0x1;
	[bflag:$0x0] =	sbarrier.arrive $0xFFFF  }
0x48: {  	s31 =	simm.s32 $0x2;
	[sflag:s2] =	ssyncpa.u1 $0x1  }
0x49: {  	[sflag:s31] =	ssyncpa.u1 $0x1  }
0x4a: {  	p0 =	sne.s32 s1, $0x0;
	_ =	strace $0x9000004A  }
0x4b: {  	s0 =	sadd.s32 @!p0 $0x100000, s0;
	[bflag:$0x2] =	sbarrier.arrive $0xFFFF  }
0x4c: {  	[sflag:s0] =	ssyncadd.tile.s32 @!p0 $0x1;
	_ =	shalt  }
.Lfunc_end1:
_tile_overlayer_lowered:
.L_overlay_start_2:
0x4d: {  	(tag) =	ssettag $0x2  }
0x4e: {  	s0 =	rddreg [dreg:$0x0];
	s2 =	stileid.u32  }
0x4f: {  	s1 =	rddreg [dreg:$0x1];
	p0 =	sne.s32 s2, $0x0  }
0x50: {  	s3 =	rddreg [dreg:$0x2];
	[bflag:$0x3] =	sbarrier.arrive $0xFFFF;
	s2 =	simm.s32 @!p0 $0x1C01  }
0x51: {  	[timem:s3], [sflag:s2] =	dma.local @!p0 [hbm:s0], s1  }
0x52: {  	s0 =	simm.s32 @!p0 $0x1  }
0x53: {  	_ =	swait.ge @!p0 [sflag:s0], s1  }
0x54: {  	s1 =	ssub.s32 @!p0 $0x0, s1;
	[sflag:s0] =	ssyncset.done @!p0 $0x0  }
0x55: {  	[sflag:s0] =	ssyncadd.s32 @!p0 s1  }
0x56: {  	[bflag:$0x3] =	sbarrier.arrive $0xFFFF  }
0x57: {  	_ =	shalt  }

</sc_bundles>
